<compile_context>
chip_gen: v7x
topology: tpu7x:2x2x1
jax: 0.10.2.dev20260603
libtpu: 0.0.44.dev20260713+nightly
codegen_flags: <defaults>
</compile_context>

<pallas_src>
import jax
import jax.numpy as jnp
from jax import lax
from jax.experimental import pallas as pl
from jax.experimental.pallas import tpu as pltpu
from jax.experimental.pallas import tpu_sc as plsc

RS = 3.0
RC = 6.0
N_NODES = 100000
N_EDGES = 1600000
D_EMB = 5
D = D_EMB + 3

NC = 2
NS = 16
NW = NC * NS
L = 16

NPW = N_NODES // NW
ACC_C = 22
ACC_PAD = NPW * ACC_C + 2
EB = 2048
SUB = EB // L
NCHUNK = 625
NGROUP = (NCHUNK + L - 1) // L

GB = 128
EPW_A = 50048
NB_A = EPW_A // GB
NB_LAST = (N_EDGES - (NW - 1) * EPW_A) // GB

_MESH = plsc.VectorSubcoreMesh(core_axis_name="c", subcore_axis_name="s",
                               num_cores=NC, num_subcores=NS)
_PARAMS = pltpu.CompilerParams(use_tc_tiling_on_sc=False,
                               needs_layout_passes=False)


def _rsqrt(t):
    i = plsc.bitcast(t, jnp.int32)
    i = 0x5F3759DF - lax.shift_right_arithmetic(i, 1)
    y = plsc.bitcast(i, jnp.float32)
    for _ in range(4):
        y = y * (1.5 - 0.5 * t * y * y)
    return y


def _aggregate_body(vx_hbm, vy_hbm, vz_hbm, eidx_hbm, wb_hbm, bounds_hbm,
                    node_hbm, vx_v, vy_v, vz_v, eidx_v, wb_v, bounds_v, acc_v,
                    stage_v, semld):
    wid = lax.axis_index("s") * NC + lax.axis_index("c")
    n0 = wid * NPW
    iota = lax.iota(jnp.int32, L)

    pltpu.sync_copy(wb_hbm, wb_v)
    pltpu.sync_copy(bounds_hbm, bounds_v)

    b0 = bounds_v[pl.ds(0, L)]
    b1 = bounds_v[pl.ds(L, L)]
    b2 = bounds_v[pl.ds(2 * L, L)]

    def extract(j):
        vec = jnp.where(j < L, b0, jnp.where(j < 2 * L, b1, b2))
        return jnp.max(jnp.where(iota == j % L, vec, 0))

    e_lo = extract(wid)
    e_hi = extract(wid + 1)
    e_start = (e_lo // 8) * 8
    nb = (e_hi - e_start + EB - 1) // EB

    def zero(i, _):
        acc_v[pl.ds(i * L, L)] = jnp.zeros((L,), jnp.float32)
        return ()
    lax.fori_loop(0, ACC_PAD // L, zero, (), unroll=4)

    wrow = [wb_v[d] for d in range(10)]

    def start_load(i, slot):
        e0 = e_start + i * EB
        for hbm, v in ((vx_hbm, vx_v), (vy_hbm, vy_v), (vz_hbm, vz_v),
                       (eidx_hbm, eidx_v)):
            pltpu.async_copy(hbm.at[pl.ds(e0, EB)], v.at[slot], semld.at[slot])

    def drain_load(i, slot):
        e0 = e_start + i * EB
        for hbm, v in ((vx_hbm, vx_v), (vy_hbm, vy_v), (vz_hbm, vz_v),
                       (eidx_hbm, eidx_v)):
            pltpu.make_async_copy(hbm.at[pl.ds(e0, EB)], v.at[slot],
                                  semld.at[slot]).wait()

    @pl.when(nb > 0)
    def _():
        start_load(0, 0)

    lane0 = iota * SUB

    def chunk(i, _):
        slot = lax.rem(i, 2)
        nslot = lax.rem(i + 1, 2)

        @pl.when(i + 1 < nb)
        def _():
            start_load(i + 1, nslot)

        drain_load(i, slot)
        e0 = e_start + i * EB
        slot_vec = jnp.zeros((L,), jnp.int32) + slot

        def group(j, _):
            row = lane0 + j
            eidx = plsc.load_gather(eidx_v, [slot_vec, row])
            eg = e0 + row
            m = jnp.logical_and(eg >= e_lo, eg < e_hi)
            m_f = jnp.where(m, 1.0, 0.0)
            lidx = jnp.clip(eidx - n0, 0, NPW - 1)

            vx = plsc.load_gather(vx_v, [slot_vec, row])
            vy = plsc.load_gather(vy_v, [slot_vec, row])
            vz = plsc.load_gather(vz_v, [slot_vec, row])

            t = vx * vx + vy * vy + vz * vz
            inv_r = _rsqrt(t)
            r = t * inv_r
            xq = (r - RC) * (1.0 / (RS - RC))
            poly = xq * xq * xq * (10.0 + xq * (-15.0 + 6.0 * xq)) + 1.0
            s = jnp.where(r < RS, inv_r,
                          jnp.where(r < RC, inv_r * poly,
                                    jnp.zeros((L,), jnp.float32)))

            vxm = vx * m_f
            vym = vy * m_f
            vzm = vz * m_f
            base = lidx * ACC_C
            vals = []
            for d in range(D_EMB):
                emb = s * wrow[d] + wrow[D_EMB + d]
                vals += [emb * vxm, emb * vym, emb * vzm]
            vals += [vxm * vx, vxm * vy, vxm * vz, vym * vy, vym * vz,
                     vzm * vz, m_f]
            for j2, v in enumerate(vals):
                plsc.addupdate_scatter(acc_v, [base + j2], v)
            return ()

        lax.fori_loop(0, SUB, group, ())
        return ()

    lax.fori_loop(0, nb, chunk, ())

    def out_chunk(c, _):
        def col_of(d, e):
            return jnp.full((L,), d * D + e, jnp.int32)

        def group(g, _):
            nl = c * NCHUNK + g * L + iota
            lane_ok = (g * L + iota) < NCHUNK
            nl_c = jnp.clip(nl, 0, NPW - 1)
            base = nl_c * ACC_C
            sums = [plsc.load_gather(acc_v, [base + j]) for j in range(ACC_C)]
            cnt = sums[21]
            inv = 1.0 / jnp.maximum(cnt, 1.0)
            mm = [sj * inv for sj in sums[:21]]
            ax = [mm[3 * d] for d in range(D_EMB)] + [mm[15], mm[16], mm[17]]
            ay = [mm[3 * d + 1] for d in range(D_EMB)] + [mm[16], mm[18], mm[19]]
            az = [mm[3 * d + 2] for d in range(D_EMB)] + [mm[17], mm[19], mm[20]]
            srow = g * L + iota
            for d in range(D):
                for e in range(d, D):
                    val = ax[d] * ax[e] + ay[d] * ay[e] + az[d] * az[e]
                    plsc.store_scatter(stage_v, [srow, col_of(d, e)], val,
                                       mask=lane_ok)
                    if e != d:
                        plsc.store_scatter(stage_v, [srow, col_of(e, d)], val,
                                           mask=lane_ok)
            return ()

        lax.fori_loop(0, NGROUP, group, ())
        pltpu.sync_copy(stage_v,
                        node_hbm.at[pl.ds(n0 + c * NCHUNK, NCHUNK)])
        return ()

    lax.fori_loop(0, NPW // NCHUNK, out_chunk, ())


def _aggregate(vx_pad, vy_pad, vz_pad, eidx_pad, wb2d, bounds):
    fn = pl.kernel(
        _aggregate_body,
        out_type=jax.ShapeDtypeStruct((N_NODES, D * D), jnp.float32),
        mesh=_MESH,
        compiler_params=_PARAMS,
        scratch_types=[
            pltpu.VMEM((2, EB), jnp.float32),
            pltpu.VMEM((2, EB), jnp.float32),
            pltpu.VMEM((2, EB), jnp.float32),
            pltpu.VMEM((2, EB), jnp.int32),
            pltpu.VMEM((L, L), jnp.float32),
            pltpu.VMEM((3 * L,), jnp.int32),
            pltpu.VMEM((ACC_PAD,), jnp.float32),
            pltpu.VMEM((NCHUNK, D * D), jnp.float32),
            pltpu.SemaphoreType.DMA((2,)),
        ],
    )
    return fn(vx_pad, vy_pad, vz_pad, eidx_pad, wb2d, bounds)


def _edge_update_body(node_hbm, ei0_hbm, ei1_hbm, out_hbm, idx0_v, idx1_v,
                      rows0_v, rows1_v, ostage_v, semi, semg, semo):
    wid = lax.axis_index("s") * NC + lax.axis_index("c")
    base = wid * EPW_A
    nb = jnp.where(wid < NW - 1, NB_A, NB_LAST)
    iota = lax.iota(jnp.int32, L)

    def start_idx(i, slot):
        off = base + i * GB
        pltpu.async_copy(ei0_hbm.at[pl.ds(off, GB)], idx0_v.at[slot],
                         semi.at[slot])
        pltpu.async_copy(ei1_hbm.at[pl.ds(off, GB)], idx1_v.at[slot],
                         semi.at[slot])

    def drain_idx(i, slot):
        off = base + i * GB
        pltpu.make_async_copy(ei0_hbm.at[pl.ds(off, GB)], idx0_v.at[slot],
                              semi.at[slot]).wait()
        pltpu.make_async_copy(ei1_hbm.at[pl.ds(off, GB)], idx1_v.at[slot],
                              semi.at[slot]).wait()

    def start_gathers(slot):
        pltpu.async_copy(node_hbm.at[idx0_v.at[slot]], rows0_v.at[slot],
                         semg.at[slot])
        pltpu.async_copy(node_hbm.at[idx1_v.at[slot]], rows1_v.at[slot],
                         semg.at[slot])

    def drain_gathers(slot):
        pltpu.make_async_copy(node_hbm.at[idx0_v.at[slot]], rows0_v.at[slot],
                              semg.at[slot]).wait()
        pltpu.make_async_copy(node_hbm.at[idx1_v.at[slot]], rows1_v.at[slot],
                              semg.at[slot]).wait()

    start_idx(0, 0)
    drain_idx(0, 0)
    start_gathers(0)

    @pl.when(nb > 1)
    def _():
        start_idx(1, 1)

    def batch(i, _):
        slot = lax.rem(i, 2)
        nslot = lax.rem(i + 1, 2)

        drain_gathers(slot)

        @pl.when(i + 2 < nb)
        def _():
            start_idx(i + 2, slot)

        @pl.when(i + 1 < nb)
        def _():
            drain_idx(i + 1, nslot)
            start_gathers(nslot)

        @pl.when(i >= 2)
        def _():
            off_prev = base + (i - 2) * GB
            pltpu.make_async_copy(ostage_v.at[slot],
                                  out_hbm.at[pl.ds(off_prev, GB)],
                                  semo.at[slot]).wait()

        def add_row(r, _):
            for k in range(4):
                sl = pl.ds(k * L, L)
                ostage_v[slot, r, sl] = (rows0_v[slot, r, sl]
                                         + rows1_v[slot, r, sl])
            return ()

        lax.fori_loop(0, GB, add_row, (), unroll=2)
        off = base + i * GB
        pltpu.async_copy(ostage_v.at[slot], out_hbm.at[pl.ds(off, GB)],
                         semo.at[slot])
        return ()

    lax.fori_loop(0, nb, batch, ())

    def final_drain(k):
        i_last = nb - 2 + k
        real_slot = lax.rem(i_last, 2)

        @pl.when(i_last >= 0)
        def _():
            off = base + i_last * GB
            pltpu.make_async_copy(ostage_v.at[real_slot],
                                  out_hbm.at[pl.ds(off, GB)],
                                  semo.at[real_slot]).wait()

    final_drain(0)
    final_drain(1)


def _edge_update(node128, ei0, ei1):
    fn = pl.kernel(
        _edge_update_body,
        out_type=jax.ShapeDtypeStruct((N_EDGES, D * D), jnp.float32),
        mesh=_MESH,
        compiler_params=pltpu.CompilerParams(needs_layout_passes=False),
        scratch_types=[
            pltpu.VMEM((2, GB), jnp.int32),
            pltpu.VMEM((2, GB), jnp.int32),
            pltpu.VMEM((2, GB, 2 * D * D), jnp.float32),
            pltpu.VMEM((2, GB, 2 * D * D), jnp.float32),
            pltpu.VMEM((2, GB, D * D), jnp.float32),
            pltpu.SemaphoreType.DMA((2,)),
            pltpu.SemaphoreType.DMA((2,)),
            pltpu.SemaphoreType.DMA((2,)),
        ],
    )
    return fn(node128, ei0, ei1)


def kernel(env_vectors, env_index, edge_index, W_emb, b_emb):
    vx_pad = jnp.pad(env_vectors[:, 0], (0, EB))
    vy_pad = jnp.pad(env_vectors[:, 1], (0, EB))
    vz_pad = jnp.pad(env_vectors[:, 2], (0, EB))
    eidx_pad = jnp.pad(env_index, (0, EB), constant_values=N_NODES)
    wb = jnp.concatenate([W_emb.reshape(-1), b_emb.reshape(-1)])
    wb2d = jnp.tile(wb[:, None], (1, L))
    wb2d = jnp.pad(wb2d, ((0, L - 10), (0, 0)))
    bounds = jnp.searchsorted(env_index,
                              jnp.arange(NW + 1, dtype=jnp.int32) * NPW
                              ).astype(jnp.int32)
    bounds = jnp.pad(bounds, (0, 3 * L - (NW + 1)), constant_values=N_EDGES)

    node = _aggregate(vx_pad, vy_pad, vz_pad, eidx_pad, wb2d, bounds)
    node128 = jnp.pad(node, ((0, 0), (0, D * D)))
    edge = _edge_update(node128, edge_index[0], edge_index[1])
    return node, edge

# --- scband reference (transcript-rebuilt; emitter-appended) ---
"""Pipeline reference for scband-se2-descriptor-28544352650053 (READ-ONLY COPY).

The authoritative reference and input builder live on the scoring server;
editing this copy changes nothing except your own understanding.
"""

import jax, jax.numpy as jnp
import numpy as np

RS = 3.0
RC = 6.0
N_NODES = 100000
N_EDGES = 1600000
D_EMB = 5


def smooth(r, rs, rc):
    # elementwise piecewise smoothing envelope (faithful to the torch math)
    x = (r - rc) / (rs - rc)
    mid = (1.0 / r) * (x ** 3 * (10.0 + x * (-15.0 + 6.0 * x)) + 1.0)
    inner = 1.0 / r
    return jnp.where(r < rs, inner, jnp.where(r < rc, mid, jnp.zeros_like(r)))


def setup_inputs(seed: int = 0) -> dict:
    key = jax.random.key(seed)
    k0, k1, k2, k3, k4 = [jax.random.fold_in(key, i) for i in range(5)]
    env_vectors = jax.random.normal(k0, (N_EDGES, 3), dtype=jnp.float32)
    env_index = jnp.sort(jax.random.randint(k1, (N_EDGES,), 0, N_NODES, dtype=jnp.int64 if jax.config.jax_enable_x64 else jnp.int32)).astype(jnp.int32)
    edge_index = jax.random.randint(k2, (2, N_EDGES), 0, N_NODES).astype(jnp.int32)
    W_emb = jax.random.normal(k3, (1, D_EMB), dtype=jnp.float32)
    b_emb = jax.random.normal(k4, (D_EMB,), dtype=jnp.float32)
    return {"env_vectors": env_vectors, "env_index": env_index, "edge_index": edge_index, "W_emb": W_emb, "b_emb": b_emb}


def reference(env_vectors, env_index, edge_index, W_emb, b_emb):
    # message: smooth(|env|) -> embedding_net -> concat with env_vectors
    r = jnp.linalg.norm(env_vectors, axis=-1, keepdims=True)  # (E, 1)
    snorm = smooth(r, RS, RC)                                 # (E, 1)
    emb = snorm @ W_emb + b_emb                               # (E, D_EMB)
    msg = jnp.concatenate([emb, env_vectors], axis=-1)        # (E, D) with D = D_EMB + 3

    # SE2Aggregation: outer-product with direction vector, then segment-mean over env_index
    direct_vec = msg[:, -3:]                                  # (E, 3)
    x = msg[:, :, None] * direct_vec[:, None, :]              # (E, D, 3)
    summed = jax.ops.segment_sum(x, env_index, num_segments=N_NODES)  # (N, D, 3)
    counts = jax.ops.segment_sum(jnp.ones((x.shape[0],), dtype=x.dtype), env_index, num_segments=N_NODES)
    aggr = summed / jnp.maximum(counts, 1.0)[:, None, None]   # mean reduce, (N, D, 3)

    # update: bmm(aggr, aggr^T) flattened -> (N, D*D)
    node = jnp.einsum('ndk,nek->nde', aggr, aggr)
    node = node.reshape(node.shape[0], -1)

    # edge_update: gather node descriptors at both endpoints and add
    edge = node[edge_index[0]] + node[edge_index[1]]          # (E, D*D)
    return node, edge

if __name__ == "__main__":
    import jax
    _d = setup_inputs()
    print(jax.jit(kernel)(*tuple(_d.values())))

</pallas_src>

<mosaic_0001>
#map = affine_map<(d0, d1) -> (0, 0)>
#map1 = affine_map<(d0, d1) -> (0)>
module attributes {stable_mosaic.version = 14 : i64} {
  func.func @_edge_update_body(%arg0: i32, %arg1: i32, %arg2: memref<100000x128xf32, #tpu.memory_space<hbm>>, %arg3: memref<1600000xi32, #tpu.memory_space<hbm>>, %arg4: memref<1600000xi32, #tpu.memory_space<hbm>>, %arg5: memref<1600000x64xf32, #tpu.memory_space<hbm>>, %arg6: memref<2x128xi32, #tpu.memory_space<vmem>>, %arg7: memref<2x128xi32, #tpu.memory_space<vmem>>, %arg8: memref<2x128x128xf32, #tpu.memory_space<vmem>>, %arg9: memref<2x128x128xf32, #tpu.memory_space<vmem>>, %arg10: memref<2x128x64xf32, #tpu.memory_space<vmem>>, %arg11: memref<2x!tpu.dma_semaphore, #tpu.memory_space<semaphore_mem>>, %arg12: memref<2x!tpu.dma_semaphore, #tpu.memory_space<semaphore_mem>>, %arg13: memref<2x!tpu.dma_semaphore, #tpu.memory_space<semaphore_mem>>) attributes {dimension_semantics = [#tpu.dimension_semantics<core_parallel>, #tpu.dimension_semantics<subcore_parallel>], iteration_bounds = array<i64: 2, 16>, scalar_prefetch = 0 : i64, scratch_operands = 8 : i64, tpu.core_type = #tpu.core_type<sc_vector_subcore>, window_params = [{transform_indices = #map}, {transform_indices = #map1}, {transform_indices = #map1}, {transform_indices = #map}]} {
    %mul3A = arith.constant 2 : i32
    %mul3A_0 = arith.muli %arg1, %mul3A : i32
    %add3A = arith.addi %mul3A_0, %arg0 : i32
    %mul3A_1 = arith.constant 50048 : i32
    %mul3A_2 = arith.muli %add3A, %mul3A_1 : i32
    %lt3A = arith.constant 31 : i32
    %lt3A_3 = arith.cmpi slt, %add3A, %lt3A : i32
    %jit3A = arith.constant 391 : i32
    %jit3A_4 = arith.constant 379 : i32
    %select_n3A = arith.select %lt3A_3, %jit3A, %jit3A_4 : i32
    %iota3A = tpu.iota {dimensions = array<i32: 0>} : vector<16xi32>
    %add3A_5 = arith.constant 0 : i32
    %add3A_6 = arith.addi %mul3A_2, %add3A_5 : i32
    %dma_start3A = arith.constant 0 : i32
    %dma_start3A_7 = arith.constant 0 : i32
    %dma_start3A_8 = arith.constant 0 : i32
    %dma_start3A_9 = tpu.memref_slice %arg6[%dma_start3A, %dma_start3A_8] : memref<2x128xi32, #tpu.memory_space<vmem>> -> memref<1x128xi32, #tpu.memory_space<vmem>>
    %dma_start3A_10 = tpu.memref_squeeze %dma_start3A_9 : memref<1x128xi32, #tpu.memory_space<vmem>> -> memref<128xi32, #tpu.memory_space<vmem>>
    %dma_start3A_11 = tpu.memref_slice %arg3[%add3A_6] : memref<1600000xi32, #tpu.memory_space<hbm>> -> memref<128xi32, #tpu.memory_space<hbm>>
    %dma_start3A_12 = tpu.memref_slice %arg11[%dma_start3A_7] : memref<2x!tpu.dma_semaphore, #tpu.memory_space<semaphore_mem>> -> memref<1x!tpu.dma_semaphore, #tpu.memory_space<semaphore_mem>>
    %dma_start3A_13 = tpu.memref_squeeze %dma_start3A_12 : memref<1x!tpu.dma_semaphore, #tpu.memory_space<semaphore_mem>> -> memref<!tpu.dma_semaphore, #tpu.memory_space<semaphore_mem>>
    %dma_start3A_14 = arith.constant 0 : i32
    %dma_start3A_15 = tpu.memref_slice %arg6[%dma_start3A, %dma_start3A_14] : memref<2x128xi32, #tpu.memory_space<vmem>> -> memref<1x128xi32, #tpu.memory_space<vmem>>
    %dma_start3A_16 = tpu.memref_squeeze %dma_start3A_15 : memref<1x128xi32, #tpu.memory_space<vmem>> -> memref<128xi32, #tpu.memory_space<vmem>>
    %dma_start3A_17 = tpu.memref_slice %arg3[%add3A_6] : memref<1600000xi32, #tpu.memory_space<hbm>> -> memref<128xi32, #tpu.memory_space<hbm>>
    tpu.enqueue_dma source(%dma_start3A_17 : memref<128xi32, #tpu.memory_space<hbm>>) target(%dma_start3A_16 : memref<128xi32, #tpu.memory_space<vmem>>) target_semaphore(%dma_start3A_13 : memref<!tpu.dma_semaphore, #tpu.memory_space<semaphore_mem>>)
    %dma_start3A_18 = arith.constant 0 : i32
    %dma_start3A_19 = arith.constant 0 : i32
    %dma_start3A_20 = arith.constant 0 : i32
    %dma_start3A_21 = tpu.memref_slice %arg7[%dma_start3A_18, %dma_start3A_20] : memref<2x128xi32, #tpu.memory_space<vmem>> -> memref<1x128xi32, #tpu.memory_space<vmem>>
    %dma_start3A_22 = tpu.memref_squeeze %dma_start3A_21 : memref<1x128xi32, #tpu.memory_space<vmem>> -> memref<128xi32, #tpu.memory_space<vmem>>
    %dma_start3A_23 = tpu.memref_slice %arg4[%add3A_6] : memref<1600000xi32, #tpu.memory_space<hbm>> -> memref<128xi32, #tpu.memory_space<hbm>>
    %dma_start3A_24 = tpu.memref_slice %arg11[%dma_start3A_19] : memref<2x!tpu.dma_semaphore, #tpu.memory_space<semaphore_mem>> -> memref<1x!tpu.dma_semaphore, #tpu.memory_space<semaphore_mem>>
    %dma_start3A_25 = tpu.memref_squeeze %dma_start3A_24 : memref<1x!tpu.dma_semaphore, #tpu.memory_space<semaphore_mem>> -> memref<!tpu.dma_semaphore, #tpu.memory_space<semaphore_mem>>
    %dma_start3A_26 = arith.constant 0 : i32
    %dma_start3A_27 = tpu.memref_slice %arg7[%dma_start3A_18, %dma_start3A_26] : memref<2x128xi32, #tpu.memory_space<vmem>> -> memref<1x128xi32, #tpu.memory_space<vmem>>
    %dma_start3A_28 = tpu.memref_squeeze %dma_start3A_27 : memref<1x128xi32, #tpu.memory_space<vmem>> -> memref<128xi32, #tpu.memory_space<vmem>>
    %dma_start3A_29 = tpu.memref_slice %arg4[%add3A_6] : memref<1600000xi32, #tpu.memory_space<hbm>> -> memref<128xi32, #tpu.memory_space<hbm>>
    tpu.enqueue_dma source(%dma_start3A_29 : memref<128xi32, #tpu.memory_space<hbm>>) target(%dma_start3A_28 : memref<128xi32, #tpu.memory_space<vmem>>) target_semaphore(%dma_start3A_25 : memref<!tpu.dma_semaphore, #tpu.memory_space<semaphore_mem>>)
    %add3A_30 = arith.constant 0 : i32
    %add3A_31 = arith.addi %mul3A_2, %add3A_30 : i32
    %dma_wait3A = arith.constant 0 : i32
    %dma_wait3A_32 = arith.constant 0 : i32
    %dma_wait3A_33 = arith.constant 0 : i32
    %dma_wait3A_34 = tpu.memref_slice %arg6[%dma_wait3A, %dma_wait3A_33] : memref<2x128xi32, #tpu.memory_space<vmem>> -> memref<1x128xi32, #tpu.memory_space<vmem>>
    %dma_wait3A_35 = tpu.memref_squeeze %dma_wait3A_34 : memref<1x128xi32, #tpu.memory_space<vmem>> -> memref<128xi32, #tpu.memory_space<vmem>>
    %dma_wait3A_36 = tpu.memref_slice %arg3[%add3A_31] : memref<1600000xi32, #tpu.memory_space<hbm>> -> memref<128xi32, #tpu.memory_space<hbm>>
    %dma_wait3A_37 = tpu.memref_slice %arg11[%dma_wait3A_32] : memref<2x!tpu.dma_semaphore, #tpu.memory_space<semaphore_mem>> -> memref<1x!tpu.dma_semaphore, #tpu.memory_space<semaphore_mem>>
    %dma_wait3A_38 = tpu.memref_squeeze %dma_wait3A_37 : memref<1x!tpu.dma_semaphore, #tpu.memory_space<semaphore_mem>> -> memref<!tpu.dma_semaphore, #tpu.memory_space<semaphore_mem>>
    %dma_wait3A_39 = arith.constant 0 : i32
    %dma_wait3A_40 = tpu.memref_slice %arg6[%dma_wait3A, %dma_wait3A_39] : memref<2x128xi32, #tpu.memory_space<vmem>> -> memref<1x128xi32, #tpu.memory_space<vmem>>
    %dma_wait3A_41 = tpu.memref_squeeze %dma_wait3A_40 : memref<1x128xi32, #tpu.memory_space<vmem>> -> memref<128xi32, #tpu.memory_space<vmem>>
    %dma_wait3A_42 = tpu.memref_slice %arg3[%add3A_31] : memref<1600000xi32, #tpu.memory_space<hbm>> -> memref<128xi32, #tpu.memory_space<hbm>>
    tpu.wait_dma2 semaphore(%dma_wait3A_38 : memref<!tpu.dma_semaphore, #tpu.memory_space<semaphore_mem>>) src(%dma_wait3A_42 : memref<128xi32, #tpu.memory_space<hbm>>) dst(%dma_wait3A_41 : memref<128xi32, #tpu.memory_space<vmem>>)
    %dma_wait3A_43 = arith.constant 0 : i32
    %dma_wait3A_44 = arith.constant 0 : i32
    %dma_wait3A_45 = arith.constant 0 : i32
    %dma_wait3A_46 = tpu.memref_slice %arg7[%dma_wait3A_43, %dma_wait3A_45] : memref<2x128xi32, #tpu.memory_space<vmem>> -> memref<1x128xi32, #tpu.memory_space<vmem>>
    %dma_wait3A_47 = tpu.memref_squeeze %dma_wait3A_46 : memref<1x128xi32, #tpu.memory_space<vmem>> -> memref<128xi32, #tpu.memory_space<vmem>>
    %dma_wait3A_48 = tpu.memref_slice %arg4[%add3A_31] : memref<1600000xi32, #tpu.memory_space<hbm>> -> memref<128xi32, #tpu.memory_space<hbm>>
    %dma_wait3A_49 = tpu.memref_slice %arg11[%dma_wait3A_44] : memref<2x!tpu.dma_semaphore, #tpu.memory_space<semaphore_mem>> -> memref<1x!tpu.dma_semaphore, #tpu.memory_space<semaphore_mem>>
    %dma_wait3A_50 = tpu.memref_squeeze %dma_wait3A_49 : memref<1x!tpu.dma_semaphore, #tpu.memory_space<semaphore_mem>> -> memref<!tpu.dma_semaphore, #tpu.memory_space<semaphore_mem>>
    %dma_wait3A_51 = arith.constant 0 : i32
    %dma_wait3A_52 = tpu.memref_slice %arg7[%dma_wait3A_43, %dma_wait3A_51] : memref<2x128xi32, #tpu.memory_space<vmem>> -> memref<1x128xi32, #tpu.memory_space<vmem>>
    %dma_wait3A_53 = tpu.memref_squeeze %dma_wait3A_52 : memref<1x128xi32, #tpu.memory_space<vmem>> -> memref<128xi32, #tpu.memory_space<vmem>>
    %dma_wait3A_54 = tpu.memref_slice %arg4[%add3A_31] : memref<1600000xi32, #tpu.memory_space<hbm>> -> memref<128xi32, #tpu.memory_space<hbm>>
    tpu.wait_dma2 semaphore(%dma_wait3A_50 : memref<!tpu.dma_semaphore, #tpu.memory_space<semaphore_mem>>) src(%dma_wait3A_54 : memref<128xi32, #tpu.memory_space<hbm>>) dst(%dma_wait3A_53 : memref<128xi32, #tpu.memory_space<vmem>>)
    %dma_start3A_55 = arith.constant 0 : i32
    %dma_start3A_56 = arith.constant 0 : i32
    %dma_start3A_57 = arith.constant 0 : i32
    %dma_start3A_58 = arith.constant 0 : i32
    %dma_start3A_59 = arith.constant 0 : i32
    %dma_start3A_60 = tpu.memref_slice %arg8[%dma_start3A_56, %dma_start3A_58, %dma_start3A_59] : memref<2x128x128xf32, #tpu.memory_space<vmem>> -> memref<1x128x128xf32, #tpu.memory_space<vmem>>
    %dma_start3A_61 = tpu.memref_squeeze %dma_start3A_60 : memref<1x128x128xf32, #tpu.memory_space<vmem>> -> memref<128x128xf32, #tpu.memory_space<vmem>>
    %dma_start3A_62 = arith.constant 0 : i32
    %dma_start3A_63 = tpu.memref_slice %arg6[%dma_start3A_55, %dma_start3A_62] : memref<2x128xi32, #tpu.memory_space<vmem>> -> memref<1x128xi32, #tpu.memory_space<vmem>>
    %dma_start3A_64 = tpu.memref_squeeze %dma_start3A_63 : memref<1x128xi32, #tpu.memory_space<vmem>> -> memref<128xi32, #tpu.memory_space<vmem>>
    %dma_start3A_65 = arith.constant 0 : i32
    %dma_start3A_66 = arith.constant 0 : i32
    %dma_start3A_67 = tpu.memref_slice %arg2[%dma_start3A_65, %dma_start3A_66] : memref<100000x128xf32, #tpu.memory_space<hbm>> -> memref<100000x128xf32, #tpu.memory_space<hbm>>
    %dma_start3A_68 = tpu.memref_slice %arg12[%dma_start3A_57] : memref<2x!tpu.dma_semaphore, #tpu.memory_space<semaphore_mem>> -> memref<1x!tpu.dma_semaphore, #tpu.memory_space<semaphore_mem>>
    %dma_start3A_69 = tpu.memref_squeeze %dma_start3A_68 : memref<1x!tpu.dma_semaphore, #tpu.memory_space<semaphore_mem>> -> memref<!tpu.dma_semaphore, #tpu.memory_space<semaphore_mem>>
    tpu.enqueue_indirect_dma source(%dma_start3A_67 : memref<100000x128xf32, #tpu.memory_space<hbm>>) target(%dma_start3A_61 : memref<128x128xf32, #tpu.memory_space<vmem>>) offsets(%dma_start3A_64 : memref<128xi32, #tpu.memory_space<vmem>>) semaphore(%dma_start3A_69 : memref<!tpu.dma_semaphore, #tpu.memory_space<semaphore_mem>>)
    %dma_start3A_70 = arith.constant 0 : i32
    %dma_start3A_71 = arith.constant 0 : i32
    %dma_start3A_72 = arith.constant 0 : i32
    %dma_start3A_73 = arith.constant 0 : i32
    %dma_start3A_74 = arith.constant 0 : i32
    %dma_start3A_75 = tpu.memref_slice %arg9[%dma_start3A_71, %dma_start3A_73, %dma_start3A_74] : memref<2x128x128xf32, #tpu.memory_space<vmem>> -> memref<1x128x128xf32, #tpu.memory_space<vmem>>
    %dma_start3A_76 = tpu.memref_squeeze %dma_start3A_75 : memref<1x128x128xf32, #tpu.memory_space<vmem>> -> memref<128x128xf32, #tpu.memory_space<vmem>>
    %dma_start3A_77 = arith.constant 0 : i32
    %dma_start3A_78 = tpu.memref_slice %arg7[%dma_start3A_70, %dma_start3A_77] : memref<2x128xi32, #tpu.memory_space<vmem>> -> memref<1x128xi32, #tpu.memory_space<vmem>>
    %dma_start3A_79 = tpu.memref_squeeze %dma_start3A_78 : memref<1x128xi32, #tpu.memory_space<vmem>> -> memref<128xi32, #tpu.memory_space<vmem>>
    %dma_start3A_80 = arith.constant 0 : i32
    %dma_start3A_81 = arith.constant 0 : i32
    %dma_start3A_82 = tpu.memref_slice %arg2[%dma_start3A_80, %dma_start3A_81] : memref<100000x128xf32, #tpu.memory_space<hbm>> -> memref<100000x128xf32, #tpu.memory_space<hbm>>
    %dma_start3A_83 = tpu.memref_slice %arg12[%dma_start3A_72] : memref<2x!tpu.dma_semaphore, #tpu.memory_space<semaphore_mem>> -> memref<1x!tpu.dma_semaphore, #tpu.memory_space<semaphore_mem>>
    %dma_start3A_84 = tpu.memref_squeeze %dma_start3A_83 : memref<1x!tpu.dma_semaphore, #tpu.memory_space<semaphore_mem>> -> memref<!tpu.dma_semaphore, #tpu.memory_space<semaphore_mem>>
    tpu.enqueue_indirect_dma source(%dma_start3A_82 : memref<100000x128xf32, #tpu.memory_space<hbm>>) target(%dma_start3A_76 : memref<128x128xf32, #tpu.memory_space<vmem>>) offsets(%dma_start3A_79 : memref<128xi32, #tpu.memory_space<vmem>>) semaphore(%dma_start3A_84 : memref<!tpu.dma_semaphore, #tpu.memory_space<semaphore_mem>>)
    %gt3A = arith.constant 1 : i32
    %gt3A_85 = arith.cmpi sgt, %select_n3A, %gt3A : i32
    %convert_element_type3A = arith.extui %gt3A_85 : i1 to i32
    %cond3A = arith.constant 0 : i32
    %cond3A_86 = arith.cmpi ne, %convert_element_type3A, %cond3A : i32
    scf.if %cond3A_86 {
      %add3A_114 = arith.constant 128 : i32
      %add3A_115 = arith.addi %mul3A_2, %add3A_114 : i32
      %dma_start3A_116 = arith.constant 1 : i32
      %dma_start3A_117 = arith.constant 1 : i32
      %dma_start3A_118 = arith.constant 0 : i32
      %dma_start3A_119 = tpu.memref_slice %arg6[%dma_start3A_116, %dma_start3A_118] : memref<2x128xi32, #tpu.memory_space<vmem>> -> memref<1x128xi32, #tpu.memory_space<vmem>>
      %dma_start3A_120 = tpu.memref_squeeze %dma_start3A_119 : memref<1x128xi32, #tpu.memory_space<vmem>> -> memref<128xi32, #tpu.memory_space<vmem>>
      %dma_start3A_121 = tpu.memref_slice %arg3[%add3A_115] : memref<1600000xi32, #tpu.memory_space<hbm>> -> memref<128xi32, #tpu.memory_space<hbm>>
      %dma_start3A_122 = tpu.memref_slice %arg11[%dma_start3A_117] : memref<2x!tpu.dma_semaphore, #tpu.memory_space<semaphore_mem>> -> memref<1x!tpu.dma_semaphore, #tpu.memory_space<semaphore_mem>>
      %dma_start3A_123 = tpu.memref_squeeze %dma_start3A_122 : memref<1x!tpu.dma_semaphore, #tpu.memory_space<semaphore_mem>> -> memref<!tpu.dma_semaphore, #tpu.memory_space<semaphore_mem>>
      %dma_start3A_124 = arith.constant 0 : i32
      %dma_start3A_125 = tpu.memref_slice %arg6[%dma_start3A_116, %dma_start3A_124] : memref<2x128xi32, #tpu.memory_space<vmem>> -> memref<1x128xi32, #tpu.memory_space<vmem>>
      %dma_start3A_126 = tpu.memref_squeeze %dma_start3A_125 : memref<1x128xi32, #tpu.memory_space<vmem>> -> memref<128xi32, #tpu.memory_space<vmem>>
      %dma_start3A_127 = tpu.memref_slice %arg3[%add3A_115] : memref<1600000xi32, #tpu.memory_space<hbm>> -> memref<128xi32, #tpu.memory_space<hbm>>
      tpu.enqueue_dma source(%dma_start3A_127 : memref<128xi32, #tpu.memory_space<hbm>>) target(%dma_start3A_126 : memref<128xi32, #tpu.memory_space<vmem>>) target_semaphore(%dma_start3A_123 : memref<!tpu.dma_semaphore, #tpu.memory_space<semaphore_mem>>)
      %dma_start3A_128 = arith.constant 1 : i32
      %dma_start3A_129 = arith.constant 1 : i32
      %dma_start3A_130 = arith.constant 0 : i32
      %dma_start3A_131 = tpu.memref_slice %arg7[%dma_start3A_128, %dma_start3A_130] : memref<2x128xi32, #tpu.memory_space<vmem>> -> memref<1x128xi32, #tpu.memory_space<vmem>>
      %dma_start3A_132 = tpu.memref_squeeze %dma_start3A_131 : memref<1x128xi32, #tpu.memory_space<vmem>> -> memref<128xi32, #tpu.memory_space<vmem>>
      %dma_start3A_133 = tpu.memref_slice %arg4[%add3A_115] : memref<1600000xi32, #tpu.memory_space<hbm>> -> memref<128xi32, #tpu.memory_space<hbm>>
      %dma_start3A_134 = tpu.memref_slice %arg11[%dma_start3A_129] : memref<2x!tpu.dma_semaphore, #tpu.memory_space<semaphore_mem>> -> memref<1x!tpu.dma_semaphore, #tpu.memory_space<semaphore_mem>>
      %dma_start3A_135 = tpu.memref_squeeze %dma_start3A_134 : memref<1x!tpu.dma_semaphore, #tpu.memory_space<semaphore_mem>> -> memref<!tpu.dma_semaphore, #tpu.memory_space<semaphore_mem>>
      %dma_start3A_136 = arith.constant 0 : i32
      %dma_start3A_137 = tpu.memref_slice %arg7[%dma_start3A_128, %dma_start3A_136] : memref<2x128xi32, #tpu.memory_space<vmem>> -> memref<1x128xi32, #tpu.memory_space<vmem>>
      %dma_start3A_138 = tpu.memref_squeeze %dma_start3A_137 : memref<1x128xi32, #tpu.memory_space<vmem>> -> memref<128xi32, #tpu.memory_space<vmem>>
      %dma_start3A_139 = tpu.memref_slice %arg4[%add3A_115] : memref<1600000xi32, #tpu.memory_space<hbm>> -> memref<128xi32, #tpu.memory_space<hbm>>
      tpu.enqueue_dma source(%dma_start3A_139 : memref<128xi32, #tpu.memory_space<hbm>>) target(%dma_start3A_138 : memref<128xi32, #tpu.memory_space<vmem>>) target_semaphore(%dma_start3A_135 : memref<!tpu.dma_semaphore, #tpu.memory_space<semaphore_mem>>)
    } else {
    }
    %while3A = arith.constant 0 : i32
    %while3A_87 = arith.subi %select_n3A, %while3A : i32
    %while3A_88 = arith.addi %while3A, %while3A_87 : i32
    %while3A_89 = arith.constant 1 : i32
    %while3A_90 = arith.divsi %while3A_87, %while3A_89 : i32
    %while3A_91 = arith.muli %while3A_90, %while3A_89 : i32
    %while3A_92 = arith.addi %while3A, %while3A_91 : i32
    %while3A_93 = arith.constant 1 : i32
    scf.for %while3A_114 = %while3A to %while3A_92 step %while3A_93  : i32 {
      %rem3A_115 = arith.constant 2 : i32
      %rem3A_116 = arith.remsi %while3A_114, %rem3A_115 : i32
      %add3A_117 = arith.constant 1 : i32
      %add3A_118 = arith.addi %while3A_114, %add3A_117 : i32
      %rem3A_119 = arith.constant 2 : i32
      %rem3A_120 = arith.remsi %add3A_118, %rem3A_119 : i32
      %dma_wait3A_121 = arith.constant 0 : i32
      %dma_wait3A_122 = arith.constant 0 : i32
      %dma_wait3A_123 = tpu.memref_slice %arg8[%rem3A_116, %dma_wait3A_121, %dma_wait3A_122] : memref<2x128x128xf32, #tpu.memory_space<vmem>> -> memref<1x128x128xf32, #tpu.memory_space<vmem>>
      %dma_wait3A_124 = tpu.memref_squeeze %dma_wait3A_123 : memref<1x128x128xf32, #tpu.memory_space<vmem>> -> memref<128x128xf32, #tpu.memory_space<vmem>>
      %dma_wait3A_125 = arith.constant 0 : i32
      %dma_wait3A_126 = tpu.memref_slice %arg6[%rem3A_116, %dma_wait3A_125] : memref<2x128xi32, #tpu.memory_space<vmem>> -> memref<1x128xi32, #tpu.memory_space<vmem>>
      %dma_wait3A_127 = tpu.memref_squeeze %dma_wait3A_126 : memref<1x128xi32, #tpu.memory_space<vmem>> -> memref<128xi32, #tpu.memory_space<vmem>>
      %dma_wait3A_128 = arith.constant 0 : i32
      %dma_wait3A_129 = arith.constant 0 : i32
      %dma_wait3A_130 = tpu.memref_slice %arg2[%dma_wait3A_128, %dma_wait3A_129] : memref<100000x128xf32, #tpu.memory_space<hbm>> -> memref<100000x128xf32, #tpu.memory_space<hbm>>
      %dma_wait3A_131 = tpu.memref_slice %arg12[%rem3A_116] : memref<2x!tpu.dma_semaphore, #tpu.memory_space<semaphore_mem>> -> memref<1x!tpu.dma_semaphore, #tpu.memory_space<semaphore_mem>>
      %dma_wait3A_132 = tpu.memref_squeeze %dma_wait3A_131 : memref<1x!tpu.dma_semaphore, #tpu.memory_space<semaphore_mem>> -> memref<!tpu.dma_semaphore, #tpu.memory_space<semaphore_mem>>
      tpu.wait_indirect_dma semaphore(%dma_wait3A_132 : memref<!tpu.dma_semaphore, #tpu.memory_space<semaphore_mem>>) src(%dma_wait3A_130 : memref<100000x128xf32, #tpu.memory_space<hbm>>) dst(%dma_wait3A_124 : memref<128x128xf32, #tpu.memory_space<vmem>>)
      %dma_wait3A_133 = arith.constant 0 : i32
      %dma_wait3A_134 = arith.constant 0 : i32
      %dma_wait3A_135 = tpu.memref_slice %arg9[%rem3A_116, %dma_wait3A_133, %dma_wait3A_134] : memref<2x128x128xf32, #tpu.memory_space<vmem>> -> memref<1x128x128xf32, #tpu.memory_space<vmem>>
      %dma_wait3A_136 = tpu.memref_squeeze %dma_wait3A_135 : memref<1x128x128xf32, #tpu.memory_space<vmem>> -> memref<128x128xf32, #tpu.memory_space<vmem>>
      %dma_wait3A_137 = arith.constant 0 : i32
      %dma_wait3A_138 = tpu.memref_slice %arg7[%rem3A_116, %dma_wait3A_137] : memref<2x128xi32, #tpu.memory_space<vmem>> -> memref<1x128xi32, #tpu.memory_space<vmem>>
      %dma_wait3A_139 = tpu.memref_squeeze %dma_wait3A_138 : memref<1x128xi32, #tpu.memory_space<vmem>> -> memref<128xi32, #tpu.memory_space<vmem>>
      %dma_wait3A_140 = arith.constant 0 : i32
      %dma_wait3A_141 = arith.constant 0 : i32
      %dma_wait3A_142 = tpu.memref_slice %arg2[%dma_wait3A_140, %dma_wait3A_141] : memref<100000x128xf32, #tpu.memory_space<hbm>> -> memref<100000x128xf32, #tpu.memory_space<hbm>>
      %dma_wait3A_143 = tpu.memref_slice %arg12[%rem3A_116] : memref<2x!tpu.dma_semaphore, #tpu.memory_space<semaphore_mem>> -> memref<1x!tpu.dma_semaphore, #tpu.memory_space<semaphore_mem>>
      %dma_wait3A_144 = tpu.memref_squeeze %dma_wait3A_143 : memref<1x!tpu.dma_semaphore, #tpu.memory_space<semaphore_mem>> -> memref<!tpu.dma_semaphore, #tpu.memory_space<semaphore_mem>>
      tpu.wait_indirect_dma semaphore(%dma_wait3A_144 : memref<!tpu.dma_semaphore, #tpu.memory_space<semaphore_mem>>) src(%dma_wait3A_142 : memref<100000x128xf32, #tpu.memory_space<hbm>>) dst(%dma_wait3A_136 : memref<128x128xf32, #tpu.memory_space<vmem>>)
      %add3A_145 = arith.constant 2 : i32
      %add3A_146 = arith.addi %while3A_114, %add3A_145 : i32
      %lt3A_147 = arith.cmpi slt, %add3A_146, %select_n3A : i32
      %convert_element_type3A_148 = arith.extui %lt3A_147 : i1 to i32
      %cond3A_149 = arith.constant 0 : i32
      %cond3A_150 = arith.cmpi ne, %convert_element_type3A_148, %cond3A_149 : i32
      scf.if %cond3A_150 {
        %add3A_183 = arith.constant 2 : i32
        %add3A_184 = arith.addi %while3A_114, %add3A_183 : i32
        %mul3A_185 = arith.constant 128 : i32
        %mul3A_186 = arith.muli %add3A_184, %mul3A_185 : i32
        %add3A_187 = arith.addi %mul3A_2, %mul3A_186 : i32
        %dma_start3A_188 = arith.constant 0 : i32
        %dma_start3A_189 = tpu.memref_slice %arg6[%rem3A_116, %dma_start3A_188] : memref<2x128xi32, #tpu.memory_space<vmem>> -> memref<1x128xi32, #tpu.memory_space<vmem>>
        %dma_start3A_190 = tpu.memref_squeeze %dma_start3A_189 : memref<1x128xi32, #tpu.memory_space<vmem>> -> memref<128xi32, #tpu.memory_space<vmem>>
        %dma_start3A_191 = tpu.memref_slice %arg3[%add3A_187] : memref<1600000xi32, #tpu.memory_space<hbm>> -> memref<128xi32, #tpu.memory_space<hbm>>
        %dma_start3A_192 = tpu.memref_slice %arg11[%rem3A_116] : memref<2x!tpu.dma_semaphore, #tpu.memory_space<semaphore_mem>> -> memref<1x!tpu.dma_semaphore, #tpu.memory_space<semaphore_mem>>
        %dma_start3A_193 = tpu.memref_squeeze %dma_start3A_192 : memref<1x!tpu.dma_semaphore, #tpu.memory_space<semaphore_mem>> -> memref<!tpu.dma_semaphore, #tpu.memory_space<semaphore_mem>>
        %dma_start3A_194 = arith.constant 0 : i32
        %dma_start3A_195 = tpu.memref_slice %arg6[%rem3A_116, %dma_start3A_194] : memref<2x128xi32, #tpu.memory_space<vmem>> -> memref<1x128xi32, #tpu.memory_space<vmem>>
        %dma_start3A_196 = tpu.memref_squeeze %dma_start3A_195 : memref<1x128xi32, #tpu.memory_space<vmem>> -> memref<128xi32, #tpu.memory_space<vmem>>
        %dma_start3A_197 = tpu.memref_slice %arg3[%add3A_187] : memref<1600000xi32, #tpu.memory_space<hbm>> -> memref<128xi32, #tpu.memory_space<hbm>>
        tpu.enqueue_dma source(%dma_start3A_197 : memref<128xi32, #tpu.memory_space<hbm>>) target(%dma_start3A_196 : memref<128xi32, #tpu.memory_space<vmem>>) target_semaphore(%dma_start3A_193 : memref<!tpu.dma_semaphore, #tpu.memory_space<semaphore_mem>>)
        %dma_start3A_198 = arith.constant 0 : i32
        %dma_start3A_199 = tpu.memref_slice %arg7[%rem3A_116, %dma_start3A_198] : memref<2x128xi32, #tpu.memory_space<vmem>> -> memref<1x128xi32, #tpu.memory_space<vmem>>
        %dma_start3A_200 = tpu.memref_squeeze %dma_start3A_199 : memref<1x128xi32, #tpu.memory_space<vmem>> -> memref<128xi32, #tpu.memory_space<vmem>>
        %dma_start3A_201 = tpu.memref_slice %arg4[%add3A_187] : memref<1600000xi32, #tpu.memory_space<hbm>> -> memref<128xi32, #tpu.memory_space<hbm>>
        %dma_start3A_202 = tpu.memref_slice %arg11[%rem3A_116] : memref<2x!tpu.dma_semaphore, #tpu.memory_space<semaphore_mem>> -> memref<1x!tpu.dma_semaphore, #tpu.memory_space<semaphore_mem>>
        %dma_start3A_203 = tpu.memref_squeeze %dma_start3A_202 : memref<1x!tpu.dma_semaphore, #tpu.memory_space<semaphore_mem>> -> memref<!tpu.dma_semaphore, #tpu.memory_space<semaphore_mem>>
        %dma_start3A_204 = arith.constant 0 : i32
        %dma_start3A_205 = tpu.memref_slice %arg7[%rem3A_116, %dma_start3A_204] : memref<2x128xi32, #tpu.memory_space<vmem>> -> memref<1x128xi32, #tpu.memory_space<vmem>>
        %dma_start3A_206 = tpu.memref_squeeze %dma_start3A_205 : memref<1x128xi32, #tpu.memory_space<vmem>> -> memref<128xi32, #tpu.memory_space<vmem>>
        %dma_start3A_207 = tpu.memref_slice %arg4[%add3A_187] : memref<1600000xi32, #tpu.memory_space<hbm>> -> memref<128xi32, #tpu.memory_space<hbm>>
        tpu.enqueue_dma source(%dma_start3A_207 : memref<128xi32, #tpu.memory_space<hbm>>) target(%dma_start3A_206 : memref<128xi32, #tpu.memory_space<vmem>>) target_semaphore(%dma_start3A_203 : memref<!tpu.dma_semaphore, #tpu.memory_space<semaphore_mem>>)
      } else {
      }
      %add3A_151 = arith.constant 1 : i32
      %add3A_152 = arith.addi %while3A_114, %add3A_151 : i32
      %lt3A_153 = arith.cmpi slt, %add3A_152, %select_n3A : i32
      %convert_element_type3A_154 = arith.extui %lt3A_153 : i1 to i32
      %cond3A_155 = arith.constant 0 : i32
      %cond3A_156 = arith.cmpi ne, %convert_element_type3A_154, %cond3A_155 : i32
      scf.if %cond3A_156 {
        %add3A_183 = arith.constant 1 : i32
        %add3A_184 = arith.addi %while3A_114, %add3A_183 : i32
        %mul3A_185 = arith.constant 128 : i32
        %mul3A_186 = arith.muli %add3A_184, %mul3A_185 : i32
        %add3A_187 = arith.addi %mul3A_2, %mul3A_186 : i32
        %dma_wait3A_188 = arith.constant 0 : i32
        %dma_wait3A_189 = tpu.memref_slice %arg6[%rem3A_120, %dma_wait3A_188] : memref<2x128xi32, #tpu.memory_space<vmem>> -> memref<1x128xi32, #tpu.memory_space<vmem>>
        %dma_wait3A_190 = tpu.memref_squeeze %dma_wait3A_189 : memref<1x128xi32, #tpu.memory_space<vmem>> -> memref<128xi32, #tpu.memory_space<vmem>>
        %dma_wait3A_191 = tpu.memref_slice %arg3[%add3A_187] : memref<1600000xi32, #tpu.memory_space<hbm>> -> memref<128xi32, #tpu.memory_space<hbm>>
        %dma_wait3A_192 = tpu.memref_slice %arg11[%rem3A_120] : memref<2x!tpu.dma_semaphore, #tpu.memory_space<semaphore_mem>> -> memref<1x!tpu.dma_semaphore, #tpu.memory_space<semaphore_mem>>
        %dma_wait3A_193 = tpu.memref_squeeze %dma_wait3A_192 : memref<1x!tpu.dma_semaphore, #tpu.memory_space<semaphore_mem>> -> memref<!tpu.dma_semaphore, #tpu.memory_space<semaphore_mem>>
        %dma_wait3A_194 = arith.constant 0 : i32
        %dma_wait3A_195 = tpu.memref_slice %arg6[%rem3A_120, %dma_wait3A_194] : memref<2x128xi32, #tpu.memory_space<vmem>> -> memref<1x128xi32, #tpu.memory_space<vmem>>
        %dma_wait3A_196 = tpu.memref_squeeze %dma_wait3A_195 : memref<1x128xi32, #tpu.memory_space<vmem>> -> memref<128xi32, #tpu.memory_space<vmem>>
        %dma_wait3A_197 = tpu.memref_slice %arg3[%add3A_187] : memref<1600000xi32, #tpu.memory_space<hbm>> -> memref<128xi32, #tpu.memory_space<hbm>>
        tpu.wait_dma2 semaphore(%dma_wait3A_193 : memref<!tpu.dma_semaphore, #tpu.memory_space<semaphore_mem>>) src(%dma_wait3A_197 : memref<128xi32, #tpu.memory_space<hbm>>) dst(%dma_wait3A_196 : memref<128xi32, #tpu.memory_space<vmem>>)
        %dma_wait3A_198 = arith.constant 0 : i32
        %dma_wait3A_199 = tpu.memref_slice %arg7[%rem3A_120, %dma_wait3A_198] : memref<2x128xi32, #tpu.memory_space<vmem>> -> memref<1x128xi32, #tpu.memory_space<vmem>>
        %dma_wait3A_200 = tpu.memref_squeeze %dma_wait3A_199 : memref<1x128xi32, #tpu.memory_space<vmem>> -> memref<128xi32, #tpu.memory_space<vmem>>
        %dma_wait3A_201 = tpu.memref_slice %arg4[%add3A_187] : memref<1600000xi32, #tpu.memory_space<hbm>> -> memref<128xi32, #tpu.memory_space<hbm>>
        %dma_wait3A_202 = tpu.memref_slice %arg11[%rem3A_120] : memref<2x!tpu.dma_semaphore, #tpu.memory_space<semaphore_mem>> -> memref<1x!tpu.dma_semaphore, #tpu.memory_space<semaphore_mem>>
        %dma_wait3A_203 = tpu.memref_squeeze %dma_wait3A_202 : memref<1x!tpu.dma_semaphore, #tpu.memory_space<semaphore_mem>> -> memref<!tpu.dma_semaphore, #tpu.memory_space<semaphore_mem>>
        %dma_wait3A_204 = arith.constant 0 : i32
        %dma_wait3A_205 = tpu.memref_slice %arg7[%rem3A_120, %dma_wait3A_204] : memref<2x128xi32, #tpu.memory_space<vmem>> -> memref<1x128xi32, #tpu.memory_space<vmem>>
        %dma_wait3A_206 = tpu.memref_squeeze %dma_wait3A_205 : memref<1x128xi32, #tpu.memory_space<vmem>> -> memref<128xi32, #tpu.memory_space<vmem>>
        %dma_wait3A_207 = tpu.memref_slice %arg4[%add3A_187] : memref<1600000xi32, #tpu.memory_space<hbm>> -> memref<128xi32, #tpu.memory_space<hbm>>
        tpu.wait_dma2 semaphore(%dma_wait3A_203 : memref<!tpu.dma_semaphore, #tpu.memory_space<semaphore_mem>>) src(%dma_wait3A_207 : memref<128xi32, #tpu.memory_space<hbm>>) dst(%dma_wait3A_206 : memref<128xi32, #tpu.memory_space<vmem>>)
        %dma_start3A_208 = arith.constant 0 : i32
        %dma_start3A_209 = arith.constant 0 : i32
        %dma_start3A_210 = tpu.memref_slice %arg8[%rem3A_120, %dma_start3A_208, %dma_start3A_209] : memref<2x128x128xf32, #tpu.memory_space<vmem>> -> memref<1x128x128xf32, #tpu.memory_space<vmem>>
        %dma_start3A_211 = tpu.memref_squeeze %dma_start3A_210 : memref<1x128x128xf32, #tpu.memory_space<vmem>> -> memref<128x128xf32, #tpu.memory_space<vmem>>
        %dma_start3A_212 = arith.constant 0 : i32
        %dma_start3A_213 = tpu.memref_slice %arg6[%rem3A_120, %dma_start3A_212] : memref<2x128xi32, #tpu.memory_space<vmem>> -> memref<1x128xi32, #tpu.memory_space<vmem>>
        %dma_start3A_214 = tpu.memref_squeeze %dma_start3A_213 : memref<1x128xi32, #tpu.memory_space<vmem>> -> memref<128xi32, #tpu.memory_space<vmem>>
        %dma_start3A_215 = arith.constant 0 : i32
        %dma_start3A_216 = arith.constant 0 : i32
        %dma_start3A_217 = tpu.memref_slice %arg2[%dma_start3A_215, %dma_start3A_216] : memref<100000x128xf32, #tpu.memory_space<hbm>> -> memref<100000x128xf32, #tpu.memory_space<hbm>>
        %dma_start3A_218 = tpu.memref_slice %arg12[%rem3A_120] : memref<2x!tpu.dma_semaphore, #tpu.memory_space<semaphore_mem>> -> memref<1x!tpu.dma_semaphore, #tpu.memory_space<semaphore_mem>>
        %dma_start3A_219 = tpu.memref_squeeze %dma_start3A_218 : memref<1x!tpu.dma_semaphore, #tpu.memory_space<semaphore_mem>> -> memref<!tpu.dma_semaphore, #tpu.memory_space<semaphore_mem>>
        tpu.enqueue_indirect_dma source(%dma_start3A_217 : memref<100000x128xf32, #tpu.memory_space<hbm>>) target(%dma_start3A_211 : memref<128x128xf32, #tpu.memory_space<vmem>>) offsets(%dma_start3A_214 : memref<128xi32, #tpu.memory_space<vmem>>) semaphore(%dma_start3A_219 : memref<!tpu.dma_semaphore, #tpu.memory_space<semaphore_mem>>)
        %dma_start3A_220 = arith.constant 0 : i32
        %dma_start3A_221 = arith.constant 0 : i32
        %dma_start3A_222 = tpu.memref_slice %arg9[%rem3A_120, %dma_start3A_220, %dma_start3A_221] : memref<2x128x128xf32, #tpu.memory_space<vmem>> -> memref<1x128x128xf32, #tpu.memory_space<vmem>>
        %dma_start3A_223 = tpu.memref_squeeze %dma_start3A_222 : memref<1x128x128xf32, #tpu.memory_space<vmem>> -> memref<128x128xf32, #tpu.memory_space<vmem>>
        %dma_start3A_224 = arith.constant 0 : i32
        %dma_start3A_225 = tpu.memref_slice %arg7[%rem3A_120, %dma_start3A_224] : memref<2x128xi32, #tpu.memory_space<vmem>> -> memref<1x128xi32, #tpu.memory_space<vmem>>
        %dma_start3A_226 = tpu.memref_squeeze %dma_start3A_225 : memref<1x128xi32, #tpu.memory_space<vmem>> -> memref<128xi32, #tpu.memory_space<vmem>>
        %dma_start3A_227 = arith.constant 0 : i32
        %dma_start3A_228 = arith.constant 0 : i32
        %dma_start3A_229 = tpu.memref_slice %arg2[%dma_start3A_227, %dma_start3A_228] : memref<100000x128xf32, #tpu.memory_space<hbm>> -> memref<100000x128xf32, #tpu.memory_space<hbm>>
        %dma_start3A_230 = tpu.memref_slice %arg12[%rem3A_120] : memref<2x!tpu.dma_semaphore, #tpu.memory_space<semaphore_mem>> -> memref<1x!tpu.dma_semaphore, #tpu.memory_space<semaphore_mem>>
        %dma_start3A_231 = tpu.memref_squeeze %dma_start3A_230 : memref<1x!tpu.dma_semaphore, #tpu.memory_space<semaphore_mem>> -> memref<!tpu.dma_semaphore, #tpu.memory_space<semaphore_mem>>
        tpu.enqueue_indirect_dma source(%dma_start3A_229 : memref<100000x128xf32, #tpu.memory_space<hbm>>) target(%dma_start3A_223 : memref<128x128xf32, #tpu.memory_space<vmem>>) offsets(%dma_start3A_226 : memref<128xi32, #tpu.memory_space<vmem>>) semaphore(%dma_start3A_231 : memref<!tpu.dma_semaphore, #tpu.memory_space<semaphore_mem>>)
      } else {
      }
      %ge3A_157 = arith.constant 2 : i32
      %ge3A_158 = arith.cmpi sge, %while3A_114, %ge3A_157 : i32
      %convert_element_type3A_159 = arith.extui %ge3A_158 : i1 to i32
      %cond3A_160 = arith.constant 0 : i32
      %cond3A_161 = arith.cmpi ne, %convert_element_type3A_159, %cond3A_160 : i32
      scf.if %cond3A_161 {
        %sub3A_183 = arith.constant 2 : i32
        %sub3A_184 = arith.subi %while3A_114, %sub3A_183 : i32
        %mul3A_185 = arith.constant 128 : i32
        %mul3A_186 = arith.muli %sub3A_184, %mul3A_185 : i32
        %add3A_187 = arith.addi %mul3A_2, %mul3A_186 : i32
        %dma_wait3A_188 = arith.constant 0 : i32
        %dma_wait3A_189 = arith.constant 0 : i32
        %dma_wait3A_190 = tpu.memref_slice %arg10[%rem3A_116, %dma_wait3A_188, %dma_wait3A_189] : memref<2x128x64xf32, #tpu.memory_space<vmem>> -> memref<1x128x64xf32, #tpu.memory_space<vmem>>
        %dma_wait3A_191 = tpu.memref_squeeze %dma_wait3A_190 : memref<1x128x64xf32, #tpu.memory_space<vmem>> -> memref<128x64xf32, #tpu.memory_space<vmem>>
        %dma_wait3A_192 = arith.constant 0 : i32
        %dma_wait3A_193 = tpu.memref_slice %arg5[%add3A_187, %dma_wait3A_192] : memref<1600000x64xf32, #tpu.memory_space<hbm>> -> memref<128x64xf32, #tpu.memory_space<hbm>>
        %dma_wait3A_194 = tpu.memref_slice %arg13[%rem3A_116] : memref<2x!tpu.dma_semaphore, #tpu.memory_space<semaphore_mem>> -> memref<1x!tpu.dma_semaphore, #tpu.memory_space<semaphore_mem>>
        %dma_wait3A_195 = tpu.memref_squeeze %dma_wait3A_194 : memref<1x!tpu.dma_semaphore, #tpu.memory_space<semaphore_mem>> -> memref<!tpu.dma_semaphore, #tpu.memory_space<semaphore_mem>>
        %dma_wait3A_196 = arith.constant 0 : i32
        %dma_wait3A_197 = tpu.memref_slice %arg5[%add3A_187, %dma_wait3A_196] : memref<1600000x64xf32, #tpu.memory_space<hbm>> -> memref<128x64xf32, #tpu.memory_space<hbm>>
        %dma_wait3A_198 = arith.constant 0 : i32
        %dma_wait3A_199 = arith.constant 0 : i32
        %dma_wait3A_200 = tpu.memref_slice %arg10[%rem3A_116, %dma_wait3A_198, %dma_wait3A_199] : memref<2x128x64xf32, #tpu.memory_space<vmem>> -> memref<1x128x64xf32, #tpu.memory_space<vmem>>
        %dma_wait3A_201 = tpu.memref_squeeze %dma_wait3A_200 : memref<1x128x64xf32, #tpu.memory_space<vmem>> -> memref<128x64xf32, #tpu.memory_space<vmem>>
        tpu.wait_dma2 semaphore(%dma_wait3A_195 : memref<!tpu.dma_semaphore, #tpu.memory_space<semaphore_mem>>) src(%dma_wait3A_201 : memref<128x64xf32, #tpu.memory_space<vmem>>) dst(%dma_wait3A_197 : memref<128x64xf32, #tpu.memory_space<hbm>>)
      } else {
      }
      %scan3A = arith.constant 0 : i32
      %scan3A_162 = arith.constant 128 : i32
      %scan3A_163 = arith.addi %scan3A, %scan3A_162 : i32
      %scan3A_164 = arith.constant 2 : i32
      scf.for %scan3A_183 = %scan3A to %scan3A_163 step %scan3A_164  : i32 {
        %get3A = arith.index_cast %rem3A_116 : i32 to index
        %get3A_184 = arith.index_cast %scan3A_183 : i32 to index
        %get3A_185 = arith.constant 0 : index
        %get3A_186 = tpu.vector_load %arg8[%get3A, %get3A_184, %get3A_185] {strides = array<i32>} : memref<2x128x128xf32, #tpu.memory_space<vmem>>, vector<16xf32>,
        %get3A_187 = arith.index_cast %rem3A_116 : i32 to index
        %get3A_188 = arith.index_cast %scan3A_183 : i32 to index
        %get3A_189 = arith.constant 0 : index
        %get3A_190 = tpu.vector_load %arg9[%get3A_187, %get3A_188, %get3A_189] {strides = array<i32>} : memref<2x128x128xf32, #tpu.memory_space<vmem>>, vector<16xf32>,
        %add3A_191 = arith.addf %get3A_186, %get3A_190 : vector<16xf32>
        %swap3A = arith.index_cast %rem3A_116 : i32 to index
        %swap3A_192 = arith.index_cast %scan3A_183 : i32 to index
        %swap3A_193 = arith.constant 0 : index
        %swap3A_194 = tpu.vector_load %arg10[%swap3A, %swap3A_192, %swap3A_193] {strides = array<i32>} : memref<2x128x64xf32, #tpu.memory_space<vmem>>, vector<16xf32>,
        tpu.vector_store %arg10[%swap3A, %swap3A_192, %swap3A_193], %add3A_191 {strides = array<i32>} : memref<2x128x64xf32, #tpu.memory_space<vmem>>, vector<16xf32>,
        %get3A_195 = arith.index_cast %rem3A_116 : i32 to index
        %get3A_196 = arith.index_cast %scan3A_183 : i32 to index
        %get3A_197 = arith.constant 16 : index
        %get3A_198 = tpu.vector_load %arg8[%get3A_195, %get3A_196, %get3A_197] {strides = array<i32>} : memref<2x128x128xf32, #tpu.memory_space<vmem>>, vector<16xf32>,
        %get3A_199 = arith.index_cast %rem3A_116 : i32 to index
        %get3A_200 = arith.index_cast %scan3A_183 : i32 to index
        %get3A_201 = arith.constant 16 : index
        %get3A_202 = tpu.vector_load %arg9[%get3A_199, %get3A_200, %get3A_201] {strides = array<i32>} : memref<2x128x128xf32, #tpu.memory_space<vmem>>, vector<16xf32>,
        %add3A_203 = arith.addf %get3A_198, %get3A_202 : vector<16xf32>
        %swap3A_204 = arith.index_cast %rem3A_116 : i32 to index
        %swap3A_205 = arith.index_cast %scan3A_183 : i32 to index
        %swap3A_206 = arith.constant 16 : index
        %swap3A_207 = tpu.vector_load %arg10[%swap3A_204, %swap3A_205, %swap3A_206] {strides = array<i32>} : memref<2x128x64xf32, #tpu.memory_space<vmem>>, vector<16xf32>,
        tpu.vector_store %arg10[%swap3A_204, %swap3A_205, %swap3A_206], %add3A_203 {strides = array<i32>} : memref<2x128x64xf32, #tpu.memory_space<vmem>>, vector<16xf32>,
        %get3A_208 = arith.index_cast %rem3A_116 : i32 to index
        %get3A_209 = arith.index_cast %scan3A_183 : i32 to index
        %get3A_210 = arith.constant 32 : index
        %get3A_211 = tpu.vector_load %arg8[%get3A_208, %get3A_209, %get3A_210] {strides = array<i32>} : memref<2x128x128xf32, #tpu.memory_space<vmem>>, vector<16xf32>,
        %get3A_212 = arith.index_cast %rem3A_116 : i32 to index
        %get3A_213 = arith.index_cast %scan3A_183 : i32 to index
        %get3A_214 = arith.constant 32 : index
        %get3A_215 = tpu.vector_load %arg9[%get3A_212, %get3A_213, %get3A_214] {strides = array<i32>} : memref<2x128x128xf32, #tpu.memory_space<vmem>>, vector<16xf32>,
        %add3A_216 = arith.addf %get3A_211, %get3A_215 : vector<16xf32>
        %swap3A_217 = arith.index_cast %rem3A_116 : i32 to index
        %swap3A_218 = arith.index_cast %scan3A_183 : i32 to index
        %swap3A_219 = arith.constant 32 : index
        %swap3A_220 = tpu.vector_load %arg10[%swap3A_217, %swap3A_218, %swap3A_219] {strides = array<i32>} : memref<2x128x64xf32, #tpu.memory_space<vmem>>, vector<16xf32>,
        tpu.vector_store %arg10[%swap3A_217, %swap3A_218, %swap3A_219], %add3A_216 {strides = array<i32>} : memref<2x128x64xf32, #tpu.memory_space<vmem>>, vector<16xf32>,
        %get3A_221 = arith.index_cast %rem3A_116 : i32 to index
        %get3A_222 = arith.index_cast %scan3A_183 : i32 to index
        %get3A_223 = arith.constant 48 : index
        %get3A_224 = tpu.vector_load %arg8[%get3A_221, %get3A_222, %get3A_223] {strides = array<i32>} : memref<2x128x128xf32, #tpu.memory_space<vmem>>, vector<16xf32>,
        %get3A_225 = arith.index_cast %rem3A_116 : i32 to index
        %get3A_226 = arith.index_cast %scan3A_183 : i32 to index
        %get3A_227 = arith.constant 48 : index
        %get3A_228 = tpu.vector_load %arg9[%get3A_225, %get3A_226, %get3A_227] {strides = array<i32>} : memref<2x128x128xf32, #tpu.memory_space<vmem>>, vector<16xf32>,
        %add3A_229 = arith.addf %get3A_224, %get3A_228 : vector<16xf32>
        %swap3A_230 = arith.index_cast %rem3A_116 : i32 to index
        %swap3A_231 = arith.index_cast %scan3A_183 : i32 to index
        %swap3A_232 = arith.constant 48 : index
        %swap3A_233 = tpu.vector_load %arg10[%swap3A_230, %swap3A_231, %swap3A_232] {strides = array<i32>} : memref<2x128x64xf32, #tpu.memory_space<vmem>>, vector<16xf32>,
        tpu.vector_store %arg10[%swap3A_230, %swap3A_231, %swap3A_232], %add3A_229 {strides = array<i32>} : memref<2x128x64xf32, #tpu.memory_space<vmem>>, vector<16xf32>,
        %scan3A_234 = arith.constant 1 : i32
        %scan3A_235 = arith.addi %scan3A_183, %scan3A_234 : i32
        %get3A_236 = arith.index_cast %rem3A_116 : i32 to index
        %get3A_237 = arith.index_cast %scan3A_235 : i32 to index
        %get3A_238 = arith.constant 0 : index
        %get3A_239 = tpu.vector_load %arg8[%get3A_236, %get3A_237, %get3A_238] {strides = array<i32>} : memref<2x128x128xf32, #tpu.memory_space<vmem>>, vector<16xf32>,
        %get3A_240 = arith.index_cast %rem3A_116 : i32 to index
        %get3A_241 = arith.index_cast %scan3A_235 : i32 to index
        %get3A_242 = arith.constant 0 : index
        %get3A_243 = tpu.vector_load %arg9[%get3A_240, %get3A_241, %get3A_242] {strides = array<i32>} : memref<2x128x128xf32, #tpu.memory_space<vmem>>, vector<16xf32>,
        %add3A_244 = arith.addf %get3A_239, %get3A_243 : vector<16xf32>
        %swap3A_245 = arith.index_cast %rem3A_116 : i32 to index
        %swap3A_246 = arith.index_cast %scan3A_235 : i32 to index
        %swap3A_247 = arith.constant 0 : index
        %swap3A_248 = tpu.vector_load %arg10[%swap3A_245, %swap3A_246, %swap3A_247] {strides = array<i32>} : memref<2x128x64xf32, #tpu.memory_space<vmem>>, vector<16xf32>,
        tpu.vector_store %arg10[%swap3A_245, %swap3A_246, %swap3A_247], %add3A_244 {strides = array<i32>} : memref<2x128x64xf32, #tpu.memory_space<vmem>>, vector<16xf32>,
        %get3A_249 = arith.index_cast %rem3A_116 : i32 to index
        %get3A_250 = arith.index_cast %scan3A_235 : i32 to index
        %get3A_251 = arith.constant 16 : index
        %get3A_252 = tpu.vector_load %arg8[%get3A_249, %get3A_250, %get3A_251] {strides = array<i32>} : memref<2x128x128xf32, #tpu.memory_space<vmem>>, vector<16xf32>,
        %get3A_253 = arith.index_cast %rem3A_116 : i32 to index
        %get3A_254 = arith.index_cast %scan3A_235 : i32 to index
        %get3A_255 = arith.constant 16 : index
        %get3A_256 = tpu.vector_load %arg9[%get3A_253, %get3A_254, %get3A_255] {strides = array<i32>} : memref<2x128x128xf32, #tpu.memory_space<vmem>>, vector<16xf32>,
        %add3A_257 = arith.addf %get3A_252, %get3A_256 : vector<16xf32>
        %swap3A_258 = arith.index_cast %rem3A_116 : i32 to index
        %swap3A_259 = arith.index_cast %scan3A_235 : i32 to index
        %swap3A_260 = arith.constant 16 : index
        %swap3A_261 = tpu.vector_load %arg10[%swap3A_258, %swap3A_259, %swap3A_260] {strides = array<i32>} : memref<2x128x64xf32, #tpu.memory_space<vmem>>, vector<16xf32>,
        tpu.vector_store %arg10[%swap3A_258, %swap3A_259, %swap3A_260], %add3A_257 {strides = array<i32>} : memref<2x128x64xf32, #tpu.memory_space<vmem>>, vector<16xf32>,
        %get3A_262 = arith.index_cast %rem3A_116 : i32 to index
        %get3A_263 = arith.index_cast %scan3A_235 : i32 to index
        %get3A_264 = arith.constant 32 : index
        %get3A_265 = tpu.vector_load %arg8[%get3A_262, %get3A_263, %get3A_264] {strides = array<i32>} : memref<2x128x128xf32, #tpu.memory_space<vmem>>, vector<16xf32>,
        %get3A_266 = arith.index_cast %rem3A_116 : i32 to index
        %get3A_267 = arith.index_cast %scan3A_235 : i32 to index
        %get3A_268 = arith.constant 32 : index
        %get3A_269 = tpu.vector_load %arg9[%get3A_266, %get3A_267, %get3A_268] {strides = array<i32>} : memref<2x128x128xf32, #tpu.memory_space<vmem>>, vector<16xf32>,
        %add3A_270 = arith.addf %get3A_265, %get3A_269 : vector<16xf32>
        %swap3A_271 = arith.index_cast %rem3A_116 : i32 to index
        %swap3A_272 = arith.index_cast %scan3A_235 : i32 to index
        %swap3A_273 = arith.constant 32 : index
        %swap3A_274 = tpu.vector_load %arg10[%swap3A_271, %swap3A_272, %swap3A_273] {strides = array<i32>} : memref<2x128x64xf32, #tpu.memory_space<vmem>>, vector<16xf32>,
        tpu.vector_store %arg10[%swap3A_271, %swap3A_272, %swap3A_273], %add3A_270 {strides = array<i32>} : memref<2x128x64xf32, #tpu.memory_space<vmem>>, vector<16xf32>,
        %get3A_275 = arith.index_cast %rem3A_116 : i32 to index
        %get3A_276 = arith.index_cast %scan3A_235 : i32 to index
        %get3A_277 = arith.constant 48 : index
        %get3A_278 = tpu.vector_load %arg8[%get3A_275, %get3A_276, %get3A_277] {strides = array<i32>} : memref<2x128x128xf32, #tpu.memory_space<vmem>>, vector<16xf32>,
        %get3A_279 = arith.index_cast %rem3A_116 : i32 to index
        %get3A_280 = arith.index_cast %scan3A_235 : i32 to index
        %get3A_281 = arith.constant 48 : index
        %get3A_282 = tpu.vector_load %arg9[%get3A_279, %get3A_280, %get3A_281] {strides = array<i32>} : memref<2x128x128xf32, #tpu.memory_space<vmem>>, vector<16xf32>,
        %add3A_283 = arith.addf %get3A_278, %get3A_282 : vector<16xf32>
        %swap3A_284 = arith.index_cast %rem3A_116 : i32 to index
        %swap3A_285 = arith.index_cast %scan3A_235 : i32 to index
        %swap3A_286 = arith.constant 48 : index
        %swap3A_287 = tpu.vector_load %arg10[%swap3A_284, %swap3A_285, %swap3A_286] {strides = array<i32>} : memref<2x128x64xf32, #tpu.memory_space<vmem>>, vector<16xf32>,
        tpu.vector_store %arg10[%swap3A_284, %swap3A_285, %swap3A_286], %add3A_283 {strides = array<i32>} : memref<2x128x64xf32, #tpu.memory_space<vmem>>, vector<16xf32>,
      }
      %scan3A_165 = arith.constant 128 : i32
      %mul3A_166 = arith.constant 128 : i32
      %mul3A_167 = arith.muli %while3A_114, %mul3A_166 : i32
      %add3A_168 = arith.addi %mul3A_2, %mul3A_167 : i32
      %dma_start3A_169 = arith.constant 0 : i32
      %dma_start3A_170 = arith.constant 0 : i32
      %dma_start3A_171 = tpu.memref_slice %arg10[%rem3A_116, %dma_start3A_169, %dma_start3A_170] : memref<2x128x64xf32, #tpu.memory_space<vmem>> -> memref<1x128x64xf32, #tpu.memory_space<vmem>>
      %dma_start3A_172 = tpu.memref_squeeze %dma_start3A_171 : memref<1x128x64xf32, #tpu.memory_space<vmem>> -> memref<128x64xf32, #tpu.memory_space<vmem>>
      %dma_start3A_173 = arith.constant 0 : i32
      %dma_start3A_174 = tpu.memref_slice %arg5[%add3A_168, %dma_start3A_173] : memref<1600000x64xf32, #tpu.memory_space<hbm>> -> memref<128x64xf32, #tpu.memory_space<hbm>>
      %dma_start3A_175 = tpu.memref_slice %arg13[%rem3A_116] : memref<2x!tpu.dma_semaphore, #tpu.memory_space<semaphore_mem>> -> memref<1x!tpu.dma_semaphore, #tpu.memory_space<semaphore_mem>>
      %dma_start3A_176 = tpu.memref_squeeze %dma_start3A_175 : memref<1x!tpu.dma_semaphore, #tpu.memory_space<semaphore_mem>> -> memref<!tpu.dma_semaphore, #tpu.memory_space<semaphore_mem>>
      %dma_start3A_177 = arith.constant 0 : i32
      %dma_start3A_178 = tpu.memref_slice %arg5[%add3A_168, %dma_start3A_177] : memref<1600000x64xf32, #tpu.memory_space<hbm>> -> memref<128x64xf32, #tpu.memory_space<hbm>>
      %dma_start3A_179 = arith.constant 0 : i32
      %dma_start3A_180 = arith.constant 0 : i32
      %dma_start3A_181 = tpu.memref_slice %arg10[%rem3A_116, %dma_start3A_179, %dma_start3A_180] : memref<2x128x64xf32, #tpu.memory_space<vmem>> -> memref<1x128x64xf32, #tpu.memory_space<vmem>>
      %dma_start3A_182 = tpu.memref_squeeze %dma_start3A_181 : memref<1x128x64xf32, #tpu.memory_space<vmem>> -> memref<128x64xf32, #tpu.memory_space<vmem>>
      tpu.enqueue_dma source(%dma_start3A_182 : memref<128x64xf32, #tpu.memory_space<vmem>>) target(%dma_start3A_178 : memref<128x64xf32, #tpu.memory_space<hbm>>) target_semaphore(%dma_start3A_176 : memref<!tpu.dma_semaphore, #tpu.memory_space<semaphore_mem>>)
    }
    %while3A_94 = arith.constant 1 : i32
    scf.for %while3A_114 = %while3A_92 to %while3A_88 step %while3A_94  : i32 {
      %rem3A_115 = arith.constant 2 : i32
      %rem3A_116 = arith.remsi %while3A_114, %rem3A_115 : i32
      %add3A_117 = arith.constant 1 : i32
      %add3A_118 = arith.addi %while3A_114, %add3A_117 : i32
      %rem3A_119 = arith.constant 2 : i32
      %rem3A_120 = arith.remsi %add3A_118, %rem3A_119 : i32
      %dma_wait3A_121 = arith.constant 0 : i32
      %dma_wait3A_122 = arith.constant 0 : i32
      %dma_wait3A_123 = tpu.memref_slice %arg8[%rem3A_116, %dma_wait3A_121, %dma_wait3A_122] : memref<2x128x128xf32, #tpu.memory_space<vmem>> -> memref<1x128x128xf32, #tpu.memory_space<vmem>>
      %dma_wait3A_124 = tpu.memref_squeeze %dma_wait3A_123 : memref<1x128x128xf32, #tpu.memory_space<vmem>> -> memref<128x128xf32, #tpu.memory_space<vmem>>
      %dma_wait3A_125 = arith.constant 0 : i32
      %dma_wait3A_126 = tpu.memref_slice %arg6[%rem3A_116, %dma_wait3A_125] : memref<2x128xi32, #tpu.memory_space<vmem>> -> memref<1x128xi32, #tpu.memory_space<vmem>>
      %dma_wait3A_127 = tpu.memref_squeeze %dma_wait3A_126 : memref<1x128xi32, #tpu.memory_space<vmem>> -> memref<128xi32, #tpu.memory_space<vmem>>
      %dma_wait3A_128 = arith.constant 0 : i32
      %dma_wait3A_129 = arith.constant 0 : i32
      %dma_wait3A_130 = tpu.memref_slice %arg2[%dma_wait3A_128, %dma_wait3A_129] : memref<100000x128xf32, #tpu.memory_space<hbm>> -> memref<100000x128xf32, #tpu.memory_space<hbm>>
      %dma_wait3A_131 = tpu.memref_slice %arg12[%rem3A_116] : memref<2x!tpu.dma_semaphore, #tpu.memory_space<semaphore_mem>> -> memref<1x!tpu.dma_semaphore, #tpu.memory_space<semaphore_mem>>
      %dma_wait3A_132 = tpu.memref_squeeze %dma_wait3A_131 : memref<1x!tpu.dma_semaphore, #tpu.memory_space<semaphore_mem>> -> memref<!tpu.dma_semaphore, #tpu.memory_space<semaphore_mem>>
      tpu.wait_indirect_dma semaphore(%dma_wait3A_132 : memref<!tpu.dma_semaphore, #tpu.memory_space<semaphore_mem>>) src(%dma_wait3A_130 : memref<100000x128xf32, #tpu.memory_space<hbm>>) dst(%dma_wait3A_124 : memref<128x128xf32, #tpu.memory_space<vmem>>)
      %dma_wait3A_133 = arith.constant 0 : i32
      %dma_wait3A_134 = arith.constant 0 : i32
      %dma_wait3A_135 = tpu.memref_slice %arg9[%rem3A_116, %dma_wait3A_133, %dma_wait3A_134] : memref<2x128x128xf32, #tpu.memory_space<vmem>> -> memref<1x128x128xf32, #tpu.memory_space<vmem>>
      %dma_wait3A_136 = tpu.memref_squeeze %dma_wait3A_135 : memref<1x128x128xf32, #tpu.memory_space<vmem>> -> memref<128x128xf32, #tpu.memory_space<vmem>>
      %dma_wait3A_137 = arith.constant 0 : i32
      %dma_wait3A_138 = tpu.memref_slice %arg7[%rem3A_116, %dma_wait3A_137] : memref<2x128xi32, #tpu.memory_space<vmem>> -> memref<1x128xi32, #tpu.memory_space<vmem>>
      %dma_wait3A_139 = tpu.memref_squeeze %dma_wait3A_138 : memref<1x128xi32, #tpu.memory_space<vmem>> -> memref<128xi32, #tpu.memory_space<vmem>>
      %dma_wait3A_140 = arith.constant 0 : i32
      %dma_wait3A_141 = arith.constant 0 : i32
      %dma_wait3A_142 = tpu.memref_slice %arg2[%dma_wait3A_140, %dma_wait3A_141] : memref<100000x128xf32, #tpu.memory_space<hbm>> -> memref<100000x128xf32, #tpu.memory_space<hbm>>
      %dma_wait3A_143 = tpu.memref_slice %arg12[%rem3A_116] : memref<2x!tpu.dma_semaphore, #tpu.memory_space<semaphore_mem>> -> memref<1x!tpu.dma_semaphore, #tpu.memory_space<semaphore_mem>>
      %dma_wait3A_144 = tpu.memref_squeeze %dma_wait3A_143 : memref<1x!tpu.dma_semaphore, #tpu.memory_space<semaphore_mem>> -> memref<!tpu.dma_semaphore, #tpu.memory_space<semaphore_mem>>
      tpu.wait_indirect_dma semaphore(%dma_wait3A_144 : memref<!tpu.dma_semaphore, #tpu.memory_space<semaphore_mem>>) src(%dma_wait3A_142 : memref<100000x128xf32, #tpu.memory_space<hbm>>) dst(%dma_wait3A_136 : memref<128x128xf32, #tpu.memory_space<vmem>>)
      %add3A_145 = arith.constant 2 : i32
      %add3A_146 = arith.addi %while3A_114, %add3A_145 : i32
      %lt3A_147 = arith.cmpi slt, %add3A_146, %select_n3A : i32
      %convert_element_type3A_148 = arith.extui %lt3A_147 : i1 to i32
      %cond3A_149 = arith.constant 0 : i32
      %cond3A_150 = arith.cmpi ne, %convert_element_type3A_148, %cond3A_149 : i32
      scf.if %cond3A_150 {
        %add3A_183 = arith.constant 2 : i32
        %add3A_184 = arith.addi %while3A_114, %add3A_183 : i32
        %mul3A_185 = arith.constant 128 : i32
        %mul3A_186 = arith.muli %add3A_184, %mul3A_185 : i32
        %add3A_187 = arith.addi %mul3A_2, %mul3A_186 : i32
        %dma_start3A_188 = arith.constant 0 : i32
        %dma_start3A_189 = tpu.memref_slice %arg6[%rem3A_116, %dma_start3A_188] : memref<2x128xi32, #tpu.memory_space<vmem>> -> memref<1x128xi32, #tpu.memory_space<vmem>>
        %dma_start3A_190 = tpu.memref_squeeze %dma_start3A_189 : memref<1x128xi32, #tpu.memory_space<vmem>> -> memref<128xi32, #tpu.memory_space<vmem>>
        %dma_start3A_191 = tpu.memref_slice %arg3[%add3A_187] : memref<1600000xi32, #tpu.memory_space<hbm>> -> memref<128xi32, #tpu.memory_space<hbm>>
        %dma_start3A_192 = tpu.memref_slice %arg11[%rem3A_116] : memref<2x!tpu.dma_semaphore, #tpu.memory_space<semaphore_mem>> -> memref<1x!tpu.dma_semaphore, #tpu.memory_space<semaphore_mem>>
        %dma_start3A_193 = tpu.memref_squeeze %dma_start3A_192 : memref<1x!tpu.dma_semaphore, #tpu.memory_space<semaphore_mem>> -> memref<!tpu.dma_semaphore, #tpu.memory_space<semaphore_mem>>
        %dma_start3A_194 = arith.constant 0 : i32
        %dma_start3A_195 = tpu.memref_slice %arg6[%rem3A_116, %dma_start3A_194] : memref<2x128xi32, #tpu.memory_space<vmem>> -> memref<1x128xi32, #tpu.memory_space<vmem>>
        %dma_start3A_196 = tpu.memref_squeeze %dma_start3A_195 : memref<1x128xi32, #tpu.memory_space<vmem>> -> memref<128xi32, #tpu.memory_space<vmem>>
        %dma_start3A_197 = tpu.memref_slice %arg3[%add3A_187] : memref<1600000xi32, #tpu.memory_space<hbm>> -> memref<128xi32, #tpu.memory_space<hbm>>
        tpu.enqueue_dma source(%dma_start3A_197 : memref<128xi32, #tpu.memory_space<hbm>>) target(%dma_start3A_196 : memref<128xi32, #tpu.memory_space<vmem>>) target_semaphore(%dma_start3A_193 : memref<!tpu.dma_semaphore, #tpu.memory_space<semaphore_mem>>)
        %dma_start3A_198 = arith.constant 0 : i32
        %dma_start3A_199 = tpu.memref_slice %arg7[%rem3A_116, %dma_start3A_198] : memref<2x128xi32, #tpu.memory_space<vmem>> -> memref<1x128xi32, #tpu.memory_space<vmem>>
        %dma_start3A_200 = tpu.memref_squeeze %dma_start3A_199 : memref<1x128xi32, #tpu.memory_space<vmem>> -> memref<128xi32, #tpu.memory_space<vmem>>
        %dma_start3A_201 = tpu.memref_slice %arg4[%add3A_187] : memref<1600000xi32, #tpu.memory_space<hbm>> -> memref<128xi32, #tpu.memory_space<hbm>>
        %dma_start3A_202 = tpu.memref_slice %arg11[%rem3A_116] : memref<2x!tpu.dma_semaphore, #tpu.memory_space<semaphore_mem>> -> memref<1x!tpu.dma_semaphore, #tpu.memory_space<semaphore_mem>>
        %dma_start3A_203 = tpu.memref_squeeze %dma_start3A_202 : memref<1x!tpu.dma_semaphore, #tpu.memory_space<semaphore_mem>> -> memref<!tpu.dma_semaphore, #tpu.memory_space<semaphore_mem>>
        %dma_start3A_204 = arith.constant 0 : i32
        %dma_start3A_205 = tpu.memref_slice %arg7[%rem3A_116, %dma_start3A_204] : memref<2x128xi32, #tpu.memory_space<vmem>> -> memref<1x128xi32, #tpu.memory_space<vmem>>
        %dma_start3A_206 = tpu.memref_squeeze %dma_start3A_205 : memref<1x128xi32, #tpu.memory_space<vmem>> -> memref<128xi32, #tpu.memory_space<vmem>>
        %dma_start3A_207 = tpu.memref_slice %arg4[%add3A_187] : memref<1600000xi32, #tpu.memory_space<hbm>> -> memref<128xi32, #tpu.memory_space<hbm>>
        tpu.enqueue_dma source(%dma_start3A_207 : memref<128xi32, #tpu.memory_space<hbm>>) target(%dma_start3A_206 : memref<128xi32, #tpu.memory_space<vmem>>) target_semaphore(%dma_start3A_203 : memref<!tpu.dma_semaphore, #tpu.memory_space<semaphore_mem>>)
      } else {
      }
      %add3A_151 = arith.constant 1 : i32
      %add3A_152 = arith.addi %while3A_114, %add3A_151 : i32
      %lt3A_153 = arith.cmpi slt, %add3A_152, %select_n3A : i32
      %convert_element_type3A_154 = arith.extui %lt3A_153 : i1 to i32
      %cond3A_155 = arith.constant 0 : i32
      %cond3A_156 = arith.cmpi ne, %convert_element_type3A_154, %cond3A_155 : i32
      scf.if %cond3A_156 {
        %add3A_183 = arith.constant 1 : i32
        %add3A_184 = arith.addi %while3A_114, %add3A_183 : i32
        %mul3A_185 = arith.constant 128 : i32
        %mul3A_186 = arith.muli %add3A_184, %mul3A_185 : i32
        %add3A_187 = arith.addi %mul3A_2, %mul3A_186 : i32
        %dma_wait3A_188 = arith.constant 0 : i32
        %dma_wait3A_189 = tpu.memref_slice %arg6[%rem3A_120, %dma_wait3A_188] : memref<2x128xi32, #tpu.memory_space<vmem>> -> memref<1x128xi32, #tpu.memory_space<vmem>>
        %dma_wait3A_190 = tpu.memref_squeeze %dma_wait3A_189 : memref<1x128xi32, #tpu.memory_space<vmem>> -> memref<128xi32, #tpu.memory_space<vmem>>
        %dma_wait3A_191 = tpu.memref_slice %arg3[%add3A_187] : memref<1600000xi32, #tpu.memory_space<hbm>> -> memref<128xi32, #tpu.memory_space<hbm>>
        %dma_wait3A_192 = tpu.memref_slice %arg11[%rem3A_120] : memref<2x!tpu.dma_semaphore, #tpu.memory_space<semaphore_mem>> -> memref<1x!tpu.dma_semaphore, #tpu.memory_space<semaphore_mem>>
        %dma_wait3A_193 = tpu.memref_squeeze %dma_wait3A_192 : memref<1x!tpu.dma_semaphore, #tpu.memory_space<semaphore_mem>> -> memref<!tpu.dma_semaphore, #tpu.memory_space<semaphore_mem>>
        %dma_wait3A_194 = arith.constant 0 : i32
        %dma_wait3A_195 = tpu.memref_slice %arg6[%rem3A_120, %dma_wait3A_194] : memref<2x128xi32, #tpu.memory_space<vmem>> -> memref<1x128xi32, #tpu.memory_space<vmem>>
        %dma_wait3A_196 = tpu.memref_squeeze %dma_wait3A_195 : memref<1x128xi32, #tpu.memory_space<vmem>> -> memref<128xi32, #tpu.memory_space<vmem>>
        %dma_wait3A_197 = tpu.memref_slice %arg3[%add3A_187] : memref<1600000xi32, #tpu.memory_space<hbm>> -> memref<128xi32, #tpu.memory_space<hbm>>
        tpu.wait_dma2 semaphore(%dma_wait3A_193 : memref<!tpu.dma_semaphore, #tpu.memory_space<semaphore_mem>>) src(%dma_wait3A_197 : memref<128xi32, #tpu.memory_space<hbm>>) dst(%dma_wait3A_196 : memref<128xi32, #tpu.memory_space<vmem>>)
        %dma_wait3A_198 = arith.constant 0 : i32
        %dma_wait3A_199 = tpu.memref_slice %arg7[%rem3A_120, %dma_wait3A_198] : memref<2x128xi32, #tpu.memory_space<vmem>> -> memref<1x128xi32, #tpu.memory_space<vmem>>
        %dma_wait3A_200 = tpu.memref_squeeze %dma_wait3A_199 : memref<1x128xi32, #tpu.memory_space<vmem>> -> memref<128xi32, #tpu.memory_space<vmem>>
        %dma_wait3A_201 = tpu.memref_slice %arg4[%add3A_187] : memref<1600000xi32, #tpu.memory_space<hbm>> -> memref<128xi32, #tpu.memory_space<hbm>>
        %dma_wait3A_202 = tpu.memref_slice %arg11[%rem3A_120] : memref<2x!tpu.dma_semaphore, #tpu.memory_space<semaphore_mem>> -> memref<1x!tpu.dma_semaphore, #tpu.memory_space<semaphore_mem>>
        %dma_wait3A_203 = tpu.memref_squeeze %dma_wait3A_202 : memref<1x!tpu.dma_semaphore, #tpu.memory_space<semaphore_mem>> -> memref<!tpu.dma_semaphore, #tpu.memory_space<semaphore_mem>>
        %dma_wait3A_204 = arith.constant 0 : i32
        %dma_wait3A_205 = tpu.memref_slice %arg7[%rem3A_120, %dma_wait3A_204] : memref<2x128xi32, #tpu.memory_space<vmem>> -> memref<1x128xi32, #tpu.memory_space<vmem>>
        %dma_wait3A_206 = tpu.memref_squeeze %dma_wait3A_205 : memref<1x128xi32, #tpu.memory_space<vmem>> -> memref<128xi32, #tpu.memory_space<vmem>>
        %dma_wait3A_207 = tpu.memref_slice %arg4[%add3A_187] : memref<1600000xi32, #tpu.memory_space<hbm>> -> memref<128xi32, #tpu.memory_space<hbm>>
        tpu.wait_dma2 semaphore(%dma_wait3A_203 : memref<!tpu.dma_semaphore, #tpu.memory_space<semaphore_mem>>) src(%dma_wait3A_207 : memref<128xi32, #tpu.memory_space<hbm>>) dst(%dma_wait3A_206 : memref<128xi32, #tpu.memory_space<vmem>>)
        %dma_start3A_208 = arith.constant 0 : i32
        %dma_start3A_209 = arith.constant 0 : i32
        %dma_start3A_210 = tpu.memref_slice %arg8[%rem3A_120, %dma_start3A_208, %dma_start3A_209] : memref<2x128x128xf32, #tpu.memory_space<vmem>> -> memref<1x128x128xf32, #tpu.memory_space<vmem>>
        %dma_start3A_211 = tpu.memref_squeeze %dma_start3A_210 : memref<1x128x128xf32, #tpu.memory_space<vmem>> -> memref<128x128xf32, #tpu.memory_space<vmem>>
        %dma_start3A_212 = arith.constant 0 : i32
        %dma_start3A_213 = tpu.memref_slice %arg6[%rem3A_120, %dma_start3A_212] : memref<2x128xi32, #tpu.memory_space<vmem>> -> memref<1x128xi32, #tpu.memory_space<vmem>>
        %dma_start3A_214 = tpu.memref_squeeze %dma_start3A_213 : memref<1x128xi32, #tpu.memory_space<vmem>> -> memref<128xi32, #tpu.memory_space<vmem>>
        %dma_start3A_215 = arith.constant 0 : i32
        %dma_start3A_216 = arith.constant 0 : i32
        %dma_start3A_217 = tpu.memref_slice %arg2[%dma_start3A_215, %dma_start3A_216] : memref<100000x128xf32, #tpu.memory_space<hbm>> -> memref<100000x128xf32, #tpu.memory_space<hbm>>
        %dma_start3A_218 = tpu.memref_slice %arg12[%rem3A_120] : memref<2x!tpu.dma_semaphore, #tpu.memory_space<semaphore_mem>> -> memref<1x!tpu.dma_semaphore, #tpu.memory_space<semaphore_mem>>
        %dma_start3A_219 = tpu.memref_squeeze %dma_start3A_218 : memref<1x!tpu.dma_semaphore, #tpu.memory_space<semaphore_mem>> -> memref<!tpu.dma_semaphore, #tpu.memory_space<semaphore_mem>>
        tpu.enqueue_indirect_dma source(%dma_start3A_217 : memref<100000x128xf32, #tpu.memory_space<hbm>>) target(%dma_start3A_211 : memref<128x128xf32, #tpu.memory_space<vmem>>) offsets(%dma_start3A_214 : memref<128xi32, #tpu.memory_space<vmem>>) semaphore(%dma_start3A_219 : memref<!tpu.dma_semaphore, #tpu.memory_space<semaphore_mem>>)
        %dma_start3A_220 = arith.constant 0 : i32
        %dma_start3A_221 = arith.constant 0 : i32
        %dma_start3A_222 = tpu.memref_slice %arg9[%rem3A_120, %dma_start3A_220, %dma_start3A_221] : memref<2x128x128xf32, #tpu.memory_space<vmem>> -> memref<1x128x128xf32, #tpu.memory_space<vmem>>
        %dma_start3A_223 = tpu.memref_squeeze %dma_start3A_222 : memref<1x128x128xf32, #tpu.memory_space<vmem>> -> memref<128x128xf32, #tpu.memory_space<vmem>>
        %dma_start3A_224 = arith.constant 0 : i32
        %dma_start3A_225 = tpu.memref_slice %arg7[%rem3A_120, %dma_start3A_224] : memref<2x128xi32, #tpu.memory_space<vmem>> -> memref<1x128xi32, #tpu.memory_space<vmem>>
        %dma_start3A_226 = tpu.memref_squeeze %dma_start3A_225 : memref<1x128xi32, #tpu.memory_space<vmem>> -> memref<128xi32, #tpu.memory_space<vmem>>
        %dma_start3A_227 = arith.constant 0 : i32
        %dma_start3A_228 = arith.constant 0 : i32
        %dma_start3A_229 = tpu.memref_slice %arg2[%dma_start3A_227, %dma_start3A_228] : memref<100000x128xf32, #tpu.memory_space<hbm>> -> memref<100000x128xf32, #tpu.memory_space<hbm>>
        %dma_start3A_230 = tpu.memref_slice %arg12[%rem3A_120] : memref<2x!tpu.dma_semaphore, #tpu.memory_space<semaphore_mem>> -> memref<1x!tpu.dma_semaphore, #tpu.memory_space<semaphore_mem>>
        %dma_start3A_231 = tpu.memref_squeeze %dma_start3A_230 : memref<1x!tpu.dma_semaphore, #tpu.memory_space<semaphore_mem>> -> memref<!tpu.dma_semaphore, #tpu.memory_space<semaphore_mem>>
        tpu.enqueue_indirect_dma source(%dma_start3A_229 : memref<100000x128xf32, #tpu.memory_space<hbm>>) target(%dma_start3A_223 : memref<128x128xf32, #tpu.memory_space<vmem>>) offsets(%dma_start3A_226 : memref<128xi32, #tpu.memory_space<vmem>>) semaphore(%dma_start3A_231 : memref<!tpu.dma_semaphore, #tpu.memory_space<semaphore_mem>>)
      } else {
      }
      %ge3A_157 = arith.constant 2 : i32
      %ge3A_158 = arith.cmpi sge, %while3A_114, %ge3A_157 : i32
      %convert_element_type3A_159 = arith.extui %ge3A_158 : i1 to i32
      %cond3A_160 = arith.constant 0 : i32
      %cond3A_161 = arith.cmpi ne, %convert_element_type3A_159, %cond3A_160 : i32
      scf.if %cond3A_161 {
        %sub3A_183 = arith.constant 2 : i32
        %sub3A_184 = arith.subi %while3A_114, %sub3A_183 : i32
        %mul3A_185 = arith.constant 128 : i32
        %mul3A_186 = arith.muli %sub3A_184, %mul3A_185 : i32
        %add3A_187 = arith.addi %mul3A_2, %mul3A_186 : i32
        %dma_wait3A_188 = arith.constant 0 : i32
        %dma_wait3A_189 = arith.constant 0 : i32
        %dma_wait3A_190 = tpu.memref_slice %arg10[%rem3A_116, %dma_wait3A_188, %dma_wait3A_189] : memref<2x128x64xf32, #tpu.memory_space<vmem>> -> memref<1x128x64xf32, #tpu.memory_space<vmem>>
        %dma_wait3A_191 = tpu.memref_squeeze %dma_wait3A_190 : memref<1x128x64xf32, #tpu.memory_space<vmem>> -> memref<128x64xf32, #tpu.memory_space<vmem>>
        %dma_wait3A_192 = arith.constant 0 : i32
        %dma_wait3A_193 = tpu.memref_slice %arg5[%add3A_187, %dma_wait3A_192] : memref<1600000x64xf32, #tpu.memory_space<hbm>> -> memref<128x64xf32, #tpu.memory_space<hbm>>
        %dma_wait3A_194 = tpu.memref_slice %arg13[%rem3A_116] : memref<2x!tpu.dma_semaphore, #tpu.memory_space<semaphore_mem>> -> memref<1x!tpu.dma_semaphore, #tpu.memory_space<semaphore_mem>>
        %dma_wait3A_195 = tpu.memref_squeeze %dma_wait3A_194 : memref<1x!tpu.dma_semaphore, #tpu.memory_space<semaphore_mem>> -> memref<!tpu.dma_semaphore, #tpu.memory_space<semaphore_mem>>
        %dma_wait3A_196 = arith.constant 0 : i32
        %dma_wait3A_197 = tpu.memref_slice %arg5[%add3A_187, %dma_wait3A_196] : memref<1600000x64xf32, #tpu.memory_space<hbm>> -> memref<128x64xf32, #tpu.memory_space<hbm>>
        %dma_wait3A_198 = arith.constant 0 : i32
        %dma_wait3A_199 = arith.constant 0 : i32
        %dma_wait3A_200 = tpu.memref_slice %arg10[%rem3A_116, %dma_wait3A_198, %dma_wait3A_199] : memref<2x128x64xf32, #tpu.memory_space<vmem>> -> memref<1x128x64xf32, #tpu.memory_space<vmem>>
        %dma_wait3A_201 = tpu.memref_squeeze %dma_wait3A_200 : memref<1x128x64xf32, #tpu.memory_space<vmem>> -> memref<128x64xf32, #tpu.memory_space<vmem>>
        tpu.wait_dma2 semaphore(%dma_wait3A_195 : memref<!tpu.dma_semaphore, #tpu.memory_space<semaphore_mem>>) src(%dma_wait3A_201 : memref<128x64xf32, #tpu.memory_space<vmem>>) dst(%dma_wait3A_197 : memref<128x64xf32, #tpu.memory_space<hbm>>)
      } else {
      }
      %scan3A = arith.constant 0 : i32
      %scan3A_162 = arith.constant 128 : i32
      %scan3A_163 = arith.addi %scan3A, %scan3A_162 : i32
      %scan3A_164 = arith.constant 2 : i32
      scf.for %scan3A_183 = %scan3A to %scan3A_163 step %scan3A_164  : i32 {
        %get3A = arith.index_cast %rem3A_116 : i32 to index
        %get3A_184 = arith.index_cast %scan3A_183 : i32 to index
        %get3A_185 = arith.constant 0 : index
        %get3A_186 = tpu.vector_load %arg8[%get3A, %get3A_184, %get3A_185] {strides = array<i32>} : memref<2x128x128xf32, #tpu.memory_space<vmem>>, vector<16xf32>,
        %get3A_187 = arith.index_cast %rem3A_116 : i32 to index
        %get3A_188 = arith.index_cast %scan3A_183 : i32 to index
        %get3A_189 = arith.constant 0 : index
        %get3A_190 = tpu.vector_load %arg9[%get3A_187, %get3A_188, %get3A_189] {strides = array<i32>} : memref<2x128x128xf32, #tpu.memory_space<vmem>>, vector<16xf32>,
        %add3A_191 = arith.addf %get3A_186, %get3A_190 : vector<16xf32>
        %swap3A = arith.index_cast %rem3A_116 : i32 to index
        %swap3A_192 = arith.index_cast %scan3A_183 : i32 to index
        %swap3A_193 = arith.constant 0 : index
        %swap3A_194 = tpu.vector_load %arg10[%swap3A, %swap3A_192, %swap3A_193] {strides = array<i32>} : memref<2x128x64xf32, #tpu.memory_space<vmem>>, vector<16xf32>,
        tpu.vector_store %arg10[%swap3A, %swap3A_192, %swap3A_193], %add3A_191 {strides = array<i32>} : memref<2x128x64xf32, #tpu.memory_space<vmem>>, vector<16xf32>,
        %get3A_195 = arith.index_cast %rem3A_116 : i32 to index
        %get3A_196 = arith.index_cast %scan3A_183 : i32 to index
        %get3A_197 = arith.constant 16 : index
        %get3A_198 = tpu.vector_load %arg8[%get3A_195, %get3A_196, %get3A_197] {strides = array<i32>} : memref<2x128x128xf32, #tpu.memory_space<vmem>>, vector<16xf32>,
        %get3A_199 = arith.index_cast %rem3A_116 : i32 to index
        %get3A_200 = arith.index_cast %scan3A_183 : i32 to index
        %get3A_201 = arith.constant 16 : index
        %get3A_202 = tpu.vector_load %arg9[%get3A_199, %get3A_200, %get3A_201] {strides = array<i32>} : memref<2x128x128xf32, #tpu.memory_space<vmem>>, vector<16xf32>,
        %add3A_203 = arith.addf %get3A_198, %get3A_202 : vector<16xf32>
        %swap3A_204 = arith.index_cast %rem3A_116 : i32 to index
        %swap3A_205 = arith.index_cast %scan3A_183 : i32 to index
        %swap3A_206 = arith.constant 16 : index
        %swap3A_207 = tpu.vector_load %arg10[%swap3A_204, %swap3A_205, %swap3A_206] {strides = array<i32>} : memref<2x128x64xf32, #tpu.memory_space<vmem>>, vector<16xf32>,
        tpu.vector_store %arg10[%swap3A_204, %swap3A_205, %swap3A_206], %add3A_203 {strides = array<i32>} : memref<2x128x64xf32, #tpu.memory_space<vmem>>, vector<16xf32>,
        %get3A_208 = arith.index_cast %rem3A_116 : i32 to index
        %get3A_209 = arith.index_cast %scan3A_183 : i32 to index
        %get3A_210 = arith.constant 32 : index
        %get3A_211 = tpu.vector_load %arg8[%get3A_208, %get3A_209, %get3A_210] {strides = array<i32>} : memref<2x128x128xf32, #tpu.memory_space<vmem>>, vector<16xf32>,
        %get3A_212 = arith.index_cast %rem3A_116 : i32 to index
        %get3A_213 = arith.index_cast %scan3A_183 : i32 to index
        %get3A_214 = arith.constant 32 : index
        %get3A_215 = tpu.vector_load %arg9[%get3A_212, %get3A_213, %get3A_214] {strides = array<i32>} : memref<2x128x128xf32, #tpu.memory_space<vmem>>, vector<16xf32>,
        %add3A_216 = arith.addf %get3A_211, %get3A_215 : vector<16xf32>
        %swap3A_217 = arith.index_cast %rem3A_116 : i32 to index
        %swap3A_218 = arith.index_cast %scan3A_183 : i32 to index
        %swap3A_219 = arith.constant 32 : index
        %swap3A_220 = tpu.vector_load %arg10[%swap3A_217, %swap3A_218, %swap3A_219] {strides = array<i32>} : memref<2x128x64xf32, #tpu.memory_space<vmem>>, vector<16xf32>,
        tpu.vector_store %arg10[%swap3A_217, %swap3A_218, %swap3A_219], %add3A_216 {strides = array<i32>} : memref<2x128x64xf32, #tpu.memory_space<vmem>>, vector<16xf32>,
        %get3A_221 = arith.index_cast %rem3A_116 : i32 to index
        %get3A_222 = arith.index_cast %scan3A_183 : i32 to index
        %get3A_223 = arith.constant 48 : index
        %get3A_224 = tpu.vector_load %arg8[%get3A_221, %get3A_222, %get3A_223] {strides = array<i32>} : memref<2x128x128xf32, #tpu.memory_space<vmem>>, vector<16xf32>,
        %get3A_225 = arith.index_cast %rem3A_116 : i32 to index
        %get3A_226 = arith.index_cast %scan3A_183 : i32 to index
        %get3A_227 = arith.constant 48 : index
        %get3A_228 = tpu.vector_load %arg9[%get3A_225, %get3A_226, %get3A_227] {strides = array<i32>} : memref<2x128x128xf32, #tpu.memory_space<vmem>>, vector<16xf32>,
        %add3A_229 = arith.addf %get3A_224, %get3A_228 : vector<16xf32>
        %swap3A_230 = arith.index_cast %rem3A_116 : i32 to index
        %swap3A_231 = arith.index_cast %scan3A_183 : i32 to index
        %swap3A_232 = arith.constant 48 : index
        %swap3A_233 = tpu.vector_load %arg10[%swap3A_230, %swap3A_231, %swap3A_232] {strides = array<i32>} : memref<2x128x64xf32, #tpu.memory_space<vmem>>, vector<16xf32>,
        tpu.vector_store %arg10[%swap3A_230, %swap3A_231, %swap3A_232], %add3A_229 {strides = array<i32>} : memref<2x128x64xf32, #tpu.memory_space<vmem>>, vector<16xf32>,
        %scan3A_234 = arith.constant 1 : i32
        %scan3A_235 = arith.addi %scan3A_183, %scan3A_234 : i32
        %get3A_236 = arith.index_cast %rem3A_116 : i32 to index
        %get3A_237 = arith.index_cast %scan3A_235 : i32 to index
        %get3A_238 = arith.constant 0 : index
        %get3A_239 = tpu.vector_load %arg8[%get3A_236, %get3A_237, %get3A_238] {strides = array<i32>} : memref<2x128x128xf32, #tpu.memory_space<vmem>>, vector<16xf32>,
        %get3A_240 = arith.index_cast %rem3A_116 : i32 to index
        %get3A_241 = arith.index_cast %scan3A_235 : i32 to index
        %get3A_242 = arith.constant 0 : index
        %get3A_243 = tpu.vector_load %arg9[%get3A_240, %get3A_241, %get3A_242] {strides = array<i32>} : memref<2x128x128xf32, #tpu.memory_space<vmem>>, vector<16xf32>,
        %add3A_244 = arith.addf %get3A_239, %get3A_243 : vector<16xf32>
        %swap3A_245 = arith.index_cast %rem3A_116 : i32 to index
        %swap3A_246 = arith.index_cast %scan3A_235 : i32 to index
        %swap3A_247 = arith.constant 0 : index
        %swap3A_248 = tpu.vector_load %arg10[%swap3A_245, %swap3A_246, %swap3A_247] {strides = array<i32>} : memref<2x128x64xf32, #tpu.memory_space<vmem>>, vector<16xf32>,
        tpu.vector_store %arg10[%swap3A_245, %swap3A_246, %swap3A_247], %add3A_244 {strides = array<i32>} : memref<2x128x64xf32, #tpu.memory_space<vmem>>, vector<16xf32>,
        %get3A_249 = arith.index_cast %rem3A_116 : i32 to index
        %get3A_250 = arith.index_cast %scan3A_235 : i32 to index
        %get3A_251 = arith.constant 16 : index
        %get3A_252 = tpu.vector_load %arg8[%get3A_249, %get3A_250, %get3A_251] {strides = array<i32>} : memref<2x128x128xf32, #tpu.memory_space<vmem>>, vector<16xf32>,
        %get3A_253 = arith.index_cast %rem3A_116 : i32 to index
        %get3A_254 = arith.index_cast %scan3A_235 : i32 to index
        %get3A_255 = arith.constant 16 : index
        %get3A_256 = tpu.vector_load %arg9[%get3A_253, %get3A_254, %get3A_255] {strides = array<i32>} : memref<2x128x128xf32, #tpu.memory_space<vmem>>, vector<16xf32>,
        %add3A_257 = arith.addf %get3A_252, %get3A_256 : vector<16xf32>
        %swap3A_258 = arith.index_cast %rem3A_116 : i32 to index
        %swap3A_259 = arith.index_cast %scan3A_235 : i32 to index
        %swap3A_260 = arith.constant 16 : index
        %swap3A_261 = tpu.vector_load %arg10[%swap3A_258, %swap3A_259, %swap3A_260] {strides = array<i32>} : memref<2x128x64xf32, #tpu.memory_space<vmem>>, vector<16xf32>,
        tpu.vector_store %arg10[%swap3A_258, %swap3A_259, %swap3A_260], %add3A_257 {strides = array<i32>} : memref<2x128x64xf32, #tpu.memory_space<vmem>>, vector<16xf32>,
        %get3A_262 = arith.index_cast %rem3A_116 : i32 to index
        %get3A_263 = arith.index_cast %scan3A_235 : i32 to index
        %get3A_264 = arith.constant 32 : index
        %get3A_265 = tpu.vector_load %arg8[%get3A_262, %get3A_263, %get3A_264] {strides = array<i32>} : memref<2x128x128xf32, #tpu.memory_space<vmem>>, vector<16xf32>,
        %get3A_266 = arith.index_cast %rem3A_116 : i32 to index
        %get3A_267 = arith.index_cast %scan3A_235 : i32 to index
        %get3A_268 = arith.constant 32 : index
        %get3A_269 = tpu.vector_load %arg9[%get3A_266, %get3A_267, %get3A_268] {strides = array<i32>} : memref<2x128x128xf32, #tpu.memory_space<vmem>>, vector<16xf32>,
        %add3A_270 = arith.addf %get3A_265, %get3A_269 : vector<16xf32>
        %swap3A_271 = arith.index_cast %rem3A_116 : i32 to index
        %swap3A_272 = arith.index_cast %scan3A_235 : i32 to index
        %swap3A_273 = arith.constant 32 : index
        %swap3A_274 = tpu.vector_load %arg10[%swap3A_271, %swap3A_272, %swap3A_273] {strides = array<i32>} : memref<2x128x64xf32, #tpu.memory_space<vmem>>, vector<16xf32>,
        tpu.vector_store %arg10[%swap3A_271, %swap3A_272, %swap3A_273], %add3A_270 {strides = array<i32>} : memref<2x128x64xf32, #tpu.memory_space<vmem>>, vector<16xf32>,
        %get3A_275 = arith.index_cast %rem3A_116 : i32 to index
        %get3A_276 = arith.index_cast %scan3A_235 : i32 to index
        %get3A_277 = arith.constant 48 : index
        %get3A_278 = tpu.vector_load %arg8[%get3A_275, %get3A_276, %get3A_277] {strides = array<i32>} : memref<2x128x128xf32, #tpu.memory_space<vmem>>, vector<16xf32>,
        %get3A_279 = arith.index_cast %rem3A_116 : i32 to index
        %get3A_280 = arith.index_cast %scan3A_235 : i32 to index
        %get3A_281 = arith.constant 48 : index
        %get3A_282 = tpu.vector_load %arg9[%get3A_279, %get3A_280, %get3A_281] {strides = array<i32>} : memref<2x128x128xf32, #tpu.memory_space<vmem>>, vector<16xf32>,
        %add3A_283 = arith.addf %get3A_278, %get3A_282 : vector<16xf32>
        %swap3A_284 = arith.index_cast %rem3A_116 : i32 to index
        %swap3A_285 = arith.index_cast %scan3A_235 : i32 to index
        %swap3A_286 = arith.constant 48 : index
        %swap3A_287 = tpu.vector_load %arg10[%swap3A_284, %swap3A_285, %swap3A_286] {strides = array<i32>} : memref<2x128x64xf32, #tpu.memory_space<vmem>>, vector<16xf32>,
        tpu.vector_store %arg10[%swap3A_284, %swap3A_285, %swap3A_286], %add3A_283 {strides = array<i32>} : memref<2x128x64xf32, #tpu.memory_space<vmem>>, vector<16xf32>,
      }
      %scan3A_165 = arith.constant 128 : i32
      %mul3A_166 = arith.constant 128 : i32
      %mul3A_167 = arith.muli %while3A_114, %mul3A_166 : i32
      %add3A_168 = arith.addi %mul3A_2, %mul3A_167 : i32
      %dma_start3A_169 = arith.constant 0 : i32
      %dma_start3A_170 = arith.constant 0 : i32
      %dma_start3A_171 = tpu.memref_slice %arg10[%rem3A_116, %dma_start3A_169, %dma_start3A_170] : memref<2x128x64xf32, #tpu.memory_space<vmem>> -> memref<1x128x64xf32, #tpu.memory_space<vmem>>
      %dma_start3A_172 = tpu.memref_squeeze %dma_start3A_171 : memref<1x128x64xf32, #tpu.memory_space<vmem>> -> memref<128x64xf32, #tpu.memory_space<vmem>>
      %dma_start3A_173 = arith.constant 0 : i32
      %dma_start3A_174 = tpu.memref_slice %arg5[%add3A_168, %dma_start3A_173] : memref<1600000x64xf32, #tpu.memory_space<hbm>> -> memref<128x64xf32, #tpu.memory_space<hbm>>
      %dma_start3A_175 = tpu.memref_slice %arg13[%rem3A_116] : memref<2x!tpu.dma_semaphore, #tpu.memory_space<semaphore_mem>> -> memref<1x!tpu.dma_semaphore, #tpu.memory_space<semaphore_mem>>
      %dma_start3A_176 = tpu.memref_squeeze %dma_start3A_175 : memref<1x!tpu.dma_semaphore, #tpu.memory_space<semaphore_mem>> -> memref<!tpu.dma_semaphore, #tpu.memory_space<semaphore_mem>>
      %dma_start3A_177 = arith.constant 0 : i32
      %dma_start3A_178 = tpu.memref_slice %arg5[%add3A_168, %dma_start3A_177] : memref<1600000x64xf32, #tpu.memory_space<hbm>> -> memref<128x64xf32, #tpu.memory_space<hbm>>
      %dma_start3A_179 = arith.constant 0 : i32
      %dma_start3A_180 = arith.constant 0 : i32
      %dma_start3A_181 = tpu.memref_slice %arg10[%rem3A_116, %dma_start3A_179, %dma_start3A_180] : memref<2x128x64xf32, #tpu.memory_space<vmem>> -> memref<1x128x64xf32, #tpu.memory_space<vmem>>
      %dma_start3A_182 = tpu.memref_squeeze %dma_start3A_181 : memref<1x128x64xf32, #tpu.memory_space<vmem>> -> memref<128x64xf32, #tpu.memory_space<vmem>>
      tpu.enqueue_dma source(%dma_start3A_182 : memref<128x64xf32, #tpu.memory_space<vmem>>) target(%dma_start3A_178 : memref<128x64xf32, #tpu.memory_space<hbm>>) target_semaphore(%dma_start3A_176 : memref<!tpu.dma_semaphore, #tpu.memory_space<semaphore_mem>>)
    }
    %sub3A = arith.constant 2 : i32
    %sub3A_95 = arith.subi %select_n3A, %sub3A : i32
    %add3A_96 = arith.constant 0 : i32
    %add3A_97 = arith.addi %sub3A_95, %add3A_96 : i32
    %rem3A = arith.constant 2 : i32
    %rem3A_98 = arith.remsi %add3A_97, %rem3A : i32
    %ge3A = arith.constant 0 : i32
    %ge3A_99 = arith.cmpi sge, %add3A_97, %ge3A : i32
    %convert_element_type3A_100 = arith.extui %ge3A_99 : i1 to i32
    %cond3A_101 = arith.constant 0 : i32
    %cond3A_102 = arith.cmpi ne, %convert_element_type3A_100, %cond3A_101 : i32
    scf.if %cond3A_102 {
      %mul3A_114 = arith.constant 128 : i32
      %mul3A_115 = arith.muli %add3A_97, %mul3A_114 : i32
      %add3A_116 = arith.addi %mul3A_2, %mul3A_115 : i32
      %dma_wait3A_117 = arith.constant 0 : i32
      %dma_wait3A_118 = arith.constant 0 : i32
      %dma_wait3A_119 = tpu.memref_slice %arg10[%rem3A_98, %dma_wait3A_117, %dma_wait3A_118] : memref<2x128x64xf32, #tpu.memory_space<vmem>> -> memref<1x128x64xf32, #tpu.memory_space<vmem>>
      %dma_wait3A_120 = tpu.memref_squeeze %dma_wait3A_119 : memref<1x128x64xf32, #tpu.memory_space<vmem>> -> memref<128x64xf32, #tpu.memory_space<vmem>>
      %dma_wait3A_121 = arith.constant 0 : i32
      %dma_wait3A_122 = tpu.memref_slice %arg5[%add3A_116, %dma_wait3A_121] : memref<1600000x64xf32, #tpu.memory_space<hbm>> -> memref<128x64xf32, #tpu.memory_space<hbm>>
      %dma_wait3A_123 = tpu.memref_slice %arg13[%rem3A_98] : memref<2x!tpu.dma_semaphore, #tpu.memory_space<semaphore_mem>> -> memref<1x!tpu.dma_semaphore, #tpu.memory_space<semaphore_mem>>
      %dma_wait3A_124 = tpu.memref_squeeze %dma_wait3A_123 : memref<1x!tpu.dma_semaphore, #tpu.memory_space<semaphore_mem>> -> memref<!tpu.dma_semaphore, #tpu.memory_space<semaphore_mem>>
      %dma_wait3A_125 = arith.constant 0 : i32
      %dma_wait3A_126 = tpu.memref_slice %arg5[%add3A_116, %dma_wait3A_125] : memref<1600000x64xf32, #tpu.memory_space<hbm>> -> memref<128x64xf32, #tpu.memory_space<hbm>>
      %dma_wait3A_127 = arith.constant 0 : i32
      %dma_wait3A_128 = arith.constant 0 : i32
      %dma_wait3A_129 = tpu.memref_slice %arg10[%rem3A_98, %dma_wait3A_127, %dma_wait3A_128] : memref<2x128x64xf32, #tpu.memory_space<vmem>> -> memref<1x128x64xf32, #tpu.memory_space<vmem>>
      %dma_wait3A_130 = tpu.memref_squeeze %dma_wait3A_129 : memref<1x128x64xf32, #tpu.memory_space<vmem>> -> memref<128x64xf32, #tpu.memory_space<vmem>>
      tpu.wait_dma2 semaphore(%dma_wait3A_124 : memref<!tpu.dma_semaphore, #tpu.memory_space<semaphore_mem>>) src(%dma_wait3A_130 : memref<128x64xf32, #tpu.memory_space<vmem>>) dst(%dma_wait3A_126 : memref<128x64xf32, #tpu.memory_space<hbm>>)
    } else {
    }
    %sub3A_103 = arith.constant 2 : i32
    %sub3A_104 = arith.subi %select_n3A, %sub3A_103 : i32
    %add3A_105 = arith.constant 1 : i32
    %add3A_106 = arith.addi %sub3A_104, %add3A_105 : i32
    %rem3A_107 = arith.constant 2 : i32
    %rem3A_108 = arith.remsi %add3A_106, %rem3A_107 : i32
    %ge3A_109 = arith.constant 0 : i32
    %ge3A_110 = arith.cmpi sge, %add3A_106, %ge3A_109 : i32
    %convert_element_type3A_111 = arith.extui %ge3A_110 : i1 to i32
    %cond3A_112 = arith.constant 0 : i32
    %cond3A_113 = arith.cmpi ne, %convert_element_type3A_111, %cond3A_112 : i32
    scf.if %cond3A_113 {
      %mul3A_114 = arith.constant 128 : i32
      %mul3A_115 = arith.muli %add3A_106, %mul3A_114 : i32
      %add3A_116 = arith.addi %mul3A_2, %mul3A_115 : i32
      %dma_wait3A_117 = arith.constant 0 : i32
      %dma_wait3A_118 = arith.constant 0 : i32
      %dma_wait3A_119 = tpu.memref_slice %arg10[%rem3A_108, %dma_wait3A_117, %dma_wait3A_118] : memref<2x128x64xf32, #tpu.memory_space<vmem>> -> memref<1x128x64xf32, #tpu.memory_space<vmem>>
      %dma_wait3A_120 = tpu.memref_squeeze %dma_wait3A_119 : memref<1x128x64xf32, #tpu.memory_space<vmem>> -> memref<128x64xf32, #tpu.memory_space<vmem>>
      %dma_wait3A_121 = arith.constant 0 : i32
      %dma_wait3A_122 = tpu.memref_slice %arg5[%add3A_116, %dma_wait3A_121] : memref<1600000x64xf32, #tpu.memory_space<hbm>> -> memref<128x64xf32, #tpu.memory_space<hbm>>
      %dma_wait3A_123 = tpu.memref_slice %arg13[%rem3A_108] : memref<2x!tpu.dma_semaphore, #tpu.memory_space<semaphore_mem>> -> memref<1x!tpu.dma_semaphore, #tpu.memory_space<semaphore_mem>>
      %dma_wait3A_124 = tpu.memref_squeeze %dma_wait3A_123 : memref<1x!tpu.dma_semaphore, #tpu.memory_space<semaphore_mem>> -> memref<!tpu.dma_semaphore, #tpu.memory_space<semaphore_mem>>
      %dma_wait3A_125 = arith.constant 0 : i32
      %dma_wait3A_126 = tpu.memref_slice %arg5[%add3A_116, %dma_wait3A_125] : memref<1600000x64xf32, #tpu.memory_space<hbm>> -> memref<128x64xf32, #tpu.memory_space<hbm>>
      %dma_wait3A_127 = arith.constant 0 : i32
      %dma_wait3A_128 = arith.constant 0 : i32
      %dma_wait3A_129 = tpu.memref_slice %arg10[%rem3A_108, %dma_wait3A_127, %dma_wait3A_128] : memref<2x128x64xf32, #tpu.memory_space<vmem>> -> memref<1x128x64xf32, #tpu.memory_space<vmem>>
      %dma_wait3A_130 = tpu.memref_squeeze %dma_wait3A_129 : memref<1x128x64xf32, #tpu.memory_space<vmem>> -> memref<128x64xf32, #tpu.memory_space<vmem>>
      tpu.wait_dma2 semaphore(%dma_wait3A_124 : memref<!tpu.dma_semaphore, #tpu.memory_space<semaphore_mem>>) src(%dma_wait3A_130 : memref<128x64xf32, #tpu.memory_space<vmem>>) dst(%dma_wait3A_126 : memref<128x64xf32, #tpu.memory_space<hbm>>)
    } else {
    }
    return
  }
}

#map = affine_map<(d0, d1) -> (0)>
#map1 = affine_map<(d0, d1) -> (0, 0)>
module attributes {stable_mosaic.version = 14 : i64} {
  func.func @_aggregate_body(%arg0: i32, %arg1: i32, %arg2: memref<1602048xf32, #tpu.memory_space<hbm>>, %arg3: memref<1602048xf32, #tpu.memory_space<hbm>>, %arg4: memref<1602048xf32, #tpu.memory_space<hbm>>, %arg5: memref<1602048xi32, #tpu.memory_space<hbm>>, %arg6: memref<16x16xf32, #tpu.memory_space<hbm>>, %arg7: memref<48xi32, #tpu.memory_space<hbm>>, %arg8: memref<100000x64xf32, #tpu.memory_space<hbm>>, %arg9: memref<2x2048xf32, #tpu.memory_space<vmem>>, %arg10: memref<2x2048xf32, #tpu.memory_space<vmem>>, %arg11: memref<2x2048xf32, #tpu.memory_space<vmem>>, %arg12: memref<2x2048xi32, #tpu.memory_space<vmem>>, %arg13: memref<16x16xf32, #tpu.memory_space<vmem>>, %arg14: memref<48xi32, #tpu.memory_space<vmem>>, %arg15: memref<68752xf32, #tpu.memory_space<vmem>>, %arg16: memref<625x64xf32, #tpu.memory_space<vmem>>, %arg17: memref<2x!tpu.dma_semaphore, #tpu.memory_space<semaphore_mem>>) attributes {dimension_semantics = [#tpu.dimension_semantics<core_parallel>, #tpu.dimension_semantics<subcore_parallel>], iteration_bounds = array<i64: 2, 16>, scalar_prefetch = 0 : i64, scratch_operands = 9 : i64, tpu.core_type = #tpu.core_type<sc_vector_subcore>, window_params = [{transform_indices = #map}, {transform_indices = #map}, {transform_indices = #map}, {transform_indices = #map}, {transform_indices = #map1}, {transform_indices = #map}, {transform_indices = #map1}]} {
    %mul3A = arith.constant 2 : i32
    %mul3A_0 = arith.muli %arg1, %mul3A : i32
    %add3A = arith.addi %mul3A_0, %arg0 : i32
    %mul3A_1 = arith.constant 3125 : i32
    %mul3A_2 = arith.muli %add3A, %mul3A_1 : i32
    %iota3A = tpu.iota {dimensions = array<i32: 0>} : vector<16xi32>
    "tpu.region"() ({
      %run_scoped3A = tpu.sem_alloc : memref<!tpu.dma_semaphore, #tpu.memory_space<semaphore_mem>>
      tpu.enqueue_dma source(%arg6 : memref<16x16xf32, #tpu.memory_space<hbm>>) target(%arg13 : memref<16x16xf32, #tpu.memory_space<vmem>>) target_semaphore(%run_scoped3A : memref<!tpu.dma_semaphore, #tpu.memory_space<semaphore_mem>>)
      tpu.wait_dma2 semaphore(%run_scoped3A : memref<!tpu.dma_semaphore, #tpu.memory_space<semaphore_mem>>) src(%arg6 : memref<16x16xf32, #tpu.memory_space<hbm>>) dst(%arg13 : memref<16x16xf32, #tpu.memory_space<vmem>>)
      tpu.yield
    }) : () -> ()
    "tpu.region"() ({
      %run_scoped3A = tpu.sem_alloc : memref<!tpu.dma_semaphore, #tpu.memory_space<semaphore_mem>>
      tpu.enqueue_dma source(%arg7 : memref<48xi32, #tpu.memory_space<hbm>>) target(%arg14 : memref<48xi32, #tpu.memory_space<vmem>>) target_semaphore(%run_scoped3A : memref<!tpu.dma_semaphore, #tpu.memory_space<semaphore_mem>>)
      tpu.wait_dma2 semaphore(%run_scoped3A : memref<!tpu.dma_semaphore, #tpu.memory_space<semaphore_mem>>) src(%arg7 : memref<48xi32, #tpu.memory_space<hbm>>) dst(%arg14 : memref<48xi32, #tpu.memory_space<vmem>>)
      tpu.yield
    }) : () -> ()
    %get3A = arith.constant 0 : index
    %get3A_3 = tpu.vector_load %arg14[%get3A] {strides = array<i32>} : memref<48xi32, #tpu.memory_space<vmem>>, vector<16xi32>,
    %get3A_4 = arith.constant 16 : index
    %get3A_5 = tpu.vector_load %arg14[%get3A_4] {strides = array<i32>} : memref<48xi32, #tpu.memory_space<vmem>>, vector<16xi32>,
    %get3A_6 = arith.constant 32 : index
    %get3A_7 = tpu.vector_load %arg14[%get3A_6] {strides = array<i32>} : memref<48xi32, #tpu.memory_space<vmem>>, vector<16xi32>,
    %lt3A = arith.constant 16 : i32
    %lt3A_8 = arith.cmpi slt, %add3A, %lt3A : i32
    %lt3A_9 = arith.constant 32 : i32
    %lt3A_10 = arith.cmpi slt, %add3A, %lt3A_9 : i32
    %select_n3A = arith.select %lt3A_10, %get3A_5, %get3A_7 : vector<16xi32>
    %select_n3A_11 = arith.select %lt3A_8, %get3A_3, %select_n3A : vector<16xi32>
    %jit3A = arith.constant 16 : i32
    %eq3A = arith.constant 0 : i32
    %eq3A_12 = arith.cmpi eq, %jit3A, %eq3A : i32
    %jit3A_13 = arith.constant 1 : i32
    %select_n3A_14 = arith.select %eq3A_12, %jit3A_13, %jit3A : i32
    %rem3A = arith.remsi %add3A, %select_n3A_14 : i32
    %ne3A = arith.constant 0 : i32
    %ne3A_15 = arith.cmpi ne, %rem3A, %ne3A : i32
    %lt3A_16 = arith.constant 0 : i32
    %lt3A_17 = arith.cmpi slt, %rem3A, %lt3A_16 : i32
    %lt3A_18 = arith.constant 0 : i32
    %lt3A_19 = arith.cmpi slt, %select_n3A_14, %lt3A_18 : i32
    %ne3A_20 = arith.xori %lt3A_17, %lt3A_19 : i1
    %and3A = arith.andi %ne3A_20, %ne3A_15 : i1
    %add3A_21 = arith.addi %rem3A, %select_n3A_14 : i32
    %select_n3A_22 = arith.select %and3A, %add3A_21, %rem3A : i32
    %eq3A_23 = vector.broadcast %select_n3A_22 : i32 to vector<16xi32>
    %eq3A_24 = arith.cmpi eq, %iota3A, %eq3A_23 : vector<16xi32>
    %jit3A_25 = arith.constant 0 : i32
    %broadcast_in_dim3A = vector.broadcast %jit3A_25 : i32 to vector<16xi32>
    %select_n3A_26 = arith.select %eq3A_24, %select_n3A_11, %broadcast_in_dim3A : vector<16xi1>, vector<16xi32>
    %reduce_max3A = arith.constant true
    %reduce_max3A_27 = vector.broadcast %reduce_max3A : i1 to vector<16xi1>
    %reduce_max3A_28 = arith.constant -2147483648 : i32
    %reduce_max3A_29 = vector.broadcast %reduce_max3A_28 : i32 to vector<16xi32>
    %reduce_max3A_30 = arith.xori %select_n3A_26, %reduce_max3A_29 : vector<16xi32>
    %reduce_max3A_31 = tpu.scan <max>, %reduce_max3A_30 masked %reduce_max3A_27 : vector<16xi32>, vector<16xi1> -> vector<16xi32>
    %reduce_max3A_32 = arith.xori %reduce_max3A_31, %reduce_max3A_29 : vector<16xi32>
    %reduce_max3A_33 = vector.extract %reduce_max3A_32[15] : i32 from vector<16xi32>
    %add3A_34 = arith.constant 1 : i32
    %add3A_35 = arith.addi %add3A, %add3A_34 : i32
    %lt3A_36 = arith.constant 16 : i32
    %lt3A_37 = arith.cmpi slt, %add3A_35, %lt3A_36 : i32
    %lt3A_38 = arith.constant 32 : i32
    %lt3A_39 = arith.cmpi slt, %add3A_35, %lt3A_38 : i32
    %select_n3A_40 = arith.select %lt3A_39, %get3A_5, %get3A_7 : vector<16xi32>
    %select_n3A_41 = arith.select %lt3A_37, %get3A_3, %select_n3A_40 : vector<16xi32>
    %jit3A_42 = arith.constant 16 : i32
    %eq3A_43 = arith.constant 0 : i32
    %eq3A_44 = arith.cmpi eq, %jit3A_42, %eq3A_43 : i32
    %jit3A_45 = arith.constant 1 : i32
    %select_n3A_46 = arith.select %eq3A_44, %jit3A_45, %jit3A_42 : i32
    %rem3A_47 = arith.remsi %add3A_35, %select_n3A_46 : i32
    %ne3A_48 = arith.constant 0 : i32
    %ne3A_49 = arith.cmpi ne, %rem3A_47, %ne3A_48 : i32
    %lt3A_50 = arith.constant 0 : i32
    %lt3A_51 = arith.cmpi slt, %rem3A_47, %lt3A_50 : i32
    %lt3A_52 = arith.constant 0 : i32
    %lt3A_53 = arith.cmpi slt, %select_n3A_46, %lt3A_52 : i32
    %ne3A_54 = arith.xori %lt3A_51, %lt3A_53 : i1
    %and3A_55 = arith.andi %ne3A_54, %ne3A_49 : i1
    %add3A_56 = arith.addi %rem3A_47, %select_n3A_46 : i32
    %select_n3A_57 = arith.select %and3A_55, %add3A_56, %rem3A_47 : i32
    %eq3A_58 = vector.broadcast %select_n3A_57 : i32 to vector<16xi32>
    %eq3A_59 = arith.cmpi eq, %iota3A, %eq3A_58 : vector<16xi32>
    %jit3A_60 = arith.constant 0 : i32
    %broadcast_in_dim3A_61 = vector.broadcast %jit3A_60 : i32 to vector<16xi32>
    %select_n3A_62 = arith.select %eq3A_59, %select_n3A_41, %broadcast_in_dim3A_61 : vector<16xi1>, vector<16xi32>
    %reduce_max3A_63 = arith.constant true
    %reduce_max3A_64 = vector.broadcast %reduce_max3A_63 : i1 to vector<16xi1>
    %reduce_max3A_65 = arith.constant -2147483648 : i32
    %reduce_max3A_66 = vector.broadcast %reduce_max3A_65 : i32 to vector<16xi32>
    %reduce_max3A_67 = arith.xori %select_n3A_62, %reduce_max3A_66 : vector<16xi32>
    %reduce_max3A_68 = tpu.scan <max>, %reduce_max3A_67 masked %reduce_max3A_64 : vector<16xi32>, vector<16xi1> -> vector<16xi32>
    %reduce_max3A_69 = arith.xori %reduce_max3A_68, %reduce_max3A_66 : vector<16xi32>
    %reduce_max3A_70 = vector.extract %reduce_max3A_69[15] : i32 from vector<16xi32>
    %jit3A_71 = arith.constant 8 : i32
    %div3A = arith.divsi %reduce_max3A_33, %jit3A_71 : i32
    %sign3A = arith.constant 0 : i32
    %sign3A_72 = arith.cmpi sgt, %reduce_max3A_33, %sign3A : i32
    %sign3A_73 = arith.extui %sign3A_72 : i1 to i32
    %sign3A_74 = arith.constant 0 : i32
    %sign3A_75 = arith.cmpi slt, %reduce_max3A_33, %sign3A_74 : i32
    %sign3A_76 = arith.extui %sign3A_75 : i1 to i32
    %sign3A_77 = arith.subi %sign3A_73, %sign3A_76 : i32
    %sign3A_78 = arith.constant 0 : i32
    %sign3A_79 = arith.cmpi sgt, %jit3A_71, %sign3A_78 : i32
    %sign3A_80 = arith.extui %sign3A_79 : i1 to i32
    %sign3A_81 = arith.constant 0 : i32
    %sign3A_82 = arith.cmpi slt, %jit3A_71, %sign3A_81 : i32
    %sign3A_83 = arith.extui %sign3A_82 : i1 to i32
    %sign3A_84 = arith.subi %sign3A_80, %sign3A_83 : i32
    %ne3A_85 = arith.cmpi ne, %sign3A_77, %sign3A_84 : i32
    %rem3A_86 = arith.remsi %reduce_max3A_33, %jit3A_71 : i32
    %ne3A_87 = arith.constant 0 : i32
    %ne3A_88 = arith.cmpi ne, %rem3A_86, %ne3A_87 : i32
    %and3A_89 = arith.andi %ne3A_85, %ne3A_88 : i1
    %sub3A = arith.constant 1 : i32
    %sub3A_90 = arith.subi %div3A, %sub3A : i32
    %select_n3A_91 = arith.select %and3A_89, %sub3A_90, %div3A : i32
    %mul3A_92 = arith.constant 8 : i32
    %mul3A_93 = arith.muli %select_n3A_91, %mul3A_92 : i32
    %sub3A_94 = arith.subi %reduce_max3A_70, %mul3A_93 : i32
    %add3A_95 = arith.constant 2048 : i32
    %add3A_96 = arith.addi %sub3A_94, %add3A_95 : i32
    %sub3A_97 = arith.constant 1 : i32
    %sub3A_98 = arith.subi %add3A_96, %sub3A_97 : i32
    %jit3A_99 = arith.constant 2048 : i32
    %div3A_100 = arith.divsi %sub3A_98, %jit3A_99 : i32
    %sign3A_101 = arith.constant 0 : i32
    %sign3A_102 = arith.cmpi sgt, %sub3A_98, %sign3A_101 : i32
    %sign3A_103 = arith.extui %sign3A_102 : i1 to i32
    %sign3A_104 = arith.constant 0 : i32
    %sign3A_105 = arith.cmpi slt, %sub3A_98, %sign3A_104 : i32
    %sign3A_106 = arith.extui %sign3A_105 : i1 to i32
    %sign3A_107 = arith.subi %sign3A_103, %sign3A_106 : i32
    %sign3A_108 = arith.constant 0 : i32
    %sign3A_109 = arith.cmpi sgt, %jit3A_99, %sign3A_108 : i32
    %sign3A_110 = arith.extui %sign3A_109 : i1 to i32
    %sign3A_111 = arith.constant 0 : i32
    %sign3A_112 = arith.cmpi slt, %jit3A_99, %sign3A_111 : i32
    %sign3A_113 = arith.extui %sign3A_112 : i1 to i32
    %sign3A_114 = arith.subi %sign3A_110, %sign3A_113 : i32
    %ne3A_115 = arith.cmpi ne, %sign3A_107, %sign3A_114 : i32
    %rem3A_116 = arith.remsi %sub3A_98, %jit3A_99 : i32
    %ne3A_117 = arith.constant 0 : i32
    %ne3A_118 = arith.cmpi ne, %rem3A_116, %ne3A_117 : i32
    %and3A_119 = arith.andi %ne3A_115, %ne3A_118 : i1
    %sub3A_120 = arith.constant 1 : i32
    %sub3A_121 = arith.subi %div3A_100, %sub3A_120 : i32
    %select_n3A_122 = arith.select %and3A_119, %sub3A_121, %div3A_100 : i32
    %scan3A = arith.constant 0 : i32
    %scan3A_123 = arith.constant 4296 : i32
    %scan3A_124 = arith.addi %scan3A, %scan3A_123 : i32
    %scan3A_125 = arith.constant 4 : i32
    scf.for %scan3A_192 = %scan3A to %scan3A_124 step %scan3A_125  : i32 {
      %broadcast_in_dim3A_193 = arith.constant 0.000000e+00 : f32
      %broadcast_in_dim3A_194 = vector.broadcast %broadcast_in_dim3A_193 : f32 to vector<16xf32>
      %mul3A_195 = arith.constant 16 : i32
      %mul3A_196 = arith.muli %scan3A_192, %mul3A_195 : i32
      %swap3A_197 = arith.index_cast %mul3A_196 : i32 to index
      %swap3A_198 = tpu.vector_load %arg15[%swap3A_197] {strides = array<i32>} : memref<68752xf32, #tpu.memory_space<vmem>>, vector<16xf32>,
      tpu.vector_store %arg15[%swap3A_197], %broadcast_in_dim3A_194 {strides = array<i32>} : memref<68752xf32, #tpu.memory_space<vmem>>, vector<16xf32>,
      %scan3A_199 = arith.constant 1 : i32
      %scan3A_200 = arith.addi %scan3A_192, %scan3A_199 : i32
      %broadcast_in_dim3A_201 = arith.constant 0.000000e+00 : f32
      %broadcast_in_dim3A_202 = vector.broadcast %broadcast_in_dim3A_201 : f32 to vector<16xf32>
      %mul3A_203 = arith.constant 16 : i32
      %mul3A_204 = arith.muli %scan3A_200, %mul3A_203 : i32
      %swap3A_205 = arith.index_cast %mul3A_204 : i32 to index
      %swap3A_206 = tpu.vector_load %arg15[%swap3A_205] {strides = array<i32>} : memref<68752xf32, #tpu.memory_space<vmem>>, vector<16xf32>,
      tpu.vector_store %arg15[%swap3A_205], %broadcast_in_dim3A_202 {strides = array<i32>} : memref<68752xf32, #tpu.memory_space<vmem>>, vector<16xf32>,
      %scan3A_207 = arith.constant 2 : i32
      %scan3A_208 = arith.addi %scan3A_192, %scan3A_207 : i32
      %broadcast_in_dim3A_209 = arith.constant 0.000000e+00 : f32
      %broadcast_in_dim3A_210 = vector.broadcast %broadcast_in_dim3A_209 : f32 to vector<16xf32>
      %mul3A_211 = arith.constant 16 : i32
      %mul3A_212 = arith.muli %scan3A_208, %mul3A_211 : i32
      %swap3A_213 = arith.index_cast %mul3A_212 : i32 to index
      %swap3A_214 = tpu.vector_load %arg15[%swap3A_213] {strides = array<i32>} : memref<68752xf32, #tpu.memory_space<vmem>>, vector<16xf32>,
      tpu.vector_store %arg15[%swap3A_213], %broadcast_in_dim3A_210 {strides = array<i32>} : memref<68752xf32, #tpu.memory_space<vmem>>, vector<16xf32>,
      %scan3A_215 = arith.constant 3 : i32
      %scan3A_216 = arith.addi %scan3A_192, %scan3A_215 : i32
      %broadcast_in_dim3A_217 = arith.constant 0.000000e+00 : f32
      %broadcast_in_dim3A_218 = vector.broadcast %broadcast_in_dim3A_217 : f32 to vector<16xf32>
      %mul3A_219 = arith.constant 16 : i32
      %mul3A_220 = arith.muli %scan3A_216, %mul3A_219 : i32
      %swap3A_221 = arith.index_cast %mul3A_220 : i32 to index
      %swap3A_222 = tpu.vector_load %arg15[%swap3A_221] {strides = array<i32>} : memref<68752xf32, #tpu.memory_space<vmem>>, vector<16xf32>,
      tpu.vector_store %arg15[%swap3A_221], %broadcast_in_dim3A_218 {strides = array<i32>} : memref<68752xf32, #tpu.memory_space<vmem>>, vector<16xf32>,
    }
    %scan3A_126 = arith.constant 4296 : i32
    %scan3A_127 = arith.addi %scan3A, %scan3A_126 : i32
    %broadcast_in_dim3A_128 = arith.constant 0.000000e+00 : f32
    %broadcast_in_dim3A_129 = vector.broadcast %broadcast_in_dim3A_128 : f32 to vector<16xf32>
    %mul3A_130 = arith.constant 16 : i32
    %mul3A_131 = arith.muli %scan3A_127, %mul3A_130 : i32
    %swap3A = arith.index_cast %mul3A_131 : i32 to index
    %swap3A_132 = tpu.vector_load %arg15[%swap3A] {strides = array<i32>} : memref<68752xf32, #tpu.memory_space<vmem>>, vector<16xf32>,
    tpu.vector_store %arg15[%swap3A], %broadcast_in_dim3A_129 {strides = array<i32>} : memref<68752xf32, #tpu.memory_space<vmem>>, vector<16xf32>,
    %scan3A_133 = arith.constant 4297 : i32
    %get3A_134 = arith.constant 0 : i32
    %get3A_135 = arith.index_cast %get3A_134 : i32 to index
    %get3A_136 = arith.constant 0 : index
    %get3A_137 = tpu.vector_load %arg13[%get3A_135, %get3A_136] {strides = array<i32>} : memref<16x16xf32, #tpu.memory_space<vmem>>, vector<16xf32>,
    %get3A_138 = arith.constant 1 : i32
    %get3A_139 = arith.index_cast %get3A_138 : i32 to index
    %get3A_140 = arith.constant 0 : index
    %get3A_141 = tpu.vector_load %arg13[%get3A_139, %get3A_140] {strides = array<i32>} : memref<16x16xf32, #tpu.memory_space<vmem>>, vector<16xf32>,
    %get3A_142 = arith.constant 2 : i32
    %get3A_143 = arith.index_cast %get3A_142 : i32 to index
    %get3A_144 = arith.constant 0 : index
    %get3A_145 = tpu.vector_load %arg13[%get3A_143, %get3A_144] {strides = array<i32>} : memref<16x16xf32, #tpu.memory_space<vmem>>, vector<16xf32>,
    %get3A_146 = arith.constant 3 : i32
    %get3A_147 = arith.index_cast %get3A_146 : i32 to index
    %get3A_148 = arith.constant 0 : index
    %get3A_149 = tpu.vector_load %arg13[%get3A_147, %get3A_148] {strides = array<i32>} : memref<16x16xf32, #tpu.memory_space<vmem>>, vector<16xf32>,
    %get3A_150 = arith.constant 4 : i32
    %get3A_151 = arith.index_cast %get3A_150 : i32 to index
    %get3A_152 = arith.constant 0 : index
    %get3A_153 = tpu.vector_load %arg13[%get3A_151, %get3A_152] {strides = array<i32>} : memref<16x16xf32, #tpu.memory_space<vmem>>, vector<16xf32>,
    %get3A_154 = arith.constant 5 : i32
    %get3A_155 = arith.index_cast %get3A_154 : i32 to index
    %get3A_156 = arith.constant 0 : index
    %get3A_157 = tpu.vector_load %arg13[%get3A_155, %get3A_156] {strides = array<i32>} : memref<16x16xf32, #tpu.memory_space<vmem>>, vector<16xf32>,
    %get3A_158 = arith.constant 6 : i32
    %get3A_159 = arith.index_cast %get3A_158 : i32 to index
    %get3A_160 = arith.constant 0 : index
    %get3A_161 = tpu.vector_load %arg13[%get3A_159, %get3A_160] {strides = array<i32>} : memref<16x16xf32, #tpu.memory_space<vmem>>, vector<16xf32>,
    %get3A_162 = arith.constant 7 : i32
    %get3A_163 = arith.index_cast %get3A_162 : i32 to index
    %get3A_164 = arith.constant 0 : index
    %get3A_165 = tpu.vector_load %arg13[%get3A_163, %get3A_164] {strides = array<i32>} : memref<16x16xf32, #tpu.memory_space<vmem>>, vector<16xf32>,
    %get3A_166 = arith.constant 8 : i32
    %get3A_167 = arith.index_cast %get3A_166 : i32 to index
    %get3A_168 = arith.constant 0 : index
    %get3A_169 = tpu.vector_load %arg13[%get3A_167, %get3A_168] {strides = array<i32>} : memref<16x16xf32, #tpu.memory_space<vmem>>, vector<16xf32>,
    %get3A_170 = arith.constant 9 : i32
    %get3A_171 = arith.index_cast %get3A_170 : i32 to index
    %get3A_172 = arith.constant 0 : index
    %get3A_173 = tpu.vector_load %arg13[%get3A_171, %get3A_172] {strides = array<i32>} : memref<16x16xf32, #tpu.memory_space<vmem>>, vector<16xf32>,
    %gt3A = arith.constant 0 : i32
    %gt3A_174 = arith.cmpi sgt, %select_n3A_122, %gt3A : i32
    %convert_element_type3A = arith.extui %gt3A_174 : i1 to i32
    %cond3A = arith.constant 0 : i32
    %cond3A_175 = arith.cmpi ne, %convert_element_type3A, %cond3A : i32
    scf.if %cond3A_175 {
      %add3A_192 = arith.constant 0 : i32
      %add3A_193 = arith.addi %mul3A_93, %add3A_192 : i32
      %dma_start3A = arith.constant 0 : i32
      %dma_start3A_194 = arith.constant 0 : i32
      %dma_start3A_195 = arith.constant 0 : i32
      %dma_start3A_196 = tpu.memref_slice %arg9[%dma_start3A, %dma_start3A_195] : memref<2x2048xf32, #tpu.memory_space<vmem>> -> memref<1x2048xf32, #tpu.memory_space<vmem>>
      %dma_start3A_197 = tpu.memref_squeeze %dma_start3A_196 : memref<1x2048xf32, #tpu.memory_space<vmem>> -> memref<2048xf32, #tpu.memory_space<vmem>>
      %dma_start3A_198 = tpu.memref_slice %arg2[%add3A_193] : memref<1602048xf32, #tpu.memory_space<hbm>> -> memref<2048xf32, #tpu.memory_space<hbm>>
      %dma_start3A_199 = tpu.memref_slice %arg17[%dma_start3A_194] : memref<2x!tpu.dma_semaphore, #tpu.memory_space<semaphore_mem>> -> memref<1x!tpu.dma_semaphore, #tpu.memory_space<semaphore_mem>>
      %dma_start3A_200 = tpu.memref_squeeze %dma_start3A_199 : memref<1x!tpu.dma_semaphore, #tpu.memory_space<semaphore_mem>> -> memref<!tpu.dma_semaphore, #tpu.memory_space<semaphore_mem>>
      %dma_start3A_201 = arith.constant 0 : i32
      %dma_start3A_202 = tpu.memref_slice %arg9[%dma_start3A, %dma_start3A_201] : memref<2x2048xf32, #tpu.memory_space<vmem>> -> memref<1x2048xf32, #tpu.memory_space<vmem>>
      %dma_start3A_203 = tpu.memref_squeeze %dma_start3A_202 : memref<1x2048xf32, #tpu.memory_space<vmem>> -> memref<2048xf32, #tpu.memory_space<vmem>>
      %dma_start3A_204 = tpu.memref_slice %arg2[%add3A_193] : memref<1602048xf32, #tpu.memory_space<hbm>> -> memref<2048xf32, #tpu.memory_space<hbm>>
      tpu.enqueue_dma source(%dma_start3A_204 : memref<2048xf32, #tpu.memory_space<hbm>>) target(%dma_start3A_203 : memref<2048xf32, #tpu.memory_space<vmem>>) target_semaphore(%dma_start3A_200 : memref<!tpu.dma_semaphore, #tpu.memory_space<semaphore_mem>>)
      %dma_start3A_205 = arith.constant 0 : i32
      %dma_start3A_206 = arith.constant 0 : i32
      %dma_start3A_207 = arith.constant 0 : i32
      %dma_start3A_208 = tpu.memref_slice %arg10[%dma_start3A_205, %dma_start3A_207] : memref<2x2048xf32, #tpu.memory_space<vmem>> -> memref<1x2048xf32, #tpu.memory_space<vmem>>
      %dma_start3A_209 = tpu.memref_squeeze %dma_start3A_208 : memref<1x2048xf32, #tpu.memory_space<vmem>> -> memref<2048xf32, #tpu.memory_space<vmem>>
      %dma_start3A_210 = tpu.memref_slice %arg3[%add3A_193] : memref<1602048xf32, #tpu.memory_space<hbm>> -> memref<2048xf32, #tpu.memory_space<hbm>>
      %dma_start3A_211 = tpu.memref_slice %arg17[%dma_start3A_206] : memref<2x!tpu.dma_semaphore, #tpu.memory_space<semaphore_mem>> -> memref<1x!tpu.dma_semaphore, #tpu.memory_space<semaphore_mem>>
      %dma_start3A_212 = tpu.memref_squeeze %dma_start3A_211 : memref<1x!tpu.dma_semaphore, #tpu.memory_space<semaphore_mem>> -> memref<!tpu.dma_semaphore, #tpu.memory_space<semaphore_mem>>
      %dma_start3A_213 = arith.constant 0 : i32
      %dma_start3A_214 = tpu.memref_slice %arg10[%dma_start3A_205, %dma_start3A_213] : memref<2x2048xf32, #tpu.memory_space<vmem>> -> memref<1x2048xf32, #tpu.memory_space<vmem>>
      %dma_start3A_215 = tpu.memref_squeeze %dma_start3A_214 : memref<1x2048xf32, #tpu.memory_space<vmem>> -> memref<2048xf32, #tpu.memory_space<vmem>>
      %dma_start3A_216 = tpu.memref_slice %arg3[%add3A_193] : memref<1602048xf32, #tpu.memory_space<hbm>> -> memref<2048xf32, #tpu.memory_space<hbm>>
      tpu.enqueue_dma source(%dma_start3A_216 : memref<2048xf32, #tpu.memory_space<hbm>>) target(%dma_start3A_215 : memref<2048xf32, #tpu.memory_space<vmem>>) target_semaphore(%dma_start3A_212 : memref<!tpu.dma_semaphore, #tpu.memory_space<semaphore_mem>>)
      %dma_start3A_217 = arith.constant 0 : i32
      %dma_start3A_218 = arith.constant 0 : i32
      %dma_start3A_219 = arith.constant 0 : i32
      %dma_start3A_220 = tpu.memref_slice %arg11[%dma_start3A_217, %dma_start3A_219] : memref<2x2048xf32, #tpu.memory_space<vmem>> -> memref<1x2048xf32, #tpu.memory_space<vmem>>
      %dma_start3A_221 = tpu.memref_squeeze %dma_start3A_220 : memref<1x2048xf32, #tpu.memory_space<vmem>> -> memref<2048xf32, #tpu.memory_space<vmem>>
      %dma_start3A_222 = tpu.memref_slice %arg4[%add3A_193] : memref<1602048xf32, #tpu.memory_space<hbm>> -> memref<2048xf32, #tpu.memory_space<hbm>>
      %dma_start3A_223 = tpu.memref_slice %arg17[%dma_start3A_218] : memref<2x!tpu.dma_semaphore, #tpu.memory_space<semaphore_mem>> -> memref<1x!tpu.dma_semaphore, #tpu.memory_space<semaphore_mem>>
      %dma_start3A_224 = tpu.memref_squeeze %dma_start3A_223 : memref<1x!tpu.dma_semaphore, #tpu.memory_space<semaphore_mem>> -> memref<!tpu.dma_semaphore, #tpu.memory_space<semaphore_mem>>
      %dma_start3A_225 = arith.constant 0 : i32
      %dma_start3A_226 = tpu.memref_slice %arg11[%dma_start3A_217, %dma_start3A_225] : memref<2x2048xf32, #tpu.memory_space<vmem>> -> memref<1x2048xf32, #tpu.memory_space<vmem>>
      %dma_start3A_227 = tpu.memref_squeeze %dma_start3A_226 : memref<1x2048xf32, #tpu.memory_space<vmem>> -> memref<2048xf32, #tpu.memory_space<vmem>>
      %dma_start3A_228 = tpu.memref_slice %arg4[%add3A_193] : memref<1602048xf32, #tpu.memory_space<hbm>> -> memref<2048xf32, #tpu.memory_space<hbm>>
      tpu.enqueue_dma source(%dma_start3A_228 : memref<2048xf32, #tpu.memory_space<hbm>>) target(%dma_start3A_227 : memref<2048xf32, #tpu.memory_space<vmem>>) target_semaphore(%dma_start3A_224 : memref<!tpu.dma_semaphore, #tpu.memory_space<semaphore_mem>>)
      %dma_start3A_229 = arith.constant 0 : i32
      %dma_start3A_230 = arith.constant 0 : i32
      %dma_start3A_231 = arith.constant 0 : i32
      %dma_start3A_232 = tpu.memref_slice %arg12[%dma_start3A_229, %dma_start3A_231] : memref<2x2048xi32, #tpu.memory_space<vmem>> -> memref<1x2048xi32, #tpu.memory_space<vmem>>
      %dma_start3A_233 = tpu.memref_squeeze %dma_start3A_232 : memref<1x2048xi32, #tpu.memory_space<vmem>> -> memref<2048xi32, #tpu.memory_space<vmem>>
      %dma_start3A_234 = tpu.memref_slice %arg5[%add3A_193] : memref<1602048xi32, #tpu.memory_space<hbm>> -> memref<2048xi32, #tpu.memory_space<hbm>>
      %dma_start3A_235 = tpu.memref_slice %arg17[%dma_start3A_230] : memref<2x!tpu.dma_semaphore, #tpu.memory_space<semaphore_mem>> -> memref<1x!tpu.dma_semaphore, #tpu.memory_space<semaphore_mem>>
      %dma_start3A_236 = tpu.memref_squeeze %dma_start3A_235 : memref<1x!tpu.dma_semaphore, #tpu.memory_space<semaphore_mem>> -> memref<!tpu.dma_semaphore, #tpu.memory_space<semaphore_mem>>
      %dma_start3A_237 = arith.constant 0 : i32
      %dma_start3A_238 = tpu.memref_slice %arg12[%dma_start3A_229, %dma_start3A_237] : memref<2x2048xi32, #tpu.memory_space<vmem>> -> memref<1x2048xi32, #tpu.memory_space<vmem>>
      %dma_start3A_239 = tpu.memref_squeeze %dma_start3A_238 : memref<1x2048xi32, #tpu.memory_space<vmem>> -> memref<2048xi32, #tpu.memory_space<vmem>>
      %dma_start3A_240 = tpu.memref_slice %arg5[%add3A_193] : memref<1602048xi32, #tpu.memory_space<hbm>> -> memref<2048xi32, #tpu.memory_space<hbm>>
      tpu.enqueue_dma source(%dma_start3A_240 : memref<2048xi32, #tpu.memory_space<hbm>>) target(%dma_start3A_239 : memref<2048xi32, #tpu.memory_space<vmem>>) target_semaphore(%dma_start3A_236 : memref<!tpu.dma_semaphore, #tpu.memory_space<semaphore_mem>>)
    } else {
    }
    %mul3A_176 = arith.constant 128 : i32
    %mul3A_177 = vector.broadcast %mul3A_176 : i32 to vector<16xi32>
    %mul3A_178 = arith.muli %iota3A, %mul3A_177 : vector<16xi32>
    %while3A = arith.constant 0 : i32
    %while3A_179 = arith.subi %select_n3A_122, %while3A : i32
    %while3A_180 = arith.addi %while3A, %while3A_179 : i32
    %while3A_181 = arith.constant 1 : i32
    %while3A_182 = arith.divsi %while3A_179, %while3A_181 : i32
    %while3A_183 = arith.muli %while3A_182, %while3A_181 : i32
    %while3A_184 = arith.addi %while3A, %while3A_183 : i32
    %while3A_185 = arith.constant 1 : i32
    scf.for %while3A_192 = %while3A to %while3A_184 step %while3A_185  : i32 {
      %rem3A_193 = arith.constant 2 : i32
      %rem3A_194 = arith.remsi %while3A_192, %rem3A_193 : i32
      %add3A_195 = arith.constant 1 : i32
      %add3A_196 = arith.addi %while3A_192, %add3A_195 : i32
      %rem3A_197 = arith.constant 2 : i32
      %rem3A_198 = arith.remsi %add3A_196, %rem3A_197 : i32
      %add3A_199 = arith.constant 1 : i32
      %add3A_200 = arith.addi %while3A_192, %add3A_199 : i32
      %lt3A_201 = arith.cmpi slt, %add3A_200, %select_n3A_122 : i32
      %convert_element_type3A_202 = arith.extui %lt3A_201 : i1 to i32
      %cond3A_203 = arith.constant 0 : i32
      %cond3A_204 = arith.cmpi ne, %convert_element_type3A_202, %cond3A_203 : i32
      scf.if %cond3A_204 {
        %add3A_259 = arith.constant 1 : i32
        %add3A_260 = arith.addi %while3A_192, %add3A_259 : i32
        %mul3A_261 = arith.constant 2048 : i32
        %mul3A_262 = arith.muli %add3A_260, %mul3A_261 : i32
        %add3A_263 = arith.addi %mul3A_93, %mul3A_262 : i32
        %dma_start3A = arith.constant 0 : i32
        %dma_start3A_264 = tpu.memref_slice %arg9[%rem3A_198, %dma_start3A] : memref<2x2048xf32, #tpu.memory_space<vmem>> -> memref<1x2048xf32, #tpu.memory_space<vmem>>
        %dma_start3A_265 = tpu.memref_squeeze %dma_start3A_264 : memref<1x2048xf32, #tpu.memory_space<vmem>> -> memref<2048xf32, #tpu.memory_space<vmem>>
        %dma_start3A_266 = tpu.memref_slice %arg2[%add3A_263] : memref<1602048xf32, #tpu.memory_space<hbm>> -> memref<2048xf32, #tpu.memory_space<hbm>>
        %dma_start3A_267 = tpu.memref_slice %arg17[%rem3A_198] : memref<2x!tpu.dma_semaphore, #tpu.memory_space<semaphore_mem>> -> memref<1x!tpu.dma_semaphore, #tpu.memory_space<semaphore_mem>>
        %dma_start3A_268 = tpu.memref_squeeze %dma_start3A_267 : memref<1x!tpu.dma_semaphore, #tpu.memory_space<semaphore_mem>> -> memref<!tpu.dma_semaphore, #tpu.memory_space<semaphore_mem>>
        %dma_start3A_269 = arith.constant 0 : i32
        %dma_start3A_270 = tpu.memref_slice %arg9[%rem3A_198, %dma_start3A_269] : memref<2x2048xf32, #tpu.memory_space<vmem>> -> memref<1x2048xf32, #tpu.memory_space<vmem>>
        %dma_start3A_271 = tpu.memref_squeeze %dma_start3A_270 : memref<1x2048xf32, #tpu.memory_space<vmem>> -> memref<2048xf32, #tpu.memory_space<vmem>>
        %dma_start3A_272 = tpu.memref_slice %arg2[%add3A_263] : memref<1602048xf32, #tpu.memory_space<hbm>> -> memref<2048xf32, #tpu.memory_space<hbm>>
        tpu.enqueue_dma source(%dma_start3A_272 : memref<2048xf32, #tpu.memory_space<hbm>>) target(%dma_start3A_271 : memref<2048xf32, #tpu.memory_space<vmem>>) target_semaphore(%dma_start3A_268 : memref<!tpu.dma_semaphore, #tpu.memory_space<semaphore_mem>>)
        %dma_start3A_273 = arith.constant 0 : i32
        %dma_start3A_274 = tpu.memref_slice %arg10[%rem3A_198, %dma_start3A_273] : memref<2x2048xf32, #tpu.memory_space<vmem>> -> memref<1x2048xf32, #tpu.memory_space<vmem>>
        %dma_start3A_275 = tpu.memref_squeeze %dma_start3A_274 : memref<1x2048xf32, #tpu.memory_space<vmem>> -> memref<2048xf32, #tpu.memory_space<vmem>>
        %dma_start3A_276 = tpu.memref_slice %arg3[%add3A_263] : memref<1602048xf32, #tpu.memory_space<hbm>> -> memref<2048xf32, #tpu.memory_space<hbm>>
        %dma_start3A_277 = tpu.memref_slice %arg17[%rem3A_198] : memref<2x!tpu.dma_semaphore, #tpu.memory_space<semaphore_mem>> -> memref<1x!tpu.dma_semaphore, #tpu.memory_space<semaphore_mem>>
        %dma_start3A_278 = tpu.memref_squeeze %dma_start3A_277 : memref<1x!tpu.dma_semaphore, #tpu.memory_space<semaphore_mem>> -> memref<!tpu.dma_semaphore, #tpu.memory_space<semaphore_mem>>
        %dma_start3A_279 = arith.constant 0 : i32
        %dma_start3A_280 = tpu.memref_slice %arg10[%rem3A_198, %dma_start3A_279] : memref<2x2048xf32, #tpu.memory_space<vmem>> -> memref<1x2048xf32, #tpu.memory_space<vmem>>
        %dma_start3A_281 = tpu.memref_squeeze %dma_start3A_280 : memref<1x2048xf32, #tpu.memory_space<vmem>> -> memref<2048xf32, #tpu.memory_space<vmem>>
        %dma_start3A_282 = tpu.memref_slice %arg3[%add3A_263] : memref<1602048xf32, #tpu.memory_space<hbm>> -> memref<2048xf32, #tpu.memory_space<hbm>>
        tpu.enqueue_dma source(%dma_start3A_282 : memref<2048xf32, #tpu.memory_space<hbm>>) target(%dma_start3A_281 : memref<2048xf32, #tpu.memory_space<vmem>>) target_semaphore(%dma_start3A_278 : memref<!tpu.dma_semaphore, #tpu.memory_space<semaphore_mem>>)
        %dma_start3A_283 = arith.constant 0 : i32
        %dma_start3A_284 = tpu.memref_slice %arg11[%rem3A_198, %dma_start3A_283] : memref<2x2048xf32, #tpu.memory_space<vmem>> -> memref<1x2048xf32, #tpu.memory_space<vmem>>
        %dma_start3A_285 = tpu.memref_squeeze %dma_start3A_284 : memref<1x2048xf32, #tpu.memory_space<vmem>> -> memref<2048xf32, #tpu.memory_space<vmem>>
        %dma_start3A_286 = tpu.memref_slice %arg4[%add3A_263] : memref<1602048xf32, #tpu.memory_space<hbm>> -> memref<2048xf32, #tpu.memory_space<hbm>>
        %dma_start3A_287 = tpu.memref_slice %arg17[%rem3A_198] : memref<2x!tpu.dma_semaphore, #tpu.memory_space<semaphore_mem>> -> memref<1x!tpu.dma_semaphore, #tpu.memory_space<semaphore_mem>>
        %dma_start3A_288 = tpu.memref_squeeze %dma_start3A_287 : memref<1x!tpu.dma_semaphore, #tpu.memory_space<semaphore_mem>> -> memref<!tpu.dma_semaphore, #tpu.memory_space<semaphore_mem>>
        %dma_start3A_289 = arith.constant 0 : i32
        %dma_start3A_290 = tpu.memref_slice %arg11[%rem3A_198, %dma_start3A_289] : memref<2x2048xf32, #tpu.memory_space<vmem>> -> memref<1x2048xf32, #tpu.memory_space<vmem>>
        %dma_start3A_291 = tpu.memref_squeeze %dma_start3A_290 : memref<1x2048xf32, #tpu.memory_space<vmem>> -> memref<2048xf32, #tpu.memory_space<vmem>>
        %dma_start3A_292 = tpu.memref_slice %arg4[%add3A_263] : memref<1602048xf32, #tpu.memory_space<hbm>> -> memref<2048xf32, #tpu.memory_space<hbm>>
        tpu.enqueue_dma source(%dma_start3A_292 : memref<2048xf32, #tpu.memory_space<hbm>>) target(%dma_start3A_291 : memref<2048xf32, #tpu.memory_space<vmem>>) target_semaphore(%dma_start3A_288 : memref<!tpu.dma_semaphore, #tpu.memory_space<semaphore_mem>>)
        %dma_start3A_293 = arith.constant 0 : i32
        %dma_start3A_294 = tpu.memref_slice %arg12[%rem3A_198, %dma_start3A_293] : memref<2x2048xi32, #tpu.memory_space<vmem>> -> memref<1x2048xi32, #tpu.memory_space<vmem>>
        %dma_start3A_295 = tpu.memref_squeeze %dma_start3A_294 : memref<1x2048xi32, #tpu.memory_space<vmem>> -> memref<2048xi32, #tpu.memory_space<vmem>>
        %dma_start3A_296 = tpu.memref_slice %arg5[%add3A_263] : memref<1602048xi32, #tpu.memory_space<hbm>> -> memref<2048xi32, #tpu.memory_space<hbm>>
        %dma_start3A_297 = tpu.memref_slice %arg17[%rem3A_198] : memref<2x!tpu.dma_semaphore, #tpu.memory_space<semaphore_mem>> -> memref<1x!tpu.dma_semaphore, #tpu.memory_space<semaphore_mem>>
        %dma_start3A_298 = tpu.memref_squeeze %dma_start3A_297 : memref<1x!tpu.dma_semaphore, #tpu.memory_space<semaphore_mem>> -> memref<!tpu.dma_semaphore, #tpu.memory_space<semaphore_mem>>
        %dma_start3A_299 = arith.constant 0 : i32
        %dma_start3A_300 = tpu.memref_slice %arg12[%rem3A_198, %dma_start3A_299] : memref<2x2048xi32, #tpu.memory_space<vmem>> -> memref<1x2048xi32, #tpu.memory_space<vmem>>
        %dma_start3A_301 = tpu.memref_squeeze %dma_start3A_300 : memref<1x2048xi32, #tpu.memory_space<vmem>> -> memref<2048xi32, #tpu.memory_space<vmem>>
        %dma_start3A_302 = tpu.memref_slice %arg5[%add3A_263] : memref<1602048xi32, #tpu.memory_space<hbm>> -> memref<2048xi32, #tpu.memory_space<hbm>>
        tpu.enqueue_dma source(%dma_start3A_302 : memref<2048xi32, #tpu.memory_space<hbm>>) target(%dma_start3A_301 : memref<2048xi32, #tpu.memory_space<vmem>>) target_semaphore(%dma_start3A_298 : memref<!tpu.dma_semaphore, #tpu.memory_space<semaphore_mem>>)
      } else {
      }
      %mul3A_205 = arith.constant 2048 : i32
      %mul3A_206 = arith.muli %while3A_192, %mul3A_205 : i32
      %add3A_207 = arith.addi %mul3A_93, %mul3A_206 : i32
      %dma_wait3A = arith.constant 0 : i32
      %dma_wait3A_208 = tpu.memref_slice %arg9[%rem3A_194, %dma_wait3A] : memref<2x2048xf32, #tpu.memory_space<vmem>> -> memref<1x2048xf32, #tpu.memory_space<vmem>>
      %dma_wait3A_209 = tpu.memref_squeeze %dma_wait3A_208 : memref<1x2048xf32, #tpu.memory_space<vmem>> -> memref<2048xf32, #tpu.memory_space<vmem>>
      %dma_wait3A_210 = tpu.memref_slice %arg2[%add3A_207] : memref<1602048xf32, #tpu.memory_space<hbm>> -> memref<2048xf32, #tpu.memory_space<hbm>>
      %dma_wait3A_211 = tpu.memref_slice %arg17[%rem3A_194] : memref<2x!tpu.dma_semaphore, #tpu.memory_space<semaphore_mem>> -> memref<1x!tpu.dma_semaphore, #tpu.memory_space<semaphore_mem>>
      %dma_wait3A_212 = tpu.memref_squeeze %dma_wait3A_211 : memref<1x!tpu.dma_semaphore, #tpu.memory_space<semaphore_mem>> -> memref<!tpu.dma_semaphore, #tpu.memory_space<semaphore_mem>>
      %dma_wait3A_213 = arith.constant 0 : i32
      %dma_wait3A_214 = tpu.memref_slice %arg9[%rem3A_194, %dma_wait3A_213] : memref<2x2048xf32, #tpu.memory_space<vmem>> -> memref<1x2048xf32, #tpu.memory_space<vmem>>
      %dma_wait3A_215 = tpu.memref_squeeze %dma_wait3A_214 : memref<1x2048xf32, #tpu.memory_space<vmem>> -> memref<2048xf32, #tpu.memory_space<vmem>>
      %dma_wait3A_216 = tpu.memref_slice %arg2[%add3A_207] : memref<1602048xf32, #tpu.memory_space<hbm>> -> memref<2048xf32, #tpu.memory_space<hbm>>
      tpu.wait_dma2 semaphore(%dma_wait3A_212 : memref<!tpu.dma_semaphore, #tpu.memory_space<semaphore_mem>>) src(%dma_wait3A_216 : memref<2048xf32, #tpu.memory_space<hbm>>) dst(%dma_wait3A_215 : memref<2048xf32, #tpu.memory_space<vmem>>)
      %dma_wait3A_217 = arith.constant 0 : i32
      %dma_wait3A_218 = tpu.memref_slice %arg10[%rem3A_194, %dma_wait3A_217] : memref<2x2048xf32, #tpu.memory_space<vmem>> -> memref<1x2048xf32, #tpu.memory_space<vmem>>
      %dma_wait3A_219 = tpu.memref_squeeze %dma_wait3A_218 : memref<1x2048xf32, #tpu.memory_space<vmem>> -> memref<2048xf32, #tpu.memory_space<vmem>>
      %dma_wait3A_220 = tpu.memref_slice %arg3[%add3A_207] : memref<1602048xf32, #tpu.memory_space<hbm>> -> memref<2048xf32, #tpu.memory_space<hbm>>
      %dma_wait3A_221 = tpu.memref_slice %arg17[%rem3A_194] : memref<2x!tpu.dma_semaphore, #tpu.memory_space<semaphore_mem>> -> memref<1x!tpu.dma_semaphore, #tpu.memory_space<semaphore_mem>>
      %dma_wait3A_222 = tpu.memref_squeeze %dma_wait3A_221 : memref<1x!tpu.dma_semaphore, #tpu.memory_space<semaphore_mem>> -> memref<!tpu.dma_semaphore, #tpu.memory_space<semaphore_mem>>
      %dma_wait3A_223 = arith.constant 0 : i32
      %dma_wait3A_224 = tpu.memref_slice %arg10[%rem3A_194, %dma_wait3A_223] : memref<2x2048xf32, #tpu.memory_space<vmem>> -> memref<1x2048xf32, #tpu.memory_space<vmem>>
      %dma_wait3A_225 = tpu.memref_squeeze %dma_wait3A_224 : memref<1x2048xf32, #tpu.memory_space<vmem>> -> memref<2048xf32, #tpu.memory_space<vmem>>
      %dma_wait3A_226 = tpu.memref_slice %arg3[%add3A_207] : memref<1602048xf32, #tpu.memory_space<hbm>> -> memref<2048xf32, #tpu.memory_space<hbm>>
      tpu.wait_dma2 semaphore(%dma_wait3A_222 : memref<!tpu.dma_semaphore, #tpu.memory_space<semaphore_mem>>) src(%dma_wait3A_226 : memref<2048xf32, #tpu.memory_space<hbm>>) dst(%dma_wait3A_225 : memref<2048xf32, #tpu.memory_space<vmem>>)
      %dma_wait3A_227 = arith.constant 0 : i32
      %dma_wait3A_228 = tpu.memref_slice %arg11[%rem3A_194, %dma_wait3A_227] : memref<2x2048xf32, #tpu.memory_space<vmem>> -> memref<1x2048xf32, #tpu.memory_space<vmem>>
      %dma_wait3A_229 = tpu.memref_squeeze %dma_wait3A_228 : memref<1x2048xf32, #tpu.memory_space<vmem>> -> memref<2048xf32, #tpu.memory_space<vmem>>
      %dma_wait3A_230 = tpu.memref_slice %arg4[%add3A_207] : memref<1602048xf32, #tpu.memory_space<hbm>> -> memref<2048xf32, #tpu.memory_space<hbm>>
      %dma_wait3A_231 = tpu.memref_slice %arg17[%rem3A_194] : memref<2x!tpu.dma_semaphore, #tpu.memory_space<semaphore_mem>> -> memref<1x!tpu.dma_semaphore, #tpu.memory_space<semaphore_mem>>
      %dma_wait3A_232 = tpu.memref_squeeze %dma_wait3A_231 : memref<1x!tpu.dma_semaphore, #tpu.memory_space<semaphore_mem>> -> memref<!tpu.dma_semaphore, #tpu.memory_space<semaphore_mem>>
      %dma_wait3A_233 = arith.constant 0 : i32
      %dma_wait3A_234 = tpu.memref_slice %arg11[%rem3A_194, %dma_wait3A_233] : memref<2x2048xf32, #tpu.memory_space<vmem>> -> memref<1x2048xf32, #tpu.memory_space<vmem>>
      %dma_wait3A_235 = tpu.memref_squeeze %dma_wait3A_234 : memref<1x2048xf32, #tpu.memory_space<vmem>> -> memref<2048xf32, #tpu.memory_space<vmem>>
      %dma_wait3A_236 = tpu.memref_slice %arg4[%add3A_207] : memref<1602048xf32, #tpu.memory_space<hbm>> -> memref<2048xf32, #tpu.memory_space<hbm>>
      tpu.wait_dma2 semaphore(%dma_wait3A_232 : memref<!tpu.dma_semaphore, #tpu.memory_space<semaphore_mem>>) src(%dma_wait3A_236 : memref<2048xf32, #tpu.memory_space<hbm>>) dst(%dma_wait3A_235 : memref<2048xf32, #tpu.memory_space<vmem>>)
      %dma_wait3A_237 = arith.constant 0 : i32
      %dma_wait3A_238 = tpu.memref_slice %arg12[%rem3A_194, %dma_wait3A_237] : memref<2x2048xi32, #tpu.memory_space<vmem>> -> memref<1x2048xi32, #tpu.memory_space<vmem>>
      %dma_wait3A_239 = tpu.memref_squeeze %dma_wait3A_238 : memref<1x2048xi32, #tpu.memory_space<vmem>> -> memref<2048xi32, #tpu.memory_space<vmem>>
      %dma_wait3A_240 = tpu.memref_slice %arg5[%add3A_207] : memref<1602048xi32, #tpu.memory_space<hbm>> -> memref<2048xi32, #tpu.memory_space<hbm>>
      %dma_wait3A_241 = tpu.memref_slice %arg17[%rem3A_194] : memref<2x!tpu.dma_semaphore, #tpu.memory_space<semaphore_mem>> -> memref<1x!tpu.dma_semaphore, #tpu.memory_space<semaphore_mem>>
      %dma_wait3A_242 = tpu.memref_squeeze %dma_wait3A_241 : memref<1x!tpu.dma_semaphore, #tpu.memory_space<semaphore_mem>> -> memref<!tpu.dma_semaphore, #tpu.memory_space<semaphore_mem>>
      %dma_wait3A_243 = arith.constant 0 : i32
      %dma_wait3A_244 = tpu.memref_slice %arg12[%rem3A_194, %dma_wait3A_243] : memref<2x2048xi32, #tpu.memory_space<vmem>> -> memref<1x2048xi32, #tpu.memory_space<vmem>>
      %dma_wait3A_245 = tpu.memref_squeeze %dma_wait3A_244 : memref<1x2048xi32, #tpu.memory_space<vmem>> -> memref<2048xi32, #tpu.memory_space<vmem>>
      %dma_wait3A_246 = tpu.memref_slice %arg5[%add3A_207] : memref<1602048xi32, #tpu.memory_space<hbm>> -> memref<2048xi32, #tpu.memory_space<hbm>>
      tpu.wait_dma2 semaphore(%dma_wait3A_242 : memref<!tpu.dma_semaphore, #tpu.memory_space<semaphore_mem>>) src(%dma_wait3A_246 : memref<2048xi32, #tpu.memory_space<hbm>>) dst(%dma_wait3A_245 : memref<2048xi32, #tpu.memory_space<vmem>>)
      %mul3A_247 = arith.constant 2048 : i32
      %mul3A_248 = arith.muli %while3A_192, %mul3A_247 : i32
      %add3A_249 = arith.addi %mul3A_93, %mul3A_248 : i32
      %broadcast_in_dim3A_250 = arith.constant 0 : i32
      %broadcast_in_dim3A_251 = vector.broadcast %broadcast_in_dim3A_250 : i32 to vector<16xi32>
      %add3A_252 = vector.broadcast %rem3A_194 : i32 to vector<16xi32>
      %add3A_253 = arith.addi %broadcast_in_dim3A_251, %add3A_252 : vector<16xi32>
      %scan3A_254 = arith.constant 0 : i32
      %scan3A_255 = arith.constant 128 : i32
      %scan3A_256 = arith.addi %scan3A_254, %scan3A_255 : i32
      %scan3A_257 = arith.constant 1 : i32
      scf.for %scan3A_259 = %scan3A_254 to %scan3A_256 step %scan3A_257  : i32 {
        %add3A_260 = vector.broadcast %scan3A_259 : i32 to vector<16xi32>
        %add3A_261 = arith.addi %mul3A_178, %add3A_260 : vector<16xi32>
        %gather3A = tpu.vector_load_idx %arg12[%add3A_253, %add3A_261] : memref<2x2048xi32, #tpu.memory_space<vmem>>[vector<16xi32>, vector<16xi32>], vector<16xi32>,
        %add3A_262 = vector.broadcast %add3A_249 : i32 to vector<16xi32>
        %add3A_263 = arith.addi %add3A_262, %add3A_261 : vector<16xi32>
        %ge3A = vector.broadcast %reduce_max3A_33 : i32 to vector<16xi32>
        %ge3A_264 = arith.cmpi sge, %add3A_263, %ge3A : vector<16xi32>
        %lt3A_265 = vector.broadcast %reduce_max3A_70 : i32 to vector<16xi32>
        %lt3A_266 = arith.cmpi slt, %add3A_263, %lt3A_265 : vector<16xi32>
        %and3A_267 = arith.andi %ge3A_264, %lt3A_266 : vector<16xi1>
        %jit3A_268 = arith.constant 1.000000e+00 : f32
        %jit3A_269 = arith.constant 0.000000e+00 : f32
        %broadcast_in_dim3A_270 = vector.broadcast %jit3A_268 : f32 to vector<16xf32>
        %broadcast_in_dim3A_271 = vector.broadcast %jit3A_269 : f32 to vector<16xf32>
        %select_n3A_272 = arith.select %and3A_267, %broadcast_in_dim3A_270, %broadcast_in_dim3A_271 : vector<16xi1>, vector<16xf32>
        %sub3A_273 = vector.broadcast %mul3A_2 : i32 to vector<16xi32>
        %sub3A_274 = arith.subi %gather3A, %sub3A_273 : vector<16xi32>
        %jit3A_275 = arith.constant 0 : i32
        %jit3A_276 = arith.constant 3124 : i32
        %max3A = vector.broadcast %jit3A_275 : i32 to vector<16xi32>
        %max3A_277 = arith.maxsi %max3A, %sub3A_274 : vector<16xi32>
        %min3A = vector.broadcast %jit3A_276 : i32 to vector<16xi32>
        %min3A_278 = arith.minsi %min3A, %max3A_277 : vector<16xi32>
        %gather3A_279 = tpu.vector_load_idx %arg9[%add3A_253, %add3A_261] : memref<2x2048xf32, #tpu.memory_space<vmem>>[vector<16xi32>, vector<16xi32>], vector<16xf32>,
        %gather3A_280 = tpu.vector_load_idx %arg10[%add3A_253, %add3A_261] : memref<2x2048xf32, #tpu.memory_space<vmem>>[vector<16xi32>, vector<16xi32>], vector<16xf32>,
        %gather3A_281 = tpu.vector_load_idx %arg11[%add3A_253, %add3A_261] : memref<2x2048xf32, #tpu.memory_space<vmem>>[vector<16xi32>, vector<16xi32>], vector<16xf32>,
        %mul3A_282 = arith.mulf %gather3A_279, %gather3A_279 : vector<16xf32>
        %mul3A_283 = arith.mulf %gather3A_280, %gather3A_280 : vector<16xf32>
        %add3A_284 = arith.addf %mul3A_282, %mul3A_283 : vector<16xf32>
        %mul3A_285 = arith.mulf %gather3A_281, %gather3A_281 : vector<16xf32>
        %add3A_286 = arith.addf %add3A_284, %mul3A_285 : vector<16xf32>
        %bitcast3A = vector.bitcast %add3A_286 : vector<16xf32> to vector<16xi32>
        %shift_right_arithmetic3A = arith.constant 1 : i32
        %shift_right_arithmetic3A_287 = vector.broadcast %shift_right_arithmetic3A : i32 to vector<16xi32>
        %shift_right_arithmetic3A_288 = arith.shrsi %bitcast3A, %shift_right_arithmetic3A_287 : vector<16xi32>
        %sub3A_289 = arith.constant 1597463007 : i32
        %sub3A_290 = vector.broadcast %sub3A_289 : i32 to vector<16xi32>
        %sub3A_291 = arith.subi %sub3A_290, %shift_right_arithmetic3A_288 : vector<16xi32>
        %bitcast3A_292 = vector.bitcast %sub3A_291 : vector<16xi32> to vector<16xf32>
        %mul3A_293 = arith.constant 5.000000e-01 : f32
        %mul3A_294 = vector.broadcast %mul3A_293 : f32 to vector<16xf32>
        %mul3A_295 = arith.mulf %mul3A_294, %add3A_286 : vector<16xf32>
        %mul3A_296 = arith.mulf %mul3A_295, %bitcast3A_292 : vector<16xf32>
        %mul3A_297 = arith.mulf %mul3A_296, %bitcast3A_292 : vector<16xf32>
        %sub3A_298 = arith.constant 1.500000e+00 : f32
        %sub3A_299 = vector.broadcast %sub3A_298 : f32 to vector<16xf32>
        %sub3A_300 = arith.subf %sub3A_299, %mul3A_297 : vector<16xf32>
        %mul3A_301 = arith.mulf %bitcast3A_292, %sub3A_300 : vector<16xf32>
        %mul3A_302 = arith.constant 5.000000e-01 : f32
        %mul3A_303 = vector.broadcast %mul3A_302 : f32 to vector<16xf32>
        %mul3A_304 = arith.mulf %mul3A_303, %add3A_286 : vector<16xf32>
        %mul3A_305 = arith.mulf %mul3A_304, %mul3A_301 : vector<16xf32>
        %mul3A_306 = arith.mulf %mul3A_305, %mul3A_301 : vector<16xf32>
        %sub3A_307 = arith.constant 1.500000e+00 : f32
        %sub3A_308 = vector.broadcast %sub3A_307 : f32 to vector<16xf32>
        %sub3A_309 = arith.subf %sub3A_308, %mul3A_306 : vector<16xf32>
        %mul3A_310 = arith.mulf %mul3A_301, %sub3A_309 : vector<16xf32>
        %mul3A_311 = arith.constant 5.000000e-01 : f32
        %mul3A_312 = vector.broadcast %mul3A_311 : f32 to vector<16xf32>
        %mul3A_313 = arith.mulf %mul3A_312, %add3A_286 : vector<16xf32>
        %mul3A_314 = arith.mulf %mul3A_313, %mul3A_310 : vector<16xf32>
        %mul3A_315 = arith.mulf %mul3A_314, %mul3A_310 : vector<16xf32>
        %sub3A_316 = arith.constant 1.500000e+00 : f32
        %sub3A_317 = vector.broadcast %sub3A_316 : f32 to vector<16xf32>
        %sub3A_318 = arith.subf %sub3A_317, %mul3A_315 : vector<16xf32>
        %mul3A_319 = arith.mulf %mul3A_310, %sub3A_318 : vector<16xf32>
        %mul3A_320 = arith.constant 5.000000e-01 : f32
        %mul3A_321 = vector.broadcast %mul3A_320 : f32 to vector<16xf32>
        %mul3A_322 = arith.mulf %mul3A_321, %add3A_286 : vector<16xf32>
        %mul3A_323 = arith.mulf %mul3A_322, %mul3A_319 : vector<16xf32>
        %mul3A_324 = arith.mulf %mul3A_323, %mul3A_319 : vector<16xf32>
        %sub3A_325 = arith.constant 1.500000e+00 : f32
        %sub3A_326 = vector.broadcast %sub3A_325 : f32 to vector<16xf32>
        %sub3A_327 = arith.subf %sub3A_326, %mul3A_324 : vector<16xf32>
        %mul3A_328 = arith.mulf %mul3A_319, %sub3A_327 : vector<16xf32>
        %mul3A_329 = arith.mulf %add3A_286, %mul3A_328 : vector<16xf32>
        %sub3A_330 = arith.constant 6.000000e+00 : f32
        %sub3A_331 = vector.broadcast %sub3A_330 : f32 to vector<16xf32>
        %sub3A_332 = arith.subf %mul3A_329, %sub3A_331 : vector<16xf32>
        %mul3A_333 = arith.constant -0.333333343 : f32
        %mul3A_334 = vector.broadcast %mul3A_333 : f32 to vector<16xf32>
        %mul3A_335 = arith.mulf %sub3A_332, %mul3A_334 : vector<16xf32>
        %mul3A_336 = arith.mulf %mul3A_335, %mul3A_335 : vector<16xf32>
        %mul3A_337 = arith.mulf %mul3A_336, %mul3A_335 : vector<16xf32>
        %mul3A_338 = arith.constant 6.000000e+00 : f32
        %mul3A_339 = vector.broadcast %mul3A_338 : f32 to vector<16xf32>
        %mul3A_340 = arith.mulf %mul3A_339, %mul3A_335 : vector<16xf32>
        %add3A_341 = arith.constant -1.500000e+01 : f32
        %add3A_342 = vector.broadcast %add3A_341 : f32 to vector<16xf32>
        %add3A_343 = arith.addf %add3A_342, %mul3A_340 : vector<16xf32>
        %mul3A_344 = arith.mulf %mul3A_335, %add3A_343 : vector<16xf32>
        %add3A_345 = arith.constant 1.000000e+01 : f32
        %add3A_346 = vector.broadcast %add3A_345 : f32 to vector<16xf32>
        %add3A_347 = arith.addf %add3A_346, %mul3A_344 : vector<16xf32>
        %mul3A_348 = arith.mulf %mul3A_337, %add3A_347 : vector<16xf32>
        %add3A_349 = arith.constant 1.000000e+00 : f32
        %add3A_350 = vector.broadcast %add3A_349 : f32 to vector<16xf32>
        %add3A_351 = arith.addf %mul3A_348, %add3A_350 : vector<16xf32>
        %lt3A_352 = arith.constant 3.000000e+00 : f32
        %lt3A_353 = vector.broadcast %lt3A_352 : f32 to vector<16xf32>
        %lt3A_354 = arith.cmpf olt, %mul3A_329, %lt3A_353 : vector<16xf32>
        %lt3A_355 = arith.constant 6.000000e+00 : f32
        %lt3A_356 = vector.broadcast %lt3A_355 : f32 to vector<16xf32>
        %lt3A_357 = arith.cmpf olt, %mul3A_329, %lt3A_356 : vector<16xf32>
        %mul3A_358 = arith.mulf %mul3A_328, %add3A_351 : vector<16xf32>
        %broadcast_in_dim3A_359 = arith.constant 0.000000e+00 : f32
        %broadcast_in_dim3A_360 = vector.broadcast %broadcast_in_dim3A_359 : f32 to vector<16xf32>
        %select_n3A_361 = arith.select %lt3A_357, %mul3A_358, %broadcast_in_dim3A_360 : vector<16xi1>, vector<16xf32>
        %select_n3A_362 = arith.select %lt3A_354, %mul3A_328, %select_n3A_361 : vector<16xi1>, vector<16xf32>
        %mul3A_363 = arith.mulf %gather3A_279, %select_n3A_272 : vector<16xf32>
        %mul3A_364 = arith.mulf %gather3A_280, %select_n3A_272 : vector<16xf32>
        %mul3A_365 = arith.mulf %gather3A_281, %select_n3A_272 : vector<16xf32>
        %mul3A_366 = arith.constant 22 : i32
        %mul3A_367 = vector.broadcast %mul3A_366 : i32 to vector<16xi32>
        %mul3A_368 = arith.muli %min3A_278, %mul3A_367 : vector<16xi32>
        %mul3A_369 = arith.mulf %select_n3A_362, %get3A_137 : vector<16xf32>
        %add3A_370 = arith.addf %mul3A_369, %get3A_157 : vector<16xf32>
        %mul3A_371 = arith.mulf %add3A_370, %mul3A_363 : vector<16xf32>
        %mul3A_372 = arith.mulf %add3A_370, %mul3A_364 : vector<16xf32>
        %mul3A_373 = arith.mulf %add3A_370, %mul3A_365 : vector<16xf32>
        %mul3A_374 = arith.mulf %select_n3A_362, %get3A_141 : vector<16xf32>
        %add3A_375 = arith.addf %mul3A_374, %get3A_161 : vector<16xf32>
        %mul3A_376 = arith.mulf %add3A_375, %mul3A_363 : vector<16xf32>
        %mul3A_377 = arith.mulf %add3A_375, %mul3A_364 : vector<16xf32>
        %mul3A_378 = arith.mulf %add3A_375, %mul3A_365 : vector<16xf32>
        %mul3A_379 = arith.mulf %select_n3A_362, %get3A_145 : vector<16xf32>
        %add3A_380 = arith.addf %mul3A_379, %get3A_165 : vector<16xf32>
        %mul3A_381 = arith.mulf %add3A_380, %mul3A_363 : vector<16xf32>
        %mul3A_382 = arith.mulf %add3A_380, %mul3A_364 : vector<16xf32>
        %mul3A_383 = arith.mulf %add3A_380, %mul3A_365 : vector<16xf32>
        %mul3A_384 = arith.mulf %select_n3A_362, %get3A_149 : vector<16xf32>
        %add3A_385 = arith.addf %mul3A_384, %get3A_169 : vector<16xf32>
        %mul3A_386 = arith.mulf %add3A_385, %mul3A_363 : vector<16xf32>
        %mul3A_387 = arith.mulf %add3A_385, %mul3A_364 : vector<16xf32>
        %mul3A_388 = arith.mulf %add3A_385, %mul3A_365 : vector<16xf32>
        %mul3A_389 = arith.mulf %select_n3A_362, %get3A_153 : vector<16xf32>
        %add3A_390 = arith.addf %mul3A_389, %get3A_173 : vector<16xf32>
        %mul3A_391 = arith.mulf %add3A_390, %mul3A_363 : vector<16xf32>
        %mul3A_392 = arith.mulf %add3A_390, %mul3A_364 : vector<16xf32>
        %mul3A_393 = arith.mulf %add3A_390, %mul3A_365 : vector<16xf32>
        %mul3A_394 = arith.mulf %mul3A_363, %gather3A_279 : vector<16xf32>
        %mul3A_395 = arith.mulf %mul3A_363, %gather3A_280 : vector<16xf32>
        %mul3A_396 = arith.mulf %mul3A_363, %gather3A_281 : vector<16xf32>
        %mul3A_397 = arith.mulf %mul3A_364, %gather3A_280 : vector<16xf32>
        %mul3A_398 = arith.mulf %mul3A_364, %gather3A_281 : vector<16xf32>
        %mul3A_399 = arith.mulf %mul3A_365, %gather3A_281 : vector<16xf32>
        %add3A_400 = arith.constant 0 : i32
        %add3A_401 = vector.broadcast %add3A_400 : i32 to vector<16xi32>
        %add3A_402 = arith.addi %mul3A_368, %add3A_401 : vector<16xi32>
        tpu.vector_store_idx %arg15[%add3A_402], %mul3A_371 {add = true} : memref<68752xf32, #tpu.memory_space<vmem>>[vector<16xi32>], vector<16xf32>,
        %add3A_403 = arith.constant 1 : i32
        %add3A_404 = vector.broadcast %add3A_403 : i32 to vector<16xi32>
        %add3A_405 = arith.addi %mul3A_368, %add3A_404 : vector<16xi32>
        tpu.vector_store_idx %arg15[%add3A_405], %mul3A_372 {add = true} : memref<68752xf32, #tpu.memory_space<vmem>>[vector<16xi32>], vector<16xf32>,
        %add3A_406 = arith.constant 2 : i32
        %add3A_407 = vector.broadcast %add3A_406 : i32 to vector<16xi32>
        %add3A_408 = arith.addi %mul3A_368, %add3A_407 : vector<16xi32>
        tpu.vector_store_idx %arg15[%add3A_408], %mul3A_373 {add = true} : memref<68752xf32, #tpu.memory_space<vmem>>[vector<16xi32>], vector<16xf32>,
        %add3A_409 = arith.constant 3 : i32
        %add3A_410 = vector.broadcast %add3A_409 : i32 to vector<16xi32>
        %add3A_411 = arith.addi %mul3A_368, %add3A_410 : vector<16xi32>
        tpu.vector_store_idx %arg15[%add3A_411], %mul3A_376 {add = true} : memref<68752xf32, #tpu.memory_space<vmem>>[vector<16xi32>], vector<16xf32>,
        %add3A_412 = arith.constant 4 : i32
        %add3A_413 = vector.broadcast %add3A_412 : i32 to vector<16xi32>
        %add3A_414 = arith.addi %mul3A_368, %add3A_413 : vector<16xi32>
        tpu.vector_store_idx %arg15[%add3A_414], %mul3A_377 {add = true} : memref<68752xf32, #tpu.memory_space<vmem>>[vector<16xi32>], vector<16xf32>,
        %add3A_415 = arith.constant 5 : i32
        %add3A_416 = vector.broadcast %add3A_415 : i32 to vector<16xi32>
        %add3A_417 = arith.addi %mul3A_368, %add3A_416 : vector<16xi32>
        tpu.vector_store_idx %arg15[%add3A_417], %mul3A_378 {add = true} : memref<68752xf32, #tpu.memory_space<vmem>>[vector<16xi32>], vector<16xf32>,
        %add3A_418 = arith.constant 6 : i32
        %add3A_419 = vector.broadcast %add3A_418 : i32 to vector<16xi32>
        %add3A_420 = arith.addi %mul3A_368, %add3A_419 : vector<16xi32>
        tpu.vector_store_idx %arg15[%add3A_420], %mul3A_381 {add = true} : memref<68752xf32, #tpu.memory_space<vmem>>[vector<16xi32>], vector<16xf32>,
        %add3A_421 = arith.constant 7 : i32
        %add3A_422 = vector.broadcast %add3A_421 : i32 to vector<16xi32>
        %add3A_423 = arith.addi %mul3A_368, %add3A_422 : vector<16xi32>
        tpu.vector_store_idx %arg15[%add3A_423], %mul3A_382 {add = true} : memref<68752xf32, #tpu.memory_space<vmem>>[vector<16xi32>], vector<16xf32>,
        %add3A_424 = arith.constant 8 : i32
        %add3A_425 = vector.broadcast %add3A_424 : i32 to vector<16xi32>
        %add3A_426 = arith.addi %mul3A_368, %add3A_425 : vector<16xi32>
        tpu.vector_store_idx %arg15[%add3A_426], %mul3A_383 {add = true} : memref<68752xf32, #tpu.memory_space<vmem>>[vector<16xi32>], vector<16xf32>,
        %add3A_427 = arith.constant 9 : i32
        %add3A_428 = vector.broadcast %add3A_427 : i32 to vector<16xi32>
        %add3A_429 = arith.addi %mul3A_368, %add3A_428 : vector<16xi32>
        tpu.vector_store_idx %arg15[%add3A_429], %mul3A_386 {add = true} : memref<68752xf32, #tpu.memory_space<vmem>>[vector<16xi32>], vector<16xf32>,
        %add3A_430 = arith.constant 10 : i32
        %add3A_431 = vector.broadcast %add3A_430 : i32 to vector<16xi32>
        %add3A_432 = arith.addi %mul3A_368, %add3A_431 : vector<16xi32>
        tpu.vector_store_idx %arg15[%add3A_432], %mul3A_387 {add = true} : memref<68752xf32, #tpu.memory_space<vmem>>[vector<16xi32>], vector<16xf32>,
        %add3A_433 = arith.constant 11 : i32
        %add3A_434 = vector.broadcast %add3A_433 : i32 to vector<16xi32>
        %add3A_435 = arith.addi %mul3A_368, %add3A_434 : vector<16xi32>
        tpu.vector_store_idx %arg15[%add3A_435], %mul3A_388 {add = true} : memref<68752xf32, #tpu.memory_space<vmem>>[vector<16xi32>], vector<16xf32>,
        %add3A_436 = arith.constant 12 : i32
        %add3A_437 = vector.broadcast %add3A_436 : i32 to vector<16xi32>
        %add3A_438 = arith.addi %mul3A_368, %add3A_437 : vector<16xi32>
        tpu.vector_store_idx %arg15[%add3A_438], %mul3A_391 {add = true} : memref<68752xf32, #tpu.memory_space<vmem>>[vector<16xi32>], vector<16xf32>,
        %add3A_439 = arith.constant 13 : i32
        %add3A_440 = vector.broadcast %add3A_439 : i32 to vector<16xi32>
        %add3A_441 = arith.addi %mul3A_368, %add3A_440 : vector<16xi32>
        tpu.vector_store_idx %arg15[%add3A_441], %mul3A_392 {add = true} : memref<68752xf32, #tpu.memory_space<vmem>>[vector<16xi32>], vector<16xf32>,
        %add3A_442 = arith.constant 14 : i32
        %add3A_443 = vector.broadcast %add3A_442 : i32 to vector<16xi32>
        %add3A_444 = arith.addi %mul3A_368, %add3A_443 : vector<16xi32>
        tpu.vector_store_idx %arg15[%add3A_444], %mul3A_393 {add = true} : memref<68752xf32, #tpu.memory_space<vmem>>[vector<16xi32>], vector<16xf32>,
        %add3A_445 = arith.constant 15 : i32
        %add3A_446 = vector.broadcast %add3A_445 : i32 to vector<16xi32>
        %add3A_447 = arith.addi %mul3A_368, %add3A_446 : vector<16xi32>
        tpu.vector_store_idx %arg15[%add3A_447], %mul3A_394 {add = true} : memref<68752xf32, #tpu.memory_space<vmem>>[vector<16xi32>], vector<16xf32>,
        %add3A_448 = arith.constant 16 : i32
        %add3A_449 = vector.broadcast %add3A_448 : i32 to vector<16xi32>
        %add3A_450 = arith.addi %mul3A_368, %add3A_449 : vector<16xi32>
        tpu.vector_store_idx %arg15[%add3A_450], %mul3A_395 {add = true} : memref<68752xf32, #tpu.memory_space<vmem>>[vector<16xi32>], vector<16xf32>,
        %add3A_451 = arith.constant 17 : i32
        %add3A_452 = vector.broadcast %add3A_451 : i32 to vector<16xi32>
        %add3A_453 = arith.addi %mul3A_368, %add3A_452 : vector<16xi32>
        tpu.vector_store_idx %arg15[%add3A_453], %mul3A_396 {add = true} : memref<68752xf32, #tpu.memory_space<vmem>>[vector<16xi32>], vector<16xf32>,
        %add3A_454 = arith.constant 18 : i32
        %add3A_455 = vector.broadcast %add3A_454 : i32 to vector<16xi32>
        %add3A_456 = arith.addi %mul3A_368, %add3A_455 : vector<16xi32>
        tpu.vector_store_idx %arg15[%add3A_456], %mul3A_397 {add = true} : memref<68752xf32, #tpu.memory_space<vmem>>[vector<16xi32>], vector<16xf32>,
        %add3A_457 = arith.constant 19 : i32
        %add3A_458 = vector.broadcast %add3A_457 : i32 to vector<16xi32>
        %add3A_459 = arith.addi %mul3A_368, %add3A_458 : vector<16xi32>
        tpu.vector_store_idx %arg15[%add3A_459], %mul3A_398 {add = true} : memref<68752xf32, #tpu.memory_space<vmem>>[vector<16xi32>], vector<16xf32>,
        %add3A_460 = arith.constant 20 : i32
        %add3A_461 = vector.broadcast %add3A_460 : i32 to vector<16xi32>
        %add3A_462 = arith.addi %mul3A_368, %add3A_461 : vector<16xi32>
        tpu.vector_store_idx %arg15[%add3A_462], %mul3A_399 {add = true} : memref<68752xf32, #tpu.memory_space<vmem>>[vector<16xi32>], vector<16xf32>,
        %add3A_463 = arith.constant 21 : i32
        %add3A_464 = vector.broadcast %add3A_463 : i32 to vector<16xi32>
        %add3A_465 = arith.addi %mul3A_368, %add3A_464 : vector<16xi32>
        tpu.vector_store_idx %arg15[%add3A_465], %select_n3A_272 {add = true} : memref<68752xf32, #tpu.memory_space<vmem>>[vector<16xi32>], vector<16xf32>,
      }
      %scan3A_258 = arith.constant 128 : i32
    }
    %while3A_186 = arith.constant 1 : i32
    scf.for %while3A_192 = %while3A_184 to %while3A_180 step %while3A_186  : i32 {
      %rem3A_193 = arith.constant 2 : i32
      %rem3A_194 = arith.remsi %while3A_192, %rem3A_193 : i32
      %add3A_195 = arith.constant 1 : i32
      %add3A_196 = arith.addi %while3A_192, %add3A_195 : i32
      %rem3A_197 = arith.constant 2 : i32
      %rem3A_198 = arith.remsi %add3A_196, %rem3A_197 : i32
      %add3A_199 = arith.constant 1 : i32
      %add3A_200 = arith.addi %while3A_192, %add3A_199 : i32
      %lt3A_201 = arith.cmpi slt, %add3A_200, %select_n3A_122 : i32
      %convert_element_type3A_202 = arith.extui %lt3A_201 : i1 to i32
      %cond3A_203 = arith.constant 0 : i32
      %cond3A_204 = arith.cmpi ne, %convert_element_type3A_202, %cond3A_203 : i32
      scf.if %cond3A_204 {
        %add3A_259 = arith.constant 1 : i32
        %add3A_260 = arith.addi %while3A_192, %add3A_259 : i32
        %mul3A_261 = arith.constant 2048 : i32
        %mul3A_262 = arith.muli %add3A_260, %mul3A_261 : i32
        %add3A_263 = arith.addi %mul3A_93, %mul3A_262 : i32
        %dma_start3A = arith.constant 0 : i32
        %dma_start3A_264 = tpu.memref_slice %arg9[%rem3A_198, %dma_start3A] : memref<2x2048xf32, #tpu.memory_space<vmem>> -> memref<1x2048xf32, #tpu.memory_space<vmem>>
        %dma_start3A_265 = tpu.memref_squeeze %dma_start3A_264 : memref<1x2048xf32, #tpu.memory_space<vmem>> -> memref<2048xf32, #tpu.memory_space<vmem>>
        %dma_start3A_266 = tpu.memref_slice %arg2[%add3A_263] : memref<1602048xf32, #tpu.memory_space<hbm>> -> memref<2048xf32, #tpu.memory_space<hbm>>
        %dma_start3A_267 = tpu.memref_slice %arg17[%rem3A_198] : memref<2x!tpu.dma_semaphore, #tpu.memory_space<semaphore_mem>> -> memref<1x!tpu.dma_semaphore, #tpu.memory_space<semaphore_mem>>
        %dma_start3A_268 = tpu.memref_squeeze %dma_start3A_267 : memref<1x!tpu.dma_semaphore, #tpu.memory_space<semaphore_mem>> -> memref<!tpu.dma_semaphore, #tpu.memory_space<semaphore_mem>>
        %dma_start3A_269 = arith.constant 0 : i32
        %dma_start3A_270 = tpu.memref_slice %arg9[%rem3A_198, %dma_start3A_269] : memref<2x2048xf32, #tpu.memory_space<vmem>> -> memref<1x2048xf32, #tpu.memory_space<vmem>>
        %dma_start3A_271 = tpu.memref_squeeze %dma_start3A_270 : memref<1x2048xf32, #tpu.memory_space<vmem>> -> memref<2048xf32, #tpu.memory_space<vmem>>
        %dma_start3A_272 = tpu.memref_slice %arg2[%add3A_263] : memref<1602048xf32, #tpu.memory_space<hbm>> -> memref<2048xf32, #tpu.memory_space<hbm>>
        tpu.enqueue_dma source(%dma_start3A_272 : memref<2048xf32, #tpu.memory_space<hbm>>) target(%dma_start3A_271 : memref<2048xf32, #tpu.memory_space<vmem>>) target_semaphore(%dma_start3A_268 : memref<!tpu.dma_semaphore, #tpu.memory_space<semaphore_mem>>)
        %dma_start3A_273 = arith.constant 0 : i32
        %dma_start3A_274 = tpu.memref_slice %arg10[%rem3A_198, %dma_start3A_273] : memref<2x2048xf32, #tpu.memory_space<vmem>> -> memref<1x2048xf32, #tpu.memory_space<vmem>>
        %dma_start3A_275 = tpu.memref_squeeze %dma_start3A_274 : memref<1x2048xf32, #tpu.memory_space<vmem>> -> memref<2048xf32, #tpu.memory_space<vmem>>
        %dma_start3A_276 = tpu.memref_slice %arg3[%add3A_263] : memref<1602048xf32, #tpu.memory_space<hbm>> -> memref<2048xf32, #tpu.memory_space<hbm>>
        %dma_start3A_277 = tpu.memref_slice %arg17[%rem3A_198] : memref<2x!tpu.dma_semaphore, #tpu.memory_space<semaphore_mem>> -> memref<1x!tpu.dma_semaphore, #tpu.memory_space<semaphore_mem>>
        %dma_start3A_278 = tpu.memref_squeeze %dma_start3A_277 : memref<1x!tpu.dma_semaphore, #tpu.memory_space<semaphore_mem>> -> memref<!tpu.dma_semaphore, #tpu.memory_space<semaphore_mem>>
        %dma_start3A_279 = arith.constant 0 : i32
        %dma_start3A_280 = tpu.memref_slice %arg10[%rem3A_198, %dma_start3A_279] : memref<2x2048xf32, #tpu.memory_space<vmem>> -> memref<1x2048xf32, #tpu.memory_space<vmem>>
        %dma_start3A_281 = tpu.memref_squeeze %dma_start3A_280 : memref<1x2048xf32, #tpu.memory_space<vmem>> -> memref<2048xf32, #tpu.memory_space<vmem>>
        %dma_start3A_282 = tpu.memref_slice %arg3[%add3A_263] : memref<1602048xf32, #tpu.memory_space<hbm>> -> memref<2048xf32, #tpu.memory_space<hbm>>
        tpu.enqueue_dma source(%dma_start3A_282 : memref<2048xf32, #tpu.memory_space<hbm>>) target(%dma_start3A_281 : memref<2048xf32, #tpu.memory_space<vmem>>) target_semaphore(%dma_start3A_278 : memref<!tpu.dma_semaphore, #tpu.memory_space<semaphore_mem>>)
        %dma_start3A_283 = arith.constant 0 : i32
        %dma_start3A_284 = tpu.memref_slice %arg11[%rem3A_198, %dma_start3A_283] : memref<2x2048xf32, #tpu.memory_space<vmem>> -> memref<1x2048xf32, #tpu.memory_space<vmem>>
        %dma_start3A_285 = tpu.memref_squeeze %dma_start3A_284 : memref<1x2048xf32, #tpu.memory_space<vmem>> -> memref<2048xf32, #tpu.memory_space<vmem>>
        %dma_start3A_286 = tpu.memref_slice %arg4[%add3A_263] : memref<1602048xf32, #tpu.memory_space<hbm>> -> memref<2048xf32, #tpu.memory_space<hbm>>
        %dma_start3A_287 = tpu.memref_slice %arg17[%rem3A_198] : memref<2x!tpu.dma_semaphore, #tpu.memory_space<semaphore_mem>> -> memref<1x!tpu.dma_semaphore, #tpu.memory_space<semaphore_mem>>
        %dma_start3A_288 = tpu.memref_squeeze %dma_start3A_287 : memref<1x!tpu.dma_semaphore, #tpu.memory_space<semaphore_mem>> -> memref<!tpu.dma_semaphore, #tpu.memory_space<semaphore_mem>>
        %dma_start3A_289 = arith.constant 0 : i32
        %dma_start3A_290 = tpu.memref_slice %arg11[%rem3A_198, %dma_start3A_289] : memref<2x2048xf32, #tpu.memory_space<vmem>> -> memref<1x2048xf32, #tpu.memory_space<vmem>>
        %dma_start3A_291 = tpu.memref_squeeze %dma_start3A_290 : memref<1x2048xf32, #tpu.memory_space<vmem>> -> memref<2048xf32, #tpu.memory_space<vmem>>
        %dma_start3A_292 = tpu.memref_slice %arg4[%add3A_263] : memref<1602048xf32, #tpu.memory_space<hbm>> -> memref<2048xf32, #tpu.memory_space<hbm>>
        tpu.enqueue_dma source(%dma_start3A_292 : memref<2048xf32, #tpu.memory_space<hbm>>) target(%dma_start3A_291 : memref<2048xf32, #tpu.memory_space<vmem>>) target_semaphore(%dma_start3A_288 : memref<!tpu.dma_semaphore, #tpu.memory_space<semaphore_mem>>)
        %dma_start3A_293 = arith.constant 0 : i32
        %dma_start3A_294 = tpu.memref_slice %arg12[%rem3A_198, %dma_start3A_293] : memref<2x2048xi32, #tpu.memory_space<vmem>> -> memref<1x2048xi32, #tpu.memory_space<vmem>>
        %dma_start3A_295 = tpu.memref_squeeze %dma_start3A_294 : memref<1x2048xi32, #tpu.memory_space<vmem>> -> memref<2048xi32, #tpu.memory_space<vmem>>
        %dma_start3A_296 = tpu.memref_slice %arg5[%add3A_263] : memref<1602048xi32, #tpu.memory_space<hbm>> -> memref<2048xi32, #tpu.memory_space<hbm>>
        %dma_start3A_297 = tpu.memref_slice %arg17[%rem3A_198] : memref<2x!tpu.dma_semaphore, #tpu.memory_space<semaphore_mem>> -> memref<1x!tpu.dma_semaphore, #tpu.memory_space<semaphore_mem>>
        %dma_start3A_298 = tpu.memref_squeeze %dma_start3A_297 : memref<1x!tpu.dma_semaphore, #tpu.memory_space<semaphore_mem>> -> memref<!tpu.dma_semaphore, #tpu.memory_space<semaphore_mem>>
        %dma_start3A_299 = arith.constant 0 : i32
        %dma_start3A_300 = tpu.memref_slice %arg12[%rem3A_198, %dma_start3A_299] : memref<2x2048xi32, #tpu.memory_space<vmem>> -> memref<1x2048xi32, #tpu.memory_space<vmem>>
        %dma_start3A_301 = tpu.memref_squeeze %dma_start3A_300 : memref<1x2048xi32, #tpu.memory_space<vmem>> -> memref<2048xi32, #tpu.memory_space<vmem>>
        %dma_start3A_302 = tpu.memref_slice %arg5[%add3A_263] : memref<1602048xi32, #tpu.memory_space<hbm>> -> memref<2048xi32, #tpu.memory_space<hbm>>
        tpu.enqueue_dma source(%dma_start3A_302 : memref<2048xi32, #tpu.memory_space<hbm>>) target(%dma_start3A_301 : memref<2048xi32, #tpu.memory_space<vmem>>) target_semaphore(%dma_start3A_298 : memref<!tpu.dma_semaphore, #tpu.memory_space<semaphore_mem>>)
      } else {
      }
      %mul3A_205 = arith.constant 2048 : i32
      %mul3A_206 = arith.muli %while3A_192, %mul3A_205 : i32
      %add3A_207 = arith.addi %mul3A_93, %mul3A_206 : i32
      %dma_wait3A = arith.constant 0 : i32
      %dma_wait3A_208 = tpu.memref_slice %arg9[%rem3A_194, %dma_wait3A] : memref<2x2048xf32, #tpu.memory_space<vmem>> -> memref<1x2048xf32, #tpu.memory_space<vmem>>
      %dma_wait3A_209 = tpu.memref_squeeze %dma_wait3A_208 : memref<1x2048xf32, #tpu.memory_space<vmem>> -> memref<2048xf32, #tpu.memory_space<vmem>>
      %dma_wait3A_210 = tpu.memref_slice %arg2[%add3A_207] : memref<1602048xf32, #tpu.memory_space<hbm>> -> memref<2048xf32, #tpu.memory_space<hbm>>
      %dma_wait3A_211 = tpu.memref_slice %arg17[%rem3A_194] : memref<2x!tpu.dma_semaphore, #tpu.memory_space<semaphore_mem>> -> memref<1x!tpu.dma_semaphore, #tpu.memory_space<semaphore_mem>>
      %dma_wait3A_212 = tpu.memref_squeeze %dma_wait3A_211 : memref<1x!tpu.dma_semaphore, #tpu.memory_space<semaphore_mem>> -> memref<!tpu.dma_semaphore, #tpu.memory_space<semaphore_mem>>
      %dma_wait3A_213 = arith.constant 0 : i32
      %dma_wait3A_214 = tpu.memref_slice %arg9[%rem3A_194, %dma_wait3A_213] : memref<2x2048xf32, #tpu.memory_space<vmem>> -> memref<1x2048xf32, #tpu.memory_space<vmem>>
      %dma_wait3A_215 = tpu.memref_squeeze %dma_wait3A_214 : memref<1x2048xf32, #tpu.memory_space<vmem>> -> memref<2048xf32, #tpu.memory_space<vmem>>
      %dma_wait3A_216 = tpu.memref_slice %arg2[%add3A_207] : memref<1602048xf32, #tpu.memory_space<hbm>> -> memref<2048xf32, #tpu.memory_space<hbm>>
      tpu.wait_dma2 semaphore(%dma_wait3A_212 : memref<!tpu.dma_semaphore, #tpu.memory_space<semaphore_mem>>) src(%dma_wait3A_216 : memref<2048xf32, #tpu.memory_space<hbm>>) dst(%dma_wait3A_215 : memref<2048xf32, #tpu.memory_space<vmem>>)
      %dma_wait3A_217 = arith.constant 0 : i32
      %dma_wait3A_218 = tpu.memref_slice %arg10[%rem3A_194, %dma_wait3A_217] : memref<2x2048xf32, #tpu.memory_space<vmem>> -> memref<1x2048xf32, #tpu.memory_space<vmem>>
      %dma_wait3A_219 = tpu.memref_squeeze %dma_wait3A_218 : memref<1x2048xf32, #tpu.memory_space<vmem>> -> memref<2048xf32, #tpu.memory_space<vmem>>
      %dma_wait3A_220 = tpu.memref_slice %arg3[%add3A_207] : memref<1602048xf32, #tpu.memory_space<hbm>> -> memref<2048xf32, #tpu.memory_space<hbm>>
      %dma_wait3A_221 = tpu.memref_slice %arg17[%rem3A_194] : memref<2x!tpu.dma_semaphore, #tpu.memory_space<semaphore_mem>> -> memref<1x!tpu.dma_semaphore, #tpu.memory_space<semaphore_mem>>
      %dma_wait3A_222 = tpu.memref_squeeze %dma_wait3A_221 : memref<1x!tpu.dma_semaphore, #tpu.memory_space<semaphore_mem>> -> memref<!tpu.dma_semaphore, #tpu.memory_space<semaphore_mem>>
      %dma_wait3A_223 = arith.constant 0 : i32
      %dma_wait3A_224 = tpu.memref_slice %arg10[%rem3A_194, %dma_wait3A_223] : memref<2x2048xf32, #tpu.memory_space<vmem>> -> memref<1x2048xf32, #tpu.memory_space<vmem>>
      %dma_wait3A_225 = tpu.memref_squeeze %dma_wait3A_224 : memref<1x2048xf32, #tpu.memory_space<vmem>> -> memref<2048xf32, #tpu.memory_space<vmem>>
      %dma_wait3A_226 = tpu.memref_slice %arg3[%add3A_207] : memref<1602048xf32, #tpu.memory_space<hbm>> -> memref<2048xf32, #tpu.memory_space<hbm>>
      tpu.wait_dma2 semaphore(%dma_wait3A_222 : memref<!tpu.dma_semaphore, #tpu.memory_space<semaphore_mem>>) src(%dma_wait3A_226 : memref<2048xf32, #tpu.memory_space<hbm>>) dst(%dma_wait3A_225 : memref<2048xf32, #tpu.memory_space<vmem>>)
      %dma_wait3A_227 = arith.constant 0 : i32
      %dma_wait3A_228 = tpu.memref_slice %arg11[%rem3A_194, %dma_wait3A_227] : memref<2x2048xf32, #tpu.memory_space<vmem>> -> memref<1x2048xf32, #tpu.memory_space<vmem>>
      %dma_wait3A_229 = tpu.memref_squeeze %dma_wait3A_228 : memref<1x2048xf32, #tpu.memory_space<vmem>> -> memref<2048xf32, #tpu.memory_space<vmem>>
      %dma_wait3A_230 = tpu.memref_slice %arg4[%add3A_207] : memref<1602048xf32, #tpu.memory_space<hbm>> -> memref<2048xf32, #tpu.memory_space<hbm>>
      %dma_wait3A_231 = tpu.memref_slice %arg17[%rem3A_194] : memref<2x!tpu.dma_semaphore, #tpu.memory_space<semaphore_mem>> -> memref<1x!tpu.dma_semaphore, #tpu.memory_space<semaphore_mem>>
      %dma_wait3A_232 = tpu.memref_squeeze %dma_wait3A_231 : memref<1x!tpu.dma_semaphore, #tpu.memory_space<semaphore_mem>> -> memref<!tpu.dma_semaphore, #tpu.memory_space<semaphore_mem>>
      %dma_wait3A_233 = arith.constant 0 : i32
      %dma_wait3A_234 = tpu.memref_slice %arg11[%rem3A_194, %dma_wait3A_233] : memref<2x2048xf32, #tpu.memory_space<vmem>> -> memref<1x2048xf32, #tpu.memory_space<vmem>>
      %dma_wait3A_235 = tpu.memref_squeeze %dma_wait3A_234 : memref<1x2048xf32, #tpu.memory_space<vmem>> -> memref<2048xf32, #tpu.memory_space<vmem>>
      %dma_wait3A_236 = tpu.memref_slice %arg4[%add3A_207] : memref<1602048xf32, #tpu.memory_space<hbm>> -> memref<2048xf32, #tpu.memory_space<hbm>>
      tpu.wait_dma2 semaphore(%dma_wait3A_232 : memref<!tpu.dma_semaphore, #tpu.memory_space<semaphore_mem>>) src(%dma_wait3A_236 : memref<2048xf32, #tpu.memory_space<hbm>>) dst(%dma_wait3A_235 : memref<2048xf32, #tpu.memory_space<vmem>>)
      %dma_wait3A_237 = arith.constant 0 : i32
      %dma_wait3A_238 = tpu.memref_slice %arg12[%rem3A_194, %dma_wait3A_237] : memref<2x2048xi32, #tpu.memory_space<vmem>> -> memref<1x2048xi32, #tpu.memory_space<vmem>>
      %dma_wait3A_239 = tpu.memref_squeeze %dma_wait3A_238 : memref<1x2048xi32, #tpu.memory_space<vmem>> -> memref<2048xi32, #tpu.memory_space<vmem>>
      %dma_wait3A_240 = tpu.memref_slice %arg5[%add3A_207] : memref<1602048xi32, #tpu.memory_space<hbm>> -> memref<2048xi32, #tpu.memory_space<hbm>>
      %dma_wait3A_241 = tpu.memref_slice %arg17[%rem3A_194] : memref<2x!tpu.dma_semaphore, #tpu.memory_space<semaphore_mem>> -> memref<1x!tpu.dma_semaphore, #tpu.memory_space<semaphore_mem>>
      %dma_wait3A_242 = tpu.memref_squeeze %dma_wait3A_241 : memref<1x!tpu.dma_semaphore, #tpu.memory_space<semaphore_mem>> -> memref<!tpu.dma_semaphore, #tpu.memory_space<semaphore_mem>>
      %dma_wait3A_243 = arith.constant 0 : i32
      %dma_wait3A_244 = tpu.memref_slice %arg12[%rem3A_194, %dma_wait3A_243] : memref<2x2048xi32, #tpu.memory_space<vmem>> -> memref<1x2048xi32, #tpu.memory_space<vmem>>
      %dma_wait3A_245 = tpu.memref_squeeze %dma_wait3A_244 : memref<1x2048xi32, #tpu.memory_space<vmem>> -> memref<2048xi32, #tpu.memory_space<vmem>>
      %dma_wait3A_246 = tpu.memref_slice %arg5[%add3A_207] : memref<1602048xi32, #tpu.memory_space<hbm>> -> memref<2048xi32, #tpu.memory_space<hbm>>
      tpu.wait_dma2 semaphore(%dma_wait3A_242 : memref<!tpu.dma_semaphore, #tpu.memory_space<semaphore_mem>>) src(%dma_wait3A_246 : memref<2048xi32, #tpu.memory_space<hbm>>) dst(%dma_wait3A_245 : memref<2048xi32, #tpu.memory_space<vmem>>)
      %mul3A_247 = arith.constant 2048 : i32
      %mul3A_248 = arith.muli %while3A_192, %mul3A_247 : i32
      %add3A_249 = arith.addi %mul3A_93, %mul3A_248 : i32
      %broadcast_in_dim3A_250 = arith.constant 0 : i32
      %broadcast_in_dim3A_251 = vector.broadcast %broadcast_in_dim3A_250 : i32 to vector<16xi32>
      %add3A_252 = vector.broadcast %rem3A_194 : i32 to vector<16xi32>
      %add3A_253 = arith.addi %broadcast_in_dim3A_251, %add3A_252 : vector<16xi32>
      %scan3A_254 = arith.constant 0 : i32
      %scan3A_255 = arith.constant 128 : i32
      %scan3A_256 = arith.addi %scan3A_254, %scan3A_255 : i32
      %scan3A_257 = arith.constant 1 : i32
      scf.for %scan3A_259 = %scan3A_254 to %scan3A_256 step %scan3A_257  : i32 {
        %add3A_260 = vector.broadcast %scan3A_259 : i32 to vector<16xi32>
        %add3A_261 = arith.addi %mul3A_178, %add3A_260 : vector<16xi32>
        %gather3A = tpu.vector_load_idx %arg12[%add3A_253, %add3A_261] : memref<2x2048xi32, #tpu.memory_space<vmem>>[vector<16xi32>, vector<16xi32>], vector<16xi32>,
        %add3A_262 = vector.broadcast %add3A_249 : i32 to vector<16xi32>
        %add3A_263 = arith.addi %add3A_262, %add3A_261 : vector<16xi32>
        %ge3A = vector.broadcast %reduce_max3A_33 : i32 to vector<16xi32>
        %ge3A_264 = arith.cmpi sge, %add3A_263, %ge3A : vector<16xi32>
        %lt3A_265 = vector.broadcast %reduce_max3A_70 : i32 to vector<16xi32>
        %lt3A_266 = arith.cmpi slt, %add3A_263, %lt3A_265 : vector<16xi32>
        %and3A_267 = arith.andi %ge3A_264, %lt3A_266 : vector<16xi1>
        %jit3A_268 = arith.constant 1.000000e+00 : f32
        %jit3A_269 = arith.constant 0.000000e+00 : f32
        %broadcast_in_dim3A_270 = vector.broadcast %jit3A_268 : f32 to vector<16xf32>
        %broadcast_in_dim3A_271 = vector.broadcast %jit3A_269 : f32 to vector<16xf32>
        %select_n3A_272 = arith.select %and3A_267, %broadcast_in_dim3A_270, %broadcast_in_dim3A_271 : vector<16xi1>, vector<16xf32>
        %sub3A_273 = vector.broadcast %mul3A_2 : i32 to vector<16xi32>
        %sub3A_274 = arith.subi %gather3A, %sub3A_273 : vector<16xi32>
        %jit3A_275 = arith.constant 0 : i32
        %jit3A_276 = arith.constant 3124 : i32
        %max3A = vector.broadcast %jit3A_275 : i32 to vector<16xi32>
        %max3A_277 = arith.maxsi %max3A, %sub3A_274 : vector<16xi32>
        %min3A = vector.broadcast %jit3A_276 : i32 to vector<16xi32>
        %min3A_278 = arith.minsi %min3A, %max3A_277 : vector<16xi32>
        %gather3A_279 = tpu.vector_load_idx %arg9[%add3A_253, %add3A_261] : memref<2x2048xf32, #tpu.memory_space<vmem>>[vector<16xi32>, vector<16xi32>], vector<16xf32>,
        %gather3A_280 = tpu.vector_load_idx %arg10[%add3A_253, %add3A_261] : memref<2x2048xf32, #tpu.memory_space<vmem>>[vector<16xi32>, vector<16xi32>], vector<16xf32>,
        %gather3A_281 = tpu.vector_load_idx %arg11[%add3A_253, %add3A_261] : memref<2x2048xf32, #tpu.memory_space<vmem>>[vector<16xi32>, vector<16xi32>], vector<16xf32>,
        %mul3A_282 = arith.mulf %gather3A_279, %gather3A_279 : vector<16xf32>
        %mul3A_283 = arith.mulf %gather3A_280, %gather3A_280 : vector<16xf32>
        %add3A_284 = arith.addf %mul3A_282, %mul3A_283 : vector<16xf32>
        %mul3A_285 = arith.mulf %gather3A_281, %gather3A_281 : vector<16xf32>
        %add3A_286 = arith.addf %add3A_284, %mul3A_285 : vector<16xf32>
        %bitcast3A = vector.bitcast %add3A_286 : vector<16xf32> to vector<16xi32>
        %shift_right_arithmetic3A = arith.constant 1 : i32
        %shift_right_arithmetic3A_287 = vector.broadcast %shift_right_arithmetic3A : i32 to vector<16xi32>
        %shift_right_arithmetic3A_288 = arith.shrsi %bitcast3A, %shift_right_arithmetic3A_287 : vector<16xi32>
        %sub3A_289 = arith.constant 1597463007 : i32
        %sub3A_290 = vector.broadcast %sub3A_289 : i32 to vector<16xi32>
        %sub3A_291 = arith.subi %sub3A_290, %shift_right_arithmetic3A_288 : vector<16xi32>
        %bitcast3A_292 = vector.bitcast %sub3A_291 : vector<16xi32> to vector<16xf32>
        %mul3A_293 = arith.constant 5.000000e-01 : f32
        %mul3A_294 = vector.broadcast %mul3A_293 : f32 to vector<16xf32>
        %mul3A_295 = arith.mulf %mul3A_294, %add3A_286 : vector<16xf32>
        %mul3A_296 = arith.mulf %mul3A_295, %bitcast3A_292 : vector<16xf32>
        %mul3A_297 = arith.mulf %mul3A_296, %bitcast3A_292 : vector<16xf32>
        %sub3A_298 = arith.constant 1.500000e+00 : f32
        %sub3A_299 = vector.broadcast %sub3A_298 : f32 to vector<16xf32>
        %sub3A_300 = arith.subf %sub3A_299, %mul3A_297 : vector<16xf32>
        %mul3A_301 = arith.mulf %bitcast3A_292, %sub3A_300 : vector<16xf32>
        %mul3A_302 = arith.constant 5.000000e-01 : f32
        %mul3A_303 = vector.broadcast %mul3A_302 : f32 to vector<16xf32>
        %mul3A_304 = arith.mulf %mul3A_303, %add3A_286 : vector<16xf32>
        %mul3A_305 = arith.mulf %mul3A_304, %mul3A_301 : vector<16xf32>
        %mul3A_306 = arith.mulf %mul3A_305, %mul3A_301 : vector<16xf32>
        %sub3A_307 = arith.constant 1.500000e+00 : f32
        %sub3A_308 = vector.broadcast %sub3A_307 : f32 to vector<16xf32>
        %sub3A_309 = arith.subf %sub3A_308, %mul3A_306 : vector<16xf32>
        %mul3A_310 = arith.mulf %mul3A_301, %sub3A_309 : vector<16xf32>
        %mul3A_311 = arith.constant 5.000000e-01 : f32
        %mul3A_312 = vector.broadcast %mul3A_311 : f32 to vector<16xf32>
        %mul3A_313 = arith.mulf %mul3A_312, %add3A_286 : vector<16xf32>
        %mul3A_314 = arith.mulf %mul3A_313, %mul3A_310 : vector<16xf32>
        %mul3A_315 = arith.mulf %mul3A_314, %mul3A_310 : vector<16xf32>
        %sub3A_316 = arith.constant 1.500000e+00 : f32
        %sub3A_317 = vector.broadcast %sub3A_316 : f32 to vector<16xf32>
        %sub3A_318 = arith.subf %sub3A_317, %mul3A_315 : vector<16xf32>
        %mul3A_319 = arith.mulf %mul3A_310, %sub3A_318 : vector<16xf32>
        %mul3A_320 = arith.constant 5.000000e-01 : f32
        %mul3A_321 = vector.broadcast %mul3A_320 : f32 to vector<16xf32>
        %mul3A_322 = arith.mulf %mul3A_321, %add3A_286 : vector<16xf32>
        %mul3A_323 = arith.mulf %mul3A_322, %mul3A_319 : vector<16xf32>
        %mul3A_324 = arith.mulf %mul3A_323, %mul3A_319 : vector<16xf32>
        %sub3A_325 = arith.constant 1.500000e+00 : f32
        %sub3A_326 = vector.broadcast %sub3A_325 : f32 to vector<16xf32>
        %sub3A_327 = arith.subf %sub3A_326, %mul3A_324 : vector<16xf32>
        %mul3A_328 = arith.mulf %mul3A_319, %sub3A_327 : vector<16xf32>
        %mul3A_329 = arith.mulf %add3A_286, %mul3A_328 : vector<16xf32>
        %sub3A_330 = arith.constant 6.000000e+00 : f32
        %sub3A_331 = vector.broadcast %sub3A_330 : f32 to vector<16xf32>
        %sub3A_332 = arith.subf %mul3A_329, %sub3A_331 : vector<16xf32>
        %mul3A_333 = arith.constant -0.333333343 : f32
        %mul3A_334 = vector.broadcast %mul3A_333 : f32 to vector<16xf32>
        %mul3A_335 = arith.mulf %sub3A_332, %mul3A_334 : vector<16xf32>
        %mul3A_336 = arith.mulf %mul3A_335, %mul3A_335 : vector<16xf32>
        %mul3A_337 = arith.mulf %mul3A_336, %mul3A_335 : vector<16xf32>
        %mul3A_338 = arith.constant 6.000000e+00 : f32
        %mul3A_339 = vector.broadcast %mul3A_338 : f32 to vector<16xf32>
        %mul3A_340 = arith.mulf %mul3A_339, %mul3A_335 : vector<16xf32>
        %add3A_341 = arith.constant -1.500000e+01 : f32
        %add3A_342 = vector.broadcast %add3A_341 : f32 to vector<16xf32>
        %add3A_343 = arith.addf %add3A_342, %mul3A_340 : vector<16xf32>
        %mul3A_344 = arith.mulf %mul3A_335, %add3A_343 : vector<16xf32>
        %add3A_345 = arith.constant 1.000000e+01 : f32
        %add3A_346 = vector.broadcast %add3A_345 : f32 to vector<16xf32>
        %add3A_347 = arith.addf %add3A_346, %mul3A_344 : vector<16xf32>
        %mul3A_348 = arith.mulf %mul3A_337, %add3A_347 : vector<16xf32>
        %add3A_349 = arith.constant 1.000000e+00 : f32
        %add3A_350 = vector.broadcast %add3A_349 : f32 to vector<16xf32>
        %add3A_351 = arith.addf %mul3A_348, %add3A_350 : vector<16xf32>
        %lt3A_352 = arith.constant 3.000000e+00 : f32
        %lt3A_353 = vector.broadcast %lt3A_352 : f32 to vector<16xf32>
        %lt3A_354 = arith.cmpf olt, %mul3A_329, %lt3A_353 : vector<16xf32>
        %lt3A_355 = arith.constant 6.000000e+00 : f32
        %lt3A_356 = vector.broadcast %lt3A_355 : f32 to vector<16xf32>
        %lt3A_357 = arith.cmpf olt, %mul3A_329, %lt3A_356 : vector<16xf32>
        %mul3A_358 = arith.mulf %mul3A_328, %add3A_351 : vector<16xf32>
        %broadcast_in_dim3A_359 = arith.constant 0.000000e+00 : f32
        %broadcast_in_dim3A_360 = vector.broadcast %broadcast_in_dim3A_359 : f32 to vector<16xf32>
        %select_n3A_361 = arith.select %lt3A_357, %mul3A_358, %broadcast_in_dim3A_360 : vector<16xi1>, vector<16xf32>
        %select_n3A_362 = arith.select %lt3A_354, %mul3A_328, %select_n3A_361 : vector<16xi1>, vector<16xf32>
        %mul3A_363 = arith.mulf %gather3A_279, %select_n3A_272 : vector<16xf32>
        %mul3A_364 = arith.mulf %gather3A_280, %select_n3A_272 : vector<16xf32>
        %mul3A_365 = arith.mulf %gather3A_281, %select_n3A_272 : vector<16xf32>
        %mul3A_366 = arith.constant 22 : i32
        %mul3A_367 = vector.broadcast %mul3A_366 : i32 to vector<16xi32>
        %mul3A_368 = arith.muli %min3A_278, %mul3A_367 : vector<16xi32>
        %mul3A_369 = arith.mulf %select_n3A_362, %get3A_137 : vector<16xf32>
        %add3A_370 = arith.addf %mul3A_369, %get3A_157 : vector<16xf32>
        %mul3A_371 = arith.mulf %add3A_370, %mul3A_363 : vector<16xf32>
        %mul3A_372 = arith.mulf %add3A_370, %mul3A_364 : vector<16xf32>
        %mul3A_373 = arith.mulf %add3A_370, %mul3A_365 : vector<16xf32>
        %mul3A_374 = arith.mulf %select_n3A_362, %get3A_141 : vector<16xf32>
        %add3A_375 = arith.addf %mul3A_374, %get3A_161 : vector<16xf32>
        %mul3A_376 = arith.mulf %add3A_375, %mul3A_363 : vector<16xf32>
        %mul3A_377 = arith.mulf %add3A_375, %mul3A_364 : vector<16xf32>
        %mul3A_378 = arith.mulf %add3A_375, %mul3A_365 : vector<16xf32>
        %mul3A_379 = arith.mulf %select_n3A_362, %get3A_145 : vector<16xf32>
        %add3A_380 = arith.addf %mul3A_379, %get3A_165 : vector<16xf32>
        %mul3A_381 = arith.mulf %add3A_380, %mul3A_363 : vector<16xf32>
        %mul3A_382 = arith.mulf %add3A_380, %mul3A_364 : vector<16xf32>
        %mul3A_383 = arith.mulf %add3A_380, %mul3A_365 : vector<16xf32>
        %mul3A_384 = arith.mulf %select_n3A_362, %get3A_149 : vector<16xf32>
        %add3A_385 = arith.addf %mul3A_384, %get3A_169 : vector<16xf32>
        %mul3A_386 = arith.mulf %add3A_385, %mul3A_363 : vector<16xf32>
        %mul3A_387 = arith.mulf %add3A_385, %mul3A_364 : vector<16xf32>
        %mul3A_388 = arith.mulf %add3A_385, %mul3A_365 : vector<16xf32>
        %mul3A_389 = arith.mulf %select_n3A_362, %get3A_153 : vector<16xf32>
        %add3A_390 = arith.addf %mul3A_389, %get3A_173 : vector<16xf32>
        %mul3A_391 = arith.mulf %add3A_390, %mul3A_363 : vector<16xf32>
        %mul3A_392 = arith.mulf %add3A_390, %mul3A_364 : vector<16xf32>
        %mul3A_393 = arith.mulf %add3A_390, %mul3A_365 : vector<16xf32>
        %mul3A_394 = arith.mulf %mul3A_363, %gather3A_279 : vector<16xf32>
        %mul3A_395 = arith.mulf %mul3A_363, %gather3A_280 : vector<16xf32>
        %mul3A_396 = arith.mulf %mul3A_363, %gather3A_281 : vector<16xf32>
        %mul3A_397 = arith.mulf %mul3A_364, %gather3A_280 : vector<16xf32>
        %mul3A_398 = arith.mulf %mul3A_364, %gather3A_281 : vector<16xf32>
        %mul3A_399 = arith.mulf %mul3A_365, %gather3A_281 : vector<16xf32>
        %add3A_400 = arith.constant 0 : i32
        %add3A_401 = vector.broadcast %add3A_400 : i32 to vector<16xi32>
        %add3A_402 = arith.addi %mul3A_368, %add3A_401 : vector<16xi32>
        tpu.vector_store_idx %arg15[%add3A_402], %mul3A_371 {add = true} : memref<68752xf32, #tpu.memory_space<vmem>>[vector<16xi32>], vector<16xf32>,
        %add3A_403 = arith.constant 1 : i32
        %add3A_404 = vector.broadcast %add3A_403 : i32 to vector<16xi32>
        %add3A_405 = arith.addi %mul3A_368, %add3A_404 : vector<16xi32>
        tpu.vector_store_idx %arg15[%add3A_405], %mul3A_372 {add = true} : memref<68752xf32, #tpu.memory_space<vmem>>[vector<16xi32>], vector<16xf32>,
        %add3A_406 = arith.constant 2 : i32
        %add3A_407 = vector.broadcast %add3A_406 : i32 to vector<16xi32>
        %add3A_408 = arith.addi %mul3A_368, %add3A_407 : vector<16xi32>
        tpu.vector_store_idx %arg15[%add3A_408], %mul3A_373 {add = true} : memref<68752xf32, #tpu.memory_space<vmem>>[vector<16xi32>], vector<16xf32>,
        %add3A_409 = arith.constant 3 : i32
        %add3A_410 = vector.broadcast %add3A_409 : i32 to vector<16xi32>
        %add3A_411 = arith.addi %mul3A_368, %add3A_410 : vector<16xi32>
        tpu.vector_store_idx %arg15[%add3A_411], %mul3A_376 {add = true} : memref<68752xf32, #tpu.memory_space<vmem>>[vector<16xi32>], vector<16xf32>,
        %add3A_412 = arith.constant 4 : i32
        %add3A_413 = vector.broadcast %add3A_412 : i32 to vector<16xi32>
        %add3A_414 = arith.addi %mul3A_368, %add3A_413 : vector<16xi32>
        tpu.vector_store_idx %arg15[%add3A_414], %mul3A_377 {add = true} : memref<68752xf32, #tpu.memory_space<vmem>>[vector<16xi32>], vector<16xf32>,
        %add3A_415 = arith.constant 5 : i32
        %add3A_416 = vector.broadcast %add3A_415 : i32 to vector<16xi32>
        %add3A_417 = arith.addi %mul3A_368, %add3A_416 : vector<16xi32>
        tpu.vector_store_idx %arg15[%add3A_417], %mul3A_378 {add = true} : memref<68752xf32, #tpu.memory_space<vmem>>[vector<16xi32>], vector<16xf32>,
        %add3A_418 = arith.constant 6 : i32
        %add3A_419 = vector.broadcast %add3A_418 : i32 to vector<16xi32>
        %add3A_420 = arith.addi %mul3A_368, %add3A_419 : vector<16xi32>
        tpu.vector_store_idx %arg15[%add3A_420], %mul3A_381 {add = true} : memref<68752xf32, #tpu.memory_space<vmem>>[vector<16xi32>], vector<16xf32>,
        %add3A_421 = arith.constant 7 : i32
        %add3A_422 = vector.broadcast %add3A_421 : i32 to vector<16xi32>
        %add3A_423 = arith.addi %mul3A_368, %add3A_422 : vector<16xi32>
        tpu.vector_store_idx %arg15[%add3A_423], %mul3A_382 {add = true} : memref<68752xf32, #tpu.memory_space<vmem>>[vector<16xi32>], vector<16xf32>,
        %add3A_424 = arith.constant 8 : i32
        %add3A_425 = vector.broadcast %add3A_424 : i32 to vector<16xi32>
        %add3A_426 = arith.addi %mul3A_368, %add3A_425 : vector<16xi32>
        tpu.vector_store_idx %arg15[%add3A_426], %mul3A_383 {add = true} : memref<68752xf32, #tpu.memory_space<vmem>>[vector<16xi32>], vector<16xf32>,
        %add3A_427 = arith.constant 9 : i32
        %add3A_428 = vector.broadcast %add3A_427 : i32 to vector<16xi32>
        %add3A_429 = arith.addi %mul3A_368, %add3A_428 : vector<16xi32>
        tpu.vector_store_idx %arg15[%add3A_429], %mul3A_386 {add = true} : memref<68752xf32, #tpu.memory_space<vmem>>[vector<16xi32>], vector<16xf32>,
        %add3A_430 = arith.constant 10 : i32
        %add3A_431 = vector.broadcast %add3A_430 : i32 to vector<16xi32>
        %add3A_432 = arith.addi %mul3A_368, %add3A_431 : vector<16xi32>
        tpu.vector_store_idx %arg15[%add3A_432], %mul3A_387 {add = true} : memref<68752xf32, #tpu.memory_space<vmem>>[vector<16xi32>], vector<16xf32>,
        %add3A_433 = arith.constant 11 : i32
        %add3A_434 = vector.broadcast %add3A_433 : i32 to vector<16xi32>
        %add3A_435 = arith.addi %mul3A_368, %add3A_434 : vector<16xi32>
        tpu.vector_store_idx %arg15[%add3A_435], %mul3A_388 {add = true} : memref<68752xf32, #tpu.memory_space<vmem>>[vector<16xi32>], vector<16xf32>,
        %add3A_436 = arith.constant 12 : i32
        %add3A_437 = vector.broadcast %add3A_436 : i32 to vector<16xi32>
        %add3A_438 = arith.addi %mul3A_368, %add3A_437 : vector<16xi32>
        tpu.vector_store_idx %arg15[%add3A_438], %mul3A_391 {add = true} : memref<68752xf32, #tpu.memory_space<vmem>>[vector<16xi32>], vector<16xf32>,
        %add3A_439 = arith.constant 13 : i32
        %add3A_440 = vector.broadcast %add3A_439 : i32 to vector<16xi32>
        %add3A_441 = arith.addi %mul3A_368, %add3A_440 : vector<16xi32>
        tpu.vector_store_idx %arg15[%add3A_441], %mul3A_392 {add = true} : memref<68752xf32, #tpu.memory_space<vmem>>[vector<16xi32>], vector<16xf32>,
        %add3A_442 = arith.constant 14 : i32
        %add3A_443 = vector.broadcast %add3A_442 : i32 to vector<16xi32>
        %add3A_444 = arith.addi %mul3A_368, %add3A_443 : vector<16xi32>
        tpu.vector_store_idx %arg15[%add3A_444], %mul3A_393 {add = true} : memref<68752xf32, #tpu.memory_space<vmem>>[vector<16xi32>], vector<16xf32>,
        %add3A_445 = arith.constant 15 : i32
        %add3A_446 = vector.broadcast %add3A_445 : i32 to vector<16xi32>
        %add3A_447 = arith.addi %mul3A_368, %add3A_446 : vector<16xi32>
        tpu.vector_store_idx %arg15[%add3A_447], %mul3A_394 {add = true} : memref<68752xf32, #tpu.memory_space<vmem>>[vector<16xi32>], vector<16xf32>,
        %add3A_448 = arith.constant 16 : i32
        %add3A_449 = vector.broadcast %add3A_448 : i32 to vector<16xi32>
        %add3A_450 = arith.addi %mul3A_368, %add3A_449 : vector<16xi32>
        tpu.vector_store_idx %arg15[%add3A_450], %mul3A_395 {add = true} : memref<68752xf32, #tpu.memory_space<vmem>>[vector<16xi32>], vector<16xf32>,
        %add3A_451 = arith.constant 17 : i32
        %add3A_452 = vector.broadcast %add3A_451 : i32 to vector<16xi32>
        %add3A_453 = arith.addi %mul3A_368, %add3A_452 : vector<16xi32>
        tpu.vector_store_idx %arg15[%add3A_453], %mul3A_396 {add = true} : memref<68752xf32, #tpu.memory_space<vmem>>[vector<16xi32>], vector<16xf32>,
        %add3A_454 = arith.constant 18 : i32
        %add3A_455 = vector.broadcast %add3A_454 : i32 to vector<16xi32>
        %add3A_456 = arith.addi %mul3A_368, %add3A_455 : vector<16xi32>
        tpu.vector_store_idx %arg15[%add3A_456], %mul3A_397 {add = true} : memref<68752xf32, #tpu.memory_space<vmem>>[vector<16xi32>], vector<16xf32>,
        %add3A_457 = arith.constant 19 : i32
        %add3A_458 = vector.broadcast %add3A_457 : i32 to vector<16xi32>
        %add3A_459 = arith.addi %mul3A_368, %add3A_458 : vector<16xi32>
        tpu.vector_store_idx %arg15[%add3A_459], %mul3A_398 {add = true} : memref<68752xf32, #tpu.memory_space<vmem>>[vector<16xi32>], vector<16xf32>,
        %add3A_460 = arith.constant 20 : i32
        %add3A_461 = vector.broadcast %add3A_460 : i32 to vector<16xi32>
        %add3A_462 = arith.addi %mul3A_368, %add3A_461 : vector<16xi32>
        tpu.vector_store_idx %arg15[%add3A_462], %mul3A_399 {add = true} : memref<68752xf32, #tpu.memory_space<vmem>>[vector<16xi32>], vector<16xf32>,
        %add3A_463 = arith.constant 21 : i32
        %add3A_464 = vector.broadcast %add3A_463 : i32 to vector<16xi32>
        %add3A_465 = arith.addi %mul3A_368, %add3A_464 : vector<16xi32>
        tpu.vector_store_idx %arg15[%add3A_465], %select_n3A_272 {add = true} : memref<68752xf32, #tpu.memory_space<vmem>>[vector<16xi32>], vector<16xf32>,
      }
      %scan3A_258 = arith.constant 128 : i32
    }
    %scan3A_187 = arith.constant 0 : i32
    %scan3A_188 = arith.constant 5 : i32
    %scan3A_189 = arith.addi %scan3A_187, %scan3A_188 : i32
    %scan3A_190 = arith.constant 1 : i32
    scf.for %scan3A_192 = %scan3A_187 to %scan3A_189 step %scan3A_190  : i32 {
      %scan3A_193 = arith.constant 0 : i32
      %scan3A_194 = arith.constant 40 : i32
      %scan3A_195 = arith.addi %scan3A_193, %scan3A_194 : i32
      %scan3A_196 = arith.constant 1 : i32
      scf.for %scan3A_201 = %scan3A_193 to %scan3A_195 step %scan3A_196  : i32 {
        %mul3A_202 = arith.constant 625 : i32
        %mul3A_203 = arith.muli %scan3A_192, %mul3A_202 : i32
        %mul3A_204 = arith.constant 16 : i32
        %mul3A_205 = arith.muli %scan3A_201, %mul3A_204 : i32
        %add3A_206 = arith.addi %mul3A_203, %mul3A_205 : i32
        %add3A_207 = vector.broadcast %add3A_206 : i32 to vector<16xi32>
        %add3A_208 = arith.addi %add3A_207, %iota3A : vector<16xi32>
        %mul3A_209 = arith.constant 16 : i32
        %mul3A_210 = arith.muli %scan3A_201, %mul3A_209 : i32
        %add3A_211 = vector.broadcast %mul3A_210 : i32 to vector<16xi32>
        %add3A_212 = arith.addi %add3A_211, %iota3A : vector<16xi32>
        %lt3A_213 = arith.constant 625 : i32
        %lt3A_214 = vector.broadcast %lt3A_213 : i32 to vector<16xi32>
        %lt3A_215 = arith.cmpi slt, %add3A_212, %lt3A_214 : vector<16xi32>
        %jit3A_216 = arith.constant 0 : i32
        %jit3A_217 = arith.constant 3124 : i32
        %max3A = vector.broadcast %jit3A_216 : i32 to vector<16xi32>
        %max3A_218 = arith.maxsi %max3A, %add3A_208 : vector<16xi32>
        %min3A = vector.broadcast %jit3A_217 : i32 to vector<16xi32>
        %min3A_219 = arith.minsi %min3A, %max3A_218 : vector<16xi32>
        %mul3A_220 = arith.constant 22 : i32
        %mul3A_221 = vector.broadcast %mul3A_220 : i32 to vector<16xi32>
        %mul3A_222 = arith.muli %min3A_219, %mul3A_221 : vector<16xi32>
        %add3A_223 = arith.constant 0 : i32
        %add3A_224 = vector.broadcast %add3A_223 : i32 to vector<16xi32>
        %add3A_225 = arith.addi %mul3A_222, %add3A_224 : vector<16xi32>
        %gather3A = tpu.vector_load_idx %arg15[%add3A_225] : memref<68752xf32, #tpu.memory_space<vmem>>[vector<16xi32>], vector<16xf32>,
        %add3A_226 = arith.constant 1 : i32
        %add3A_227 = vector.broadcast %add3A_226 : i32 to vector<16xi32>
        %add3A_228 = arith.addi %mul3A_222, %add3A_227 : vector<16xi32>
        %gather3A_229 = tpu.vector_load_idx %arg15[%add3A_228] : memref<68752xf32, #tpu.memory_space<vmem>>[vector<16xi32>], vector<16xf32>,
        %add3A_230 = arith.constant 2 : i32
        %add3A_231 = vector.broadcast %add3A_230 : i32 to vector<16xi32>
        %add3A_232 = arith.addi %mul3A_222, %add3A_231 : vector<16xi32>
        %gather3A_233 = tpu.vector_load_idx %arg15[%add3A_232] : memref<68752xf32, #tpu.memory_space<vmem>>[vector<16xi32>], vector<16xf32>,
        %add3A_234 = arith.constant 3 : i32
        %add3A_235 = vector.broadcast %add3A_234 : i32 to vector<16xi32>
        %add3A_236 = arith.addi %mul3A_222, %add3A_235 : vector<16xi32>
        %gather3A_237 = tpu.vector_load_idx %arg15[%add3A_236] : memref<68752xf32, #tpu.memory_space<vmem>>[vector<16xi32>], vector<16xf32>,
        %add3A_238 = arith.constant 4 : i32
        %add3A_239 = vector.broadcast %add3A_238 : i32 to vector<16xi32>
        %add3A_240 = arith.addi %mul3A_222, %add3A_239 : vector<16xi32>
        %gather3A_241 = tpu.vector_load_idx %arg15[%add3A_240] : memref<68752xf32, #tpu.memory_space<vmem>>[vector<16xi32>], vector<16xf32>,
        %add3A_242 = arith.constant 5 : i32
        %add3A_243 = vector.broadcast %add3A_242 : i32 to vector<16xi32>
        %add3A_244 = arith.addi %mul3A_222, %add3A_243 : vector<16xi32>
        %gather3A_245 = tpu.vector_load_idx %arg15[%add3A_244] : memref<68752xf32, #tpu.memory_space<vmem>>[vector<16xi32>], vector<16xf32>,
        %add3A_246 = arith.constant 6 : i32
        %add3A_247 = vector.broadcast %add3A_246 : i32 to vector<16xi32>
        %add3A_248 = arith.addi %mul3A_222, %add3A_247 : vector<16xi32>
        %gather3A_249 = tpu.vector_load_idx %arg15[%add3A_248] : memref<68752xf32, #tpu.memory_space<vmem>>[vector<16xi32>], vector<16xf32>,
        %add3A_250 = arith.constant 7 : i32
        %add3A_251 = vector.broadcast %add3A_250 : i32 to vector<16xi32>
        %add3A_252 = arith.addi %mul3A_222, %add3A_251 : vector<16xi32>
        %gather3A_253 = tpu.vector_load_idx %arg15[%add3A_252] : memref<68752xf32, #tpu.memory_space<vmem>>[vector<16xi32>], vector<16xf32>,
        %add3A_254 = arith.constant 8 : i32
        %add3A_255 = vector.broadcast %add3A_254 : i32 to vector<16xi32>
        %add3A_256 = arith.addi %mul3A_222, %add3A_255 : vector<16xi32>
        %gather3A_257 = tpu.vector_load_idx %arg15[%add3A_256] : memref<68752xf32, #tpu.memory_space<vmem>>[vector<16xi32>], vector<16xf32>,
        %add3A_258 = arith.constant 9 : i32
        %add3A_259 = vector.broadcast %add3A_258 : i32 to vector<16xi32>
        %add3A_260 = arith.addi %mul3A_222, %add3A_259 : vector<16xi32>
        %gather3A_261 = tpu.vector_load_idx %arg15[%add3A_260] : memref<68752xf32, #tpu.memory_space<vmem>>[vector<16xi32>], vector<16xf32>,
        %add3A_262 = arith.constant 10 : i32
        %add3A_263 = vector.broadcast %add3A_262 : i32 to vector<16xi32>
        %add3A_264 = arith.addi %mul3A_222, %add3A_263 : vector<16xi32>
        %gather3A_265 = tpu.vector_load_idx %arg15[%add3A_264] : memref<68752xf32, #tpu.memory_space<vmem>>[vector<16xi32>], vector<16xf32>,
        %add3A_266 = arith.constant 11 : i32
        %add3A_267 = vector.broadcast %add3A_266 : i32 to vector<16xi32>
        %add3A_268 = arith.addi %mul3A_222, %add3A_267 : vector<16xi32>
        %gather3A_269 = tpu.vector_load_idx %arg15[%add3A_268] : memref<68752xf32, #tpu.memory_space<vmem>>[vector<16xi32>], vector<16xf32>,
        %add3A_270 = arith.constant 12 : i32
        %add3A_271 = vector.broadcast %add3A_270 : i32 to vector<16xi32>
        %add3A_272 = arith.addi %mul3A_222, %add3A_271 : vector<16xi32>
        %gather3A_273 = tpu.vector_load_idx %arg15[%add3A_272] : memref<68752xf32, #tpu.memory_space<vmem>>[vector<16xi32>], vector<16xf32>,
        %add3A_274 = arith.constant 13 : i32
        %add3A_275 = vector.broadcast %add3A_274 : i32 to vector<16xi32>
        %add3A_276 = arith.addi %mul3A_222, %add3A_275 : vector<16xi32>
        %gather3A_277 = tpu.vector_load_idx %arg15[%add3A_276] : memref<68752xf32, #tpu.memory_space<vmem>>[vector<16xi32>], vector<16xf32>,
        %add3A_278 = arith.constant 14 : i32
        %add3A_279 = vector.broadcast %add3A_278 : i32 to vector<16xi32>
        %add3A_280 = arith.addi %mul3A_222, %add3A_279 : vector<16xi32>
        %gather3A_281 = tpu.vector_load_idx %arg15[%add3A_280] : memref<68752xf32, #tpu.memory_space<vmem>>[vector<16xi32>], vector<16xf32>,
        %add3A_282 = arith.constant 15 : i32
        %add3A_283 = vector.broadcast %add3A_282 : i32 to vector<16xi32>
        %add3A_284 = arith.addi %mul3A_222, %add3A_283 : vector<16xi32>
        %gather3A_285 = tpu.vector_load_idx %arg15[%add3A_284] : memref<68752xf32, #tpu.memory_space<vmem>>[vector<16xi32>], vector<16xf32>,
        %add3A_286 = arith.constant 16 : i32
        %add3A_287 = vector.broadcast %add3A_286 : i32 to vector<16xi32>
        %add3A_288 = arith.addi %mul3A_222, %add3A_287 : vector<16xi32>
        %gather3A_289 = tpu.vector_load_idx %arg15[%add3A_288] : memref<68752xf32, #tpu.memory_space<vmem>>[vector<16xi32>], vector<16xf32>,
        %add3A_290 = arith.constant 17 : i32
        %add3A_291 = vector.broadcast %add3A_290 : i32 to vector<16xi32>
        %add3A_292 = arith.addi %mul3A_222, %add3A_291 : vector<16xi32>
        %gather3A_293 = tpu.vector_load_idx %arg15[%add3A_292] : memref<68752xf32, #tpu.memory_space<vmem>>[vector<16xi32>], vector<16xf32>,
        %add3A_294 = arith.constant 18 : i32
        %add3A_295 = vector.broadcast %add3A_294 : i32 to vector<16xi32>
        %add3A_296 = arith.addi %mul3A_222, %add3A_295 : vector<16xi32>
        %gather3A_297 = tpu.vector_load_idx %arg15[%add3A_296] : memref<68752xf32, #tpu.memory_space<vmem>>[vector<16xi32>], vector<16xf32>,
        %add3A_298 = arith.constant 19 : i32
        %add3A_299 = vector.broadcast %add3A_298 : i32 to vector<16xi32>
        %add3A_300 = arith.addi %mul3A_222, %add3A_299 : vector<16xi32>
        %gather3A_301 = tpu.vector_load_idx %arg15[%add3A_300] : memref<68752xf32, #tpu.memory_space<vmem>>[vector<16xi32>], vector<16xf32>,
        %add3A_302 = arith.constant 20 : i32
        %add3A_303 = vector.broadcast %add3A_302 : i32 to vector<16xi32>
        %add3A_304 = arith.addi %mul3A_222, %add3A_303 : vector<16xi32>
        %gather3A_305 = tpu.vector_load_idx %arg15[%add3A_304] : memref<68752xf32, #tpu.memory_space<vmem>>[vector<16xi32>], vector<16xf32>,
        %add3A_306 = arith.constant 21 : i32
        %add3A_307 = vector.broadcast %add3A_306 : i32 to vector<16xi32>
        %add3A_308 = arith.addi %mul3A_222, %add3A_307 : vector<16xi32>
        %gather3A_309 = tpu.vector_load_idx %arg15[%add3A_308] : memref<68752xf32, #tpu.memory_space<vmem>>[vector<16xi32>], vector<16xf32>,
        %max3A_310 = arith.constant 1.000000e+00 : f32
        %max3A_311 = vector.broadcast %max3A_310 : f32 to vector<16xf32>
        %max3A_312 = arith.maximumf %gather3A_309, %max3A_311 : vector<16xf32>
        %div3A_313 = arith.constant 1.000000e+00 : f32
        %div3A_314 = vector.broadcast %div3A_313 : f32 to vector<16xf32>
        %div3A_315 = arith.divf %div3A_314, %max3A_312 : vector<16xf32>
        %mul3A_316 = arith.mulf %gather3A, %div3A_315 : vector<16xf32>
        %mul3A_317 = arith.mulf %gather3A_229, %div3A_315 : vector<16xf32>
        %mul3A_318 = arith.mulf %gather3A_233, %div3A_315 : vector<16xf32>
        %mul3A_319 = arith.mulf %gather3A_237, %div3A_315 : vector<16xf32>
        %mul3A_320 = arith.mulf %gather3A_241, %div3A_315 : vector<16xf32>
        %mul3A_321 = arith.mulf %gather3A_245, %div3A_315 : vector<16xf32>
        %mul3A_322 = arith.mulf %gather3A_249, %div3A_315 : vector<16xf32>
        %mul3A_323 = arith.mulf %gather3A_253, %div3A_315 : vector<16xf32>
        %mul3A_324 = arith.mulf %gather3A_257, %div3A_315 : vector<16xf32>
        %mul3A_325 = arith.mulf %gather3A_261, %div3A_315 : vector<16xf32>
        %mul3A_326 = arith.mulf %gather3A_265, %div3A_315 : vector<16xf32>
        %mul3A_327 = arith.mulf %gather3A_269, %div3A_315 : vector<16xf32>
        %mul3A_328 = arith.mulf %gather3A_273, %div3A_315 : vector<16xf32>
        %mul3A_329 = arith.mulf %gather3A_277, %div3A_315 : vector<16xf32>
        %mul3A_330 = arith.mulf %gather3A_281, %div3A_315 : vector<16xf32>
        %mul3A_331 = arith.mulf %gather3A_285, %div3A_315 : vector<16xf32>
        %mul3A_332 = arith.mulf %gather3A_289, %div3A_315 : vector<16xf32>
        %mul3A_333 = arith.mulf %gather3A_293, %div3A_315 : vector<16xf32>
        %mul3A_334 = arith.mulf %gather3A_297, %div3A_315 : vector<16xf32>
        %mul3A_335 = arith.mulf %gather3A_301, %div3A_315 : vector<16xf32>
        %mul3A_336 = arith.mulf %gather3A_305, %div3A_315 : vector<16xf32>
        %mul3A_337 = arith.constant 16 : i32
        %mul3A_338 = arith.muli %scan3A_201, %mul3A_337 : i32
        %add3A_339 = vector.broadcast %mul3A_338 : i32 to vector<16xi32>
        %add3A_340 = arith.addi %add3A_339, %iota3A : vector<16xi32>
        %mul3A_341 = arith.mulf %mul3A_316, %mul3A_316 : vector<16xf32>
        %mul3A_342 = arith.mulf %mul3A_317, %mul3A_317 : vector<16xf32>
        %add3A_343 = arith.addf %mul3A_341, %mul3A_342 : vector<16xf32>
        %mul3A_344 = arith.mulf %mul3A_318, %mul3A_318 : vector<16xf32>
        %add3A_345 = arith.addf %add3A_343, %mul3A_344 : vector<16xf32>
        %broadcast_in_dim3A_346 = arith.constant 0 : i32
        %broadcast_in_dim3A_347 = vector.broadcast %broadcast_in_dim3A_346 : i32 to vector<16xi32>
        tpu.vector_store_idx %arg16[%add3A_340, %broadcast_in_dim3A_347], %add3A_345 masked %lt3A_215 : memref<625x64xf32, #tpu.memory_space<vmem>>[vector<16xi32>, vector<16xi32>], vector<16xf32>, vector<16xi1>
        %mul3A_348 = arith.mulf %mul3A_316, %mul3A_319 : vector<16xf32>
        %mul3A_349 = arith.mulf %mul3A_317, %mul3A_320 : vector<16xf32>
        %add3A_350 = arith.addf %mul3A_348, %mul3A_349 : vector<16xf32>
        %mul3A_351 = arith.mulf %mul3A_318, %mul3A_321 : vector<16xf32>
        %add3A_352 = arith.addf %add3A_350, %mul3A_351 : vector<16xf32>
        %broadcast_in_dim3A_353 = arith.constant 1 : i32
        %broadcast_in_dim3A_354 = vector.broadcast %broadcast_in_dim3A_353 : i32 to vector<16xi32>
        tpu.vector_store_idx %arg16[%add3A_340, %broadcast_in_dim3A_354], %add3A_352 masked %lt3A_215 : memref<625x64xf32, #tpu.memory_space<vmem>>[vector<16xi32>, vector<16xi32>], vector<16xf32>, vector<16xi1>
        %broadcast_in_dim3A_355 = arith.constant 8 : i32
        %broadcast_in_dim3A_356 = vector.broadcast %broadcast_in_dim3A_355 : i32 to vector<16xi32>
        tpu.vector_store_idx %arg16[%add3A_340, %broadcast_in_dim3A_356], %add3A_352 masked %lt3A_215 : memref<625x64xf32, #tpu.memory_space<vmem>>[vector<16xi32>, vector<16xi32>], vector<16xf32>, vector<16xi1>
        %mul3A_357 = arith.mulf %mul3A_316, %mul3A_322 : vector<16xf32>
        %mul3A_358 = arith.mulf %mul3A_317, %mul3A_323 : vector<16xf32>
        %add3A_359 = arith.addf %mul3A_357, %mul3A_358 : vector<16xf32>
        %mul3A_360 = arith.mulf %mul3A_318, %mul3A_324 : vector<16xf32>
        %add3A_361 = arith.addf %add3A_359, %mul3A_360 : vector<16xf32>
        %broadcast_in_dim3A_362 = arith.constant 2 : i32
        %broadcast_in_dim3A_363 = vector.broadcast %broadcast_in_dim3A_362 : i32 to vector<16xi32>
        tpu.vector_store_idx %arg16[%add3A_340, %broadcast_in_dim3A_363], %add3A_361 masked %lt3A_215 : memref<625x64xf32, #tpu.memory_space<vmem>>[vector<16xi32>, vector<16xi32>], vector<16xf32>, vector<16xi1>
        %broadcast_in_dim3A_364 = arith.constant 16 : i32
        %broadcast_in_dim3A_365 = vector.broadcast %broadcast_in_dim3A_364 : i32 to vector<16xi32>
        tpu.vector_store_idx %arg16[%add3A_340, %broadcast_in_dim3A_365], %add3A_361 masked %lt3A_215 : memref<625x64xf32, #tpu.memory_space<vmem>>[vector<16xi32>, vector<16xi32>], vector<16xf32>, vector<16xi1>
        %mul3A_366 = arith.mulf %mul3A_316, %mul3A_325 : vector<16xf32>
        %mul3A_367 = arith.mulf %mul3A_317, %mul3A_326 : vector<16xf32>
        %add3A_368 = arith.addf %mul3A_366, %mul3A_367 : vector<16xf32>
        %mul3A_369 = arith.mulf %mul3A_318, %mul3A_327 : vector<16xf32>
        %add3A_370 = arith.addf %add3A_368, %mul3A_369 : vector<16xf32>
        %broadcast_in_dim3A_371 = arith.constant 3 : i32
        %broadcast_in_dim3A_372 = vector.broadcast %broadcast_in_dim3A_371 : i32 to vector<16xi32>
        tpu.vector_store_idx %arg16[%add3A_340, %broadcast_in_dim3A_372], %add3A_370 masked %lt3A_215 : memref<625x64xf32, #tpu.memory_space<vmem>>[vector<16xi32>, vector<16xi32>], vector<16xf32>, vector<16xi1>
        %broadcast_in_dim3A_373 = arith.constant 24 : i32
        %broadcast_in_dim3A_374 = vector.broadcast %broadcast_in_dim3A_373 : i32 to vector<16xi32>
        tpu.vector_store_idx %arg16[%add3A_340, %broadcast_in_dim3A_374], %add3A_370 masked %lt3A_215 : memref<625x64xf32, #tpu.memory_space<vmem>>[vector<16xi32>, vector<16xi32>], vector<16xf32>, vector<16xi1>
        %mul3A_375 = arith.mulf %mul3A_316, %mul3A_328 : vector<16xf32>
        %mul3A_376 = arith.mulf %mul3A_317, %mul3A_329 : vector<16xf32>
        %add3A_377 = arith.addf %mul3A_375, %mul3A_376 : vector<16xf32>
        %mul3A_378 = arith.mulf %mul3A_318, %mul3A_330 : vector<16xf32>
        %add3A_379 = arith.addf %add3A_377, %mul3A_378 : vector<16xf32>
        %broadcast_in_dim3A_380 = arith.constant 4 : i32
        %broadcast_in_dim3A_381 = vector.broadcast %broadcast_in_dim3A_380 : i32 to vector<16xi32>
        tpu.vector_store_idx %arg16[%add3A_340, %broadcast_in_dim3A_381], %add3A_379 masked %lt3A_215 : memref<625x64xf32, #tpu.memory_space<vmem>>[vector<16xi32>, vector<16xi32>], vector<16xf32>, vector<16xi1>
        %broadcast_in_dim3A_382 = arith.constant 32 : i32
        %broadcast_in_dim3A_383 = vector.broadcast %broadcast_in_dim3A_382 : i32 to vector<16xi32>
        tpu.vector_store_idx %arg16[%add3A_340, %broadcast_in_dim3A_383], %add3A_379 masked %lt3A_215 : memref<625x64xf32, #tpu.memory_space<vmem>>[vector<16xi32>, vector<16xi32>], vector<16xf32>, vector<16xi1>
        %mul3A_384 = arith.mulf %mul3A_316, %mul3A_331 : vector<16xf32>
        %mul3A_385 = arith.mulf %mul3A_317, %mul3A_332 : vector<16xf32>
        %add3A_386 = arith.addf %mul3A_384, %mul3A_385 : vector<16xf32>
        %mul3A_387 = arith.mulf %mul3A_318, %mul3A_333 : vector<16xf32>
        %add3A_388 = arith.addf %add3A_386, %mul3A_387 : vector<16xf32>
        %broadcast_in_dim3A_389 = arith.constant 5 : i32
        %broadcast_in_dim3A_390 = vector.broadcast %broadcast_in_dim3A_389 : i32 to vector<16xi32>
        tpu.vector_store_idx %arg16[%add3A_340, %broadcast_in_dim3A_390], %add3A_388 masked %lt3A_215 : memref<625x64xf32, #tpu.memory_space<vmem>>[vector<16xi32>, vector<16xi32>], vector<16xf32>, vector<16xi1>
        %broadcast_in_dim3A_391 = arith.constant 40 : i32
        %broadcast_in_dim3A_392 = vector.broadcast %broadcast_in_dim3A_391 : i32 to vector<16xi32>
        tpu.vector_store_idx %arg16[%add3A_340, %broadcast_in_dim3A_392], %add3A_388 masked %lt3A_215 : memref<625x64xf32, #tpu.memory_space<vmem>>[vector<16xi32>, vector<16xi32>], vector<16xf32>, vector<16xi1>
        %mul3A_393 = arith.mulf %mul3A_316, %mul3A_332 : vector<16xf32>
        %mul3A_394 = arith.mulf %mul3A_317, %mul3A_334 : vector<16xf32>
        %add3A_395 = arith.addf %mul3A_393, %mul3A_394 : vector<16xf32>
        %mul3A_396 = arith.mulf %mul3A_318, %mul3A_335 : vector<16xf32>
        %add3A_397 = arith.addf %add3A_395, %mul3A_396 : vector<16xf32>
        %broadcast_in_dim3A_398 = arith.constant 6 : i32
        %broadcast_in_dim3A_399 = vector.broadcast %broadcast_in_dim3A_398 : i32 to vector<16xi32>
        tpu.vector_store_idx %arg16[%add3A_340, %broadcast_in_dim3A_399], %add3A_397 masked %lt3A_215 : memref<625x64xf32, #tpu.memory_space<vmem>>[vector<16xi32>, vector<16xi32>], vector<16xf32>, vector<16xi1>
        %broadcast_in_dim3A_400 = arith.constant 48 : i32
        %broadcast_in_dim3A_401 = vector.broadcast %broadcast_in_dim3A_400 : i32 to vector<16xi32>
        tpu.vector_store_idx %arg16[%add3A_340, %broadcast_in_dim3A_401], %add3A_397 masked %lt3A_215 : memref<625x64xf32, #tpu.memory_space<vmem>>[vector<16xi32>, vector<16xi32>], vector<16xf32>, vector<16xi1>
        %mul3A_402 = arith.mulf %mul3A_316, %mul3A_333 : vector<16xf32>
        %mul3A_403 = arith.mulf %mul3A_317, %mul3A_335 : vector<16xf32>
        %add3A_404 = arith.addf %mul3A_402, %mul3A_403 : vector<16xf32>
        %mul3A_405 = arith.mulf %mul3A_318, %mul3A_336 : vector<16xf32>
        %add3A_406 = arith.addf %add3A_404, %mul3A_405 : vector<16xf32>
        %broadcast_in_dim3A_407 = arith.constant 7 : i32
        %broadcast_in_dim3A_408 = vector.broadcast %broadcast_in_dim3A_407 : i32 to vector<16xi32>
        tpu.vector_store_idx %arg16[%add3A_340, %broadcast_in_dim3A_408], %add3A_406 masked %lt3A_215 : memref<625x64xf32, #tpu.memory_space<vmem>>[vector<16xi32>, vector<16xi32>], vector<16xf32>, vector<16xi1>
        %broadcast_in_dim3A_409 = arith.constant 56 : i32
        %broadcast_in_dim3A_410 = vector.broadcast %broadcast_in_dim3A_409 : i32 to vector<16xi32>
        tpu.vector_store_idx %arg16[%add3A_340, %broadcast_in_dim3A_410], %add3A_406 masked %lt3A_215 : memref<625x64xf32, #tpu.memory_space<vmem>>[vector<16xi32>, vector<16xi32>], vector<16xf32>, vector<16xi1>
        %mul3A_411 = arith.mulf %mul3A_319, %mul3A_319 : vector<16xf32>
        %mul3A_412 = arith.mulf %mul3A_320, %mul3A_320 : vector<16xf32>
        %add3A_413 = arith.addf %mul3A_411, %mul3A_412 : vector<16xf32>
        %mul3A_414 = arith.mulf %mul3A_321, %mul3A_321 : vector<16xf32>
        %add3A_415 = arith.addf %add3A_413, %mul3A_414 : vector<16xf32>
        %broadcast_in_dim3A_416 = arith.constant 9 : i32
        %broadcast_in_dim3A_417 = vector.broadcast %broadcast_in_dim3A_416 : i32 to vector<16xi32>
        tpu.vector_store_idx %arg16[%add3A_340, %broadcast_in_dim3A_417], %add3A_415 masked %lt3A_215 : memref<625x64xf32, #tpu.memory_space<vmem>>[vector<16xi32>, vector<16xi32>], vector<16xf32>, vector<16xi1>
        %mul3A_418 = arith.mulf %mul3A_319, %mul3A_322 : vector<16xf32>
        %mul3A_419 = arith.mulf %mul3A_320, %mul3A_323 : vector<16xf32>
        %add3A_420 = arith.addf %mul3A_418, %mul3A_419 : vector<16xf32>
        %mul3A_421 = arith.mulf %mul3A_321, %mul3A_324 : vector<16xf32>
        %add3A_422 = arith.addf %add3A_420, %mul3A_421 : vector<16xf32>
        %broadcast_in_dim3A_423 = arith.constant 10 : i32
        %broadcast_in_dim3A_424 = vector.broadcast %broadcast_in_dim3A_423 : i32 to vector<16xi32>
        tpu.vector_store_idx %arg16[%add3A_340, %broadcast_in_dim3A_424], %add3A_422 masked %lt3A_215 : memref<625x64xf32, #tpu.memory_space<vmem>>[vector<16xi32>, vector<16xi32>], vector<16xf32>, vector<16xi1>
        %broadcast_in_dim3A_425 = arith.constant 17 : i32
        %broadcast_in_dim3A_426 = vector.broadcast %broadcast_in_dim3A_425 : i32 to vector<16xi32>
        tpu.vector_store_idx %arg16[%add3A_340, %broadcast_in_dim3A_426], %add3A_422 masked %lt3A_215 : memref<625x64xf32, #tpu.memory_space<vmem>>[vector<16xi32>, vector<16xi32>], vector<16xf32>, vector<16xi1>
        %mul3A_427 = arith.mulf %mul3A_319, %mul3A_325 : vector<16xf32>
        %mul3A_428 = arith.mulf %mul3A_320, %mul3A_326 : vector<16xf32>
        %add3A_429 = arith.addf %mul3A_427, %mul3A_428 : vector<16xf32>
        %mul3A_430 = arith.mulf %mul3A_321, %mul3A_327 : vector<16xf32>
        %add3A_431 = arith.addf %add3A_429, %mul3A_430 : vector<16xf32>
        %broadcast_in_dim3A_432 = arith.constant 11 : i32
        %broadcast_in_dim3A_433 = vector.broadcast %broadcast_in_dim3A_432 : i32 to vector<16xi32>
        tpu.vector_store_idx %arg16[%add3A_340, %broadcast_in_dim3A_433], %add3A_431 masked %lt3A_215 : memref<625x64xf32, #tpu.memory_space<vmem>>[vector<16xi32>, vector<16xi32>], vector<16xf32>, vector<16xi1>
        %broadcast_in_dim3A_434 = arith.constant 25 : i32
        %broadcast_in_dim3A_435 = vector.broadcast %broadcast_in_dim3A_434 : i32 to vector<16xi32>
        tpu.vector_store_idx %arg16[%add3A_340, %broadcast_in_dim3A_435], %add3A_431 masked %lt3A_215 : memref<625x64xf32, #tpu.memory_space<vmem>>[vector<16xi32>, vector<16xi32>], vector<16xf32>, vector<16xi1>
        %mul3A_436 = arith.mulf %mul3A_319, %mul3A_328 : vector<16xf32>
        %mul3A_437 = arith.mulf %mul3A_320, %mul3A_329 : vector<16xf32>
        %add3A_438 = arith.addf %mul3A_436, %mul3A_437 : vector<16xf32>
        %mul3A_439 = arith.mulf %mul3A_321, %mul3A_330 : vector<16xf32>
        %add3A_440 = arith.addf %add3A_438, %mul3A_439 : vector<16xf32>
        %broadcast_in_dim3A_441 = arith.constant 12 : i32
        %broadcast_in_dim3A_442 = vector.broadcast %broadcast_in_dim3A_441 : i32 to vector<16xi32>
        tpu.vector_store_idx %arg16[%add3A_340, %broadcast_in_dim3A_442], %add3A_440 masked %lt3A_215 : memref<625x64xf32, #tpu.memory_space<vmem>>[vector<16xi32>, vector<16xi32>], vector<16xf32>, vector<16xi1>
        %broadcast_in_dim3A_443 = arith.constant 33 : i32
        %broadcast_in_dim3A_444 = vector.broadcast %broadcast_in_dim3A_443 : i32 to vector<16xi32>
        tpu.vector_store_idx %arg16[%add3A_340, %broadcast_in_dim3A_444], %add3A_440 masked %lt3A_215 : memref<625x64xf32, #tpu.memory_space<vmem>>[vector<16xi32>, vector<16xi32>], vector<16xf32>, vector<16xi1>
        %mul3A_445 = arith.mulf %mul3A_319, %mul3A_331 : vector<16xf32>
        %mul3A_446 = arith.mulf %mul3A_320, %mul3A_332 : vector<16xf32>
        %add3A_447 = arith.addf %mul3A_445, %mul3A_446 : vector<16xf32>
        %mul3A_448 = arith.mulf %mul3A_321, %mul3A_333 : vector<16xf32>
        %add3A_449 = arith.addf %add3A_447, %mul3A_448 : vector<16xf32>
        %broadcast_in_dim3A_450 = arith.constant 13 : i32
        %broadcast_in_dim3A_451 = vector.broadcast %broadcast_in_dim3A_450 : i32 to vector<16xi32>
        tpu.vector_store_idx %arg16[%add3A_340, %broadcast_in_dim3A_451], %add3A_449 masked %lt3A_215 : memref<625x64xf32, #tpu.memory_space<vmem>>[vector<16xi32>, vector<16xi32>], vector<16xf32>, vector<16xi1>
        %broadcast_in_dim3A_452 = arith.constant 41 : i32
        %broadcast_in_dim3A_453 = vector.broadcast %broadcast_in_dim3A_452 : i32 to vector<16xi32>
        tpu.vector_store_idx %arg16[%add3A_340, %broadcast_in_dim3A_453], %add3A_449 masked %lt3A_215 : memref<625x64xf32, #tpu.memory_space<vmem>>[vector<16xi32>, vector<16xi32>], vector<16xf32>, vector<16xi1>
        %mul3A_454 = arith.mulf %mul3A_319, %mul3A_332 : vector<16xf32>
        %mul3A_455 = arith.mulf %mul3A_320, %mul3A_334 : vector<16xf32>
        %add3A_456 = arith.addf %mul3A_454, %mul3A_455 : vector<16xf32>
        %mul3A_457 = arith.mulf %mul3A_321, %mul3A_335 : vector<16xf32>
        %add3A_458 = arith.addf %add3A_456, %mul3A_457 : vector<16xf32>
        %broadcast_in_dim3A_459 = arith.constant 14 : i32
        %broadcast_in_dim3A_460 = vector.broadcast %broadcast_in_dim3A_459 : i32 to vector<16xi32>
        tpu.vector_store_idx %arg16[%add3A_340, %broadcast_in_dim3A_460], %add3A_458 masked %lt3A_215 : memref<625x64xf32, #tpu.memory_space<vmem>>[vector<16xi32>, vector<16xi32>], vector<16xf32>, vector<16xi1>
        %broadcast_in_dim3A_461 = arith.constant 49 : i32
        %broadcast_in_dim3A_462 = vector.broadcast %broadcast_in_dim3A_461 : i32 to vector<16xi32>
        tpu.vector_store_idx %arg16[%add3A_340, %broadcast_in_dim3A_462], %add3A_458 masked %lt3A_215 : memref<625x64xf32, #tpu.memory_space<vmem>>[vector<16xi32>, vector<16xi32>], vector<16xf32>, vector<16xi1>
        %mul3A_463 = arith.mulf %mul3A_319, %mul3A_333 : vector<16xf32>
        %mul3A_464 = arith.mulf %mul3A_320, %mul3A_335 : vector<16xf32>
        %add3A_465 = arith.addf %mul3A_463, %mul3A_464 : vector<16xf32>
        %mul3A_466 = arith.mulf %mul3A_321, %mul3A_336 : vector<16xf32>
        %add3A_467 = arith.addf %add3A_465, %mul3A_466 : vector<16xf32>
        %broadcast_in_dim3A_468 = arith.constant 15 : i32
        %broadcast_in_dim3A_469 = vector.broadcast %broadcast_in_dim3A_468 : i32 to vector<16xi32>
        tpu.vector_store_idx %arg16[%add3A_340, %broadcast_in_dim3A_469], %add3A_467 masked %lt3A_215 : memref<625x64xf32, #tpu.memory_space<vmem>>[vector<16xi32>, vector<16xi32>], vector<16xf32>, vector<16xi1>
        %broadcast_in_dim3A_470 = arith.constant 57 : i32
        %broadcast_in_dim3A_471 = vector.broadcast %broadcast_in_dim3A_470 : i32 to vector<16xi32>
        tpu.vector_store_idx %arg16[%add3A_340, %broadcast_in_dim3A_471], %add3A_467 masked %lt3A_215 : memref<625x64xf32, #tpu.memory_space<vmem>>[vector<16xi32>, vector<16xi32>], vector<16xf32>, vector<16xi1>
        %mul3A_472 = arith.mulf %mul3A_322, %mul3A_322 : vector<16xf32>
        %mul3A_473 = arith.mulf %mul3A_323, %mul3A_323 : vector<16xf32>
        %add3A_474 = arith.addf %mul3A_472, %mul3A_473 : vector<16xf32>
        %mul3A_475 = arith.mulf %mul3A_324, %mul3A_324 : vector<16xf32>
        %add3A_476 = arith.addf %add3A_474, %mul3A_475 : vector<16xf32>
        %broadcast_in_dim3A_477 = arith.constant 18 : i32
        %broadcast_in_dim3A_478 = vector.broadcast %broadcast_in_dim3A_477 : i32 to vector<16xi32>
        tpu.vector_store_idx %arg16[%add3A_340, %broadcast_in_dim3A_478], %add3A_476 masked %lt3A_215 : memref<625x64xf32, #tpu.memory_space<vmem>>[vector<16xi32>, vector<16xi32>], vector<16xf32>, vector<16xi1>
        %mul3A_479 = arith.mulf %mul3A_322, %mul3A_325 : vector<16xf32>
        %mul3A_480 = arith.mulf %mul3A_323, %mul3A_326 : vector<16xf32>
        %add3A_481 = arith.addf %mul3A_479, %mul3A_480 : vector<16xf32>
        %mul3A_482 = arith.mulf %mul3A_324, %mul3A_327 : vector<16xf32>
        %add3A_483 = arith.addf %add3A_481, %mul3A_482 : vector<16xf32>
        %broadcast_in_dim3A_484 = arith.constant 19 : i32
        %broadcast_in_dim3A_485 = vector.broadcast %broadcast_in_dim3A_484 : i32 to vector<16xi32>
        tpu.vector_store_idx %arg16[%add3A_340, %broadcast_in_dim3A_485], %add3A_483 masked %lt3A_215 : memref<625x64xf32, #tpu.memory_space<vmem>>[vector<16xi32>, vector<16xi32>], vector<16xf32>, vector<16xi1>
        %broadcast_in_dim3A_486 = arith.constant 26 : i32
        %broadcast_in_dim3A_487 = vector.broadcast %broadcast_in_dim3A_486 : i32 to vector<16xi32>
        tpu.vector_store_idx %arg16[%add3A_340, %broadcast_in_dim3A_487], %add3A_483 masked %lt3A_215 : memref<625x64xf32, #tpu.memory_space<vmem>>[vector<16xi32>, vector<16xi32>], vector<16xf32>, vector<16xi1>
        %mul3A_488 = arith.mulf %mul3A_322, %mul3A_328 : vector<16xf32>
        %mul3A_489 = arith.mulf %mul3A_323, %mul3A_329 : vector<16xf32>
        %add3A_490 = arith.addf %mul3A_488, %mul3A_489 : vector<16xf32>
        %mul3A_491 = arith.mulf %mul3A_324, %mul3A_330 : vector<16xf32>
        %add3A_492 = arith.addf %add3A_490, %mul3A_491 : vector<16xf32>
        %broadcast_in_dim3A_493 = arith.constant 20 : i32
        %broadcast_in_dim3A_494 = vector.broadcast %broadcast_in_dim3A_493 : i32 to vector<16xi32>
        tpu.vector_store_idx %arg16[%add3A_340, %broadcast_in_dim3A_494], %add3A_492 masked %lt3A_215 : memref<625x64xf32, #tpu.memory_space<vmem>>[vector<16xi32>, vector<16xi32>], vector<16xf32>, vector<16xi1>
        %broadcast_in_dim3A_495 = arith.constant 34 : i32
        %broadcast_in_dim3A_496 = vector.broadcast %broadcast_in_dim3A_495 : i32 to vector<16xi32>
        tpu.vector_store_idx %arg16[%add3A_340, %broadcast_in_dim3A_496], %add3A_492 masked %lt3A_215 : memref<625x64xf32, #tpu.memory_space<vmem>>[vector<16xi32>, vector<16xi32>], vector<16xf32>, vector<16xi1>
        %mul3A_497 = arith.mulf %mul3A_322, %mul3A_331 : vector<16xf32>
        %mul3A_498 = arith.mulf %mul3A_323, %mul3A_332 : vector<16xf32>
        %add3A_499 = arith.addf %mul3A_497, %mul3A_498 : vector<16xf32>
        %mul3A_500 = arith.mulf %mul3A_324, %mul3A_333 : vector<16xf32>
        %add3A_501 = arith.addf %add3A_499, %mul3A_500 : vector<16xf32>
        %broadcast_in_dim3A_502 = arith.constant 21 : i32
        %broadcast_in_dim3A_503 = vector.broadcast %broadcast_in_dim3A_502 : i32 to vector<16xi32>
        tpu.vector_store_idx %arg16[%add3A_340, %broadcast_in_dim3A_503], %add3A_501 masked %lt3A_215 : memref<625x64xf32, #tpu.memory_space<vmem>>[vector<16xi32>, vector<16xi32>], vector<16xf32>, vector<16xi1>
        %broadcast_in_dim3A_504 = arith.constant 42 : i32
        %broadcast_in_dim3A_505 = vector.broadcast %broadcast_in_dim3A_504 : i32 to vector<16xi32>
        tpu.vector_store_idx %arg16[%add3A_340, %broadcast_in_dim3A_505], %add3A_501 masked %lt3A_215 : memref<625x64xf32, #tpu.memory_space<vmem>>[vector<16xi32>, vector<16xi32>], vector<16xf32>, vector<16xi1>
        %mul3A_506 = arith.mulf %mul3A_322, %mul3A_332 : vector<16xf32>
        %mul3A_507 = arith.mulf %mul3A_323, %mul3A_334 : vector<16xf32>
        %add3A_508 = arith.addf %mul3A_506, %mul3A_507 : vector<16xf32>
        %mul3A_509 = arith.mulf %mul3A_324, %mul3A_335 : vector<16xf32>
        %add3A_510 = arith.addf %add3A_508, %mul3A_509 : vector<16xf32>
        %broadcast_in_dim3A_511 = arith.constant 22 : i32
        %broadcast_in_dim3A_512 = vector.broadcast %broadcast_in_dim3A_511 : i32 to vector<16xi32>
        tpu.vector_store_idx %arg16[%add3A_340, %broadcast_in_dim3A_512], %add3A_510 masked %lt3A_215 : memref<625x64xf32, #tpu.memory_space<vmem>>[vector<16xi32>, vector<16xi32>], vector<16xf32>, vector<16xi1>
        %broadcast_in_dim3A_513 = arith.constant 50 : i32
        %broadcast_in_dim3A_514 = vector.broadcast %broadcast_in_dim3A_513 : i32 to vector<16xi32>
        tpu.vector_store_idx %arg16[%add3A_340, %broadcast_in_dim3A_514], %add3A_510 masked %lt3A_215 : memref<625x64xf32, #tpu.memory_space<vmem>>[vector<16xi32>, vector<16xi32>], vector<16xf32>, vector<16xi1>
        %mul3A_515 = arith.mulf %mul3A_322, %mul3A_333 : vector<16xf32>
        %mul3A_516 = arith.mulf %mul3A_323, %mul3A_335 : vector<16xf32>
        %add3A_517 = arith.addf %mul3A_515, %mul3A_516 : vector<16xf32>
        %mul3A_518 = arith.mulf %mul3A_324, %mul3A_336 : vector<16xf32>
        %add3A_519 = arith.addf %add3A_517, %mul3A_518 : vector<16xf32>
        %broadcast_in_dim3A_520 = arith.constant 23 : i32
        %broadcast_in_dim3A_521 = vector.broadcast %broadcast_in_dim3A_520 : i32 to vector<16xi32>
        tpu.vector_store_idx %arg16[%add3A_340, %broadcast_in_dim3A_521], %add3A_519 masked %lt3A_215 : memref<625x64xf32, #tpu.memory_space<vmem>>[vector<16xi32>, vector<16xi32>], vector<16xf32>, vector<16xi1>
        %broadcast_in_dim3A_522 = arith.constant 58 : i32
        %broadcast_in_dim3A_523 = vector.broadcast %broadcast_in_dim3A_522 : i32 to vector<16xi32>
        tpu.vector_store_idx %arg16[%add3A_340, %broadcast_in_dim3A_523], %add3A_519 masked %lt3A_215 : memref<625x64xf32, #tpu.memory_space<vmem>>[vector<16xi32>, vector<16xi32>], vector<16xf32>, vector<16xi1>
        %mul3A_524 = arith.mulf %mul3A_325, %mul3A_325 : vector<16xf32>
        %mul3A_525 = arith.mulf %mul3A_326, %mul3A_326 : vector<16xf32>
        %add3A_526 = arith.addf %mul3A_524, %mul3A_525 : vector<16xf32>
        %mul3A_527 = arith.mulf %mul3A_327, %mul3A_327 : vector<16xf32>
        %add3A_528 = arith.addf %add3A_526, %mul3A_527 : vector<16xf32>
        %broadcast_in_dim3A_529 = arith.constant 27 : i32
        %broadcast_in_dim3A_530 = vector.broadcast %broadcast_in_dim3A_529 : i32 to vector<16xi32>
        tpu.vector_store_idx %arg16[%add3A_340, %broadcast_in_dim3A_530], %add3A_528 masked %lt3A_215 : memref<625x64xf32, #tpu.memory_space<vmem>>[vector<16xi32>, vector<16xi32>], vector<16xf32>, vector<16xi1>
        %mul3A_531 = arith.mulf %mul3A_325, %mul3A_328 : vector<16xf32>
        %mul3A_532 = arith.mulf %mul3A_326, %mul3A_329 : vector<16xf32>
        %add3A_533 = arith.addf %mul3A_531, %mul3A_532 : vector<16xf32>
        %mul3A_534 = arith.mulf %mul3A_327, %mul3A_330 : vector<16xf32>
        %add3A_535 = arith.addf %add3A_533, %mul3A_534 : vector<16xf32>
        %broadcast_in_dim3A_536 = arith.constant 28 : i32
        %broadcast_in_dim3A_537 = vector.broadcast %broadcast_in_dim3A_536 : i32 to vector<16xi32>
        tpu.vector_store_idx %arg16[%add3A_340, %broadcast_in_dim3A_537], %add3A_535 masked %lt3A_215 : memref<625x64xf32, #tpu.memory_space<vmem>>[vector<16xi32>, vector<16xi32>], vector<16xf32>, vector<16xi1>
        %broadcast_in_dim3A_538 = arith.constant 35 : i32
        %broadcast_in_dim3A_539 = vector.broadcast %broadcast_in_dim3A_538 : i32 to vector<16xi32>
        tpu.vector_store_idx %arg16[%add3A_340, %broadcast_in_dim3A_539], %add3A_535 masked %lt3A_215 : memref<625x64xf32, #tpu.memory_space<vmem>>[vector<16xi32>, vector<16xi32>], vector<16xf32>, vector<16xi1>
        %mul3A_540 = arith.mulf %mul3A_325, %mul3A_331 : vector<16xf32>
        %mul3A_541 = arith.mulf %mul3A_326, %mul3A_332 : vector<16xf32>
        %add3A_542 = arith.addf %mul3A_540, %mul3A_541 : vector<16xf32>
        %mul3A_543 = arith.mulf %mul3A_327, %mul3A_333 : vector<16xf32>
        %add3A_544 = arith.addf %add3A_542, %mul3A_543 : vector<16xf32>
        %broadcast_in_dim3A_545 = arith.constant 29 : i32
        %broadcast_in_dim3A_546 = vector.broadcast %broadcast_in_dim3A_545 : i32 to vector<16xi32>
        tpu.vector_store_idx %arg16[%add3A_340, %broadcast_in_dim3A_546], %add3A_544 masked %lt3A_215 : memref<625x64xf32, #tpu.memory_space<vmem>>[vector<16xi32>, vector<16xi32>], vector<16xf32>, vector<16xi1>
        %broadcast_in_dim3A_547 = arith.constant 43 : i32
        %broadcast_in_dim3A_548 = vector.broadcast %broadcast_in_dim3A_547 : i32 to vector<16xi32>
        tpu.vector_store_idx %arg16[%add3A_340, %broadcast_in_dim3A_548], %add3A_544 masked %lt3A_215 : memref<625x64xf32, #tpu.memory_space<vmem>>[vector<16xi32>, vector<16xi32>], vector<16xf32>, vector<16xi1>
        %mul3A_549 = arith.mulf %mul3A_325, %mul3A_332 : vector<16xf32>
        %mul3A_550 = arith.mulf %mul3A_326, %mul3A_334 : vector<16xf32>
        %add3A_551 = arith.addf %mul3A_549, %mul3A_550 : vector<16xf32>
        %mul3A_552 = arith.mulf %mul3A_327, %mul3A_335 : vector<16xf32>
        %add3A_553 = arith.addf %add3A_551, %mul3A_552 : vector<16xf32>
        %broadcast_in_dim3A_554 = arith.constant 30 : i32
        %broadcast_in_dim3A_555 = vector.broadcast %broadcast_in_dim3A_554 : i32 to vector<16xi32>
        tpu.vector_store_idx %arg16[%add3A_340, %broadcast_in_dim3A_555], %add3A_553 masked %lt3A_215 : memref<625x64xf32, #tpu.memory_space<vmem>>[vector<16xi32>, vector<16xi32>], vector<16xf32>, vector<16xi1>
        %broadcast_in_dim3A_556 = arith.constant 51 : i32
        %broadcast_in_dim3A_557 = vector.broadcast %broadcast_in_dim3A_556 : i32 to vector<16xi32>
        tpu.vector_store_idx %arg16[%add3A_340, %broadcast_in_dim3A_557], %add3A_553 masked %lt3A_215 : memref<625x64xf32, #tpu.memory_space<vmem>>[vector<16xi32>, vector<16xi32>], vector<16xf32>, vector<16xi1>
        %mul3A_558 = arith.mulf %mul3A_325, %mul3A_333 : vector<16xf32>
        %mul3A_559 = arith.mulf %mul3A_326, %mul3A_335 : vector<16xf32>
        %add3A_560 = arith.addf %mul3A_558, %mul3A_559 : vector<16xf32>
        %mul3A_561 = arith.mulf %mul3A_327, %mul3A_336 : vector<16xf32>
        %add3A_562 = arith.addf %add3A_560, %mul3A_561 : vector<16xf32>
        %broadcast_in_dim3A_563 = arith.constant 31 : i32
        %broadcast_in_dim3A_564 = vector.broadcast %broadcast_in_dim3A_563 : i32 to vector<16xi32>
        tpu.vector_store_idx %arg16[%add3A_340, %broadcast_in_dim3A_564], %add3A_562 masked %lt3A_215 : memref<625x64xf32, #tpu.memory_space<vmem>>[vector<16xi32>, vector<16xi32>], vector<16xf32>, vector<16xi1>
        %broadcast_in_dim3A_565 = arith.constant 59 : i32
        %broadcast_in_dim3A_566 = vector.broadcast %broadcast_in_dim3A_565 : i32 to vector<16xi32>
        tpu.vector_store_idx %arg16[%add3A_340, %broadcast_in_dim3A_566], %add3A_562 masked %lt3A_215 : memref<625x64xf32, #tpu.memory_space<vmem>>[vector<16xi32>, vector<16xi32>], vector<16xf32>, vector<16xi1>
        %mul3A_567 = arith.mulf %mul3A_328, %mul3A_328 : vector<16xf32>
        %mul3A_568 = arith.mulf %mul3A_329, %mul3A_329 : vector<16xf32>
        %add3A_569 = arith.addf %mul3A_567, %mul3A_568 : vector<16xf32>
        %mul3A_570 = arith.mulf %mul3A_330, %mul3A_330 : vector<16xf32>
        %add3A_571 = arith.addf %add3A_569, %mul3A_570 : vector<16xf32>
        %broadcast_in_dim3A_572 = arith.constant 36 : i32
        %broadcast_in_dim3A_573 = vector.broadcast %broadcast_in_dim3A_572 : i32 to vector<16xi32>
        tpu.vector_store_idx %arg16[%add3A_340, %broadcast_in_dim3A_573], %add3A_571 masked %lt3A_215 : memref<625x64xf32, #tpu.memory_space<vmem>>[vector<16xi32>, vector<16xi32>], vector<16xf32>, vector<16xi1>
        %mul3A_574 = arith.mulf %mul3A_328, %mul3A_331 : vector<16xf32>
        %mul3A_575 = arith.mulf %mul3A_329, %mul3A_332 : vector<16xf32>
        %add3A_576 = arith.addf %mul3A_574, %mul3A_575 : vector<16xf32>
        %mul3A_577 = arith.mulf %mul3A_330, %mul3A_333 : vector<16xf32>
        %add3A_578 = arith.addf %add3A_576, %mul3A_577 : vector<16xf32>
        %broadcast_in_dim3A_579 = arith.constant 37 : i32
        %broadcast_in_dim3A_580 = vector.broadcast %broadcast_in_dim3A_579 : i32 to vector<16xi32>
        tpu.vector_store_idx %arg16[%add3A_340, %broadcast_in_dim3A_580], %add3A_578 masked %lt3A_215 : memref<625x64xf32, #tpu.memory_space<vmem>>[vector<16xi32>, vector<16xi32>], vector<16xf32>, vector<16xi1>
        %broadcast_in_dim3A_581 = arith.constant 44 : i32
        %broadcast_in_dim3A_582 = vector.broadcast %broadcast_in_dim3A_581 : i32 to vector<16xi32>
        tpu.vector_store_idx %arg16[%add3A_340, %broadcast_in_dim3A_582], %add3A_578 masked %lt3A_215 : memref<625x64xf32, #tpu.memory_space<vmem>>[vector<16xi32>, vector<16xi32>], vector<16xf32>, vector<16xi1>
        %mul3A_583 = arith.mulf %mul3A_328, %mul3A_332 : vector<16xf32>
        %mul3A_584 = arith.mulf %mul3A_329, %mul3A_334 : vector<16xf32>
        %add3A_585 = arith.addf %mul3A_583, %mul3A_584 : vector<16xf32>
        %mul3A_586 = arith.mulf %mul3A_330, %mul3A_335 : vector<16xf32>
        %add3A_587 = arith.addf %add3A_585, %mul3A_586 : vector<16xf32>
        %broadcast_in_dim3A_588 = arith.constant 38 : i32
        %broadcast_in_dim3A_589 = vector.broadcast %broadcast_in_dim3A_588 : i32 to vector<16xi32>
        tpu.vector_store_idx %arg16[%add3A_340, %broadcast_in_dim3A_589], %add3A_587 masked %lt3A_215 : memref<625x64xf32, #tpu.memory_space<vmem>>[vector<16xi32>, vector<16xi32>], vector<16xf32>, vector<16xi1>
        %broadcast_in_dim3A_590 = arith.constant 52 : i32
        %broadcast_in_dim3A_591 = vector.broadcast %broadcast_in_dim3A_590 : i32 to vector<16xi32>
        tpu.vector_store_idx %arg16[%add3A_340, %broadcast_in_dim3A_591], %add3A_587 masked %lt3A_215 : memref<625x64xf32, #tpu.memory_space<vmem>>[vector<16xi32>, vector<16xi32>], vector<16xf32>, vector<16xi1>
        %mul3A_592 = arith.mulf %mul3A_328, %mul3A_333 : vector<16xf32>
        %mul3A_593 = arith.mulf %mul3A_329, %mul3A_335 : vector<16xf32>
        %add3A_594 = arith.addf %mul3A_592, %mul3A_593 : vector<16xf32>
        %mul3A_595 = arith.mulf %mul3A_330, %mul3A_336 : vector<16xf32>
        %add3A_596 = arith.addf %add3A_594, %mul3A_595 : vector<16xf32>
        %broadcast_in_dim3A_597 = arith.constant 39 : i32
        %broadcast_in_dim3A_598 = vector.broadcast %broadcast_in_dim3A_597 : i32 to vector<16xi32>
        tpu.vector_store_idx %arg16[%add3A_340, %broadcast_in_dim3A_598], %add3A_596 masked %lt3A_215 : memref<625x64xf32, #tpu.memory_space<vmem>>[vector<16xi32>, vector<16xi32>], vector<16xf32>, vector<16xi1>
        %broadcast_in_dim3A_599 = arith.constant 60 : i32
        %broadcast_in_dim3A_600 = vector.broadcast %broadcast_in_dim3A_599 : i32 to vector<16xi32>
        tpu.vector_store_idx %arg16[%add3A_340, %broadcast_in_dim3A_600], %add3A_596 masked %lt3A_215 : memref<625x64xf32, #tpu.memory_space<vmem>>[vector<16xi32>, vector<16xi32>], vector<16xf32>, vector<16xi1>
        %mul3A_601 = arith.mulf %mul3A_331, %mul3A_331 : vector<16xf32>
        %mul3A_602 = arith.mulf %mul3A_332, %mul3A_332 : vector<16xf32>
        %add3A_603 = arith.addf %mul3A_601, %mul3A_602 : vector<16xf32>
        %mul3A_604 = arith.mulf %mul3A_333, %mul3A_333 : vector<16xf32>
        %add3A_605 = arith.addf %add3A_603, %mul3A_604 : vector<16xf32>
        %broadcast_in_dim3A_606 = arith.constant 45 : i32
        %broadcast_in_dim3A_607 = vector.broadcast %broadcast_in_dim3A_606 : i32 to vector<16xi32>
        tpu.vector_store_idx %arg16[%add3A_340, %broadcast_in_dim3A_607], %add3A_605 masked %lt3A_215 : memref<625x64xf32, #tpu.memory_space<vmem>>[vector<16xi32>, vector<16xi32>], vector<16xf32>, vector<16xi1>
        %mul3A_608 = arith.mulf %mul3A_331, %mul3A_332 : vector<16xf32>
        %mul3A_609 = arith.mulf %mul3A_332, %mul3A_334 : vector<16xf32>
        %add3A_610 = arith.addf %mul3A_608, %mul3A_609 : vector<16xf32>
        %mul3A_611 = arith.mulf %mul3A_333, %mul3A_335 : vector<16xf32>
        %add3A_612 = arith.addf %add3A_610, %mul3A_611 : vector<16xf32>
        %broadcast_in_dim3A_613 = arith.constant 46 : i32
        %broadcast_in_dim3A_614 = vector.broadcast %broadcast_in_dim3A_613 : i32 to vector<16xi32>
        tpu.vector_store_idx %arg16[%add3A_340, %broadcast_in_dim3A_614], %add3A_612 masked %lt3A_215 : memref<625x64xf32, #tpu.memory_space<vmem>>[vector<16xi32>, vector<16xi32>], vector<16xf32>, vector<16xi1>
        %broadcast_in_dim3A_615 = arith.constant 53 : i32
        %broadcast_in_dim3A_616 = vector.broadcast %broadcast_in_dim3A_615 : i32 to vector<16xi32>
        tpu.vector_store_idx %arg16[%add3A_340, %broadcast_in_dim3A_616], %add3A_612 masked %lt3A_215 : memref<625x64xf32, #tpu.memory_space<vmem>>[vector<16xi32>, vector<16xi32>], vector<16xf32>, vector<16xi1>
        %mul3A_617 = arith.mulf %mul3A_331, %mul3A_333 : vector<16xf32>
        %mul3A_618 = arith.mulf %mul3A_332, %mul3A_335 : vector<16xf32>
        %add3A_619 = arith.addf %mul3A_617, %mul3A_618 : vector<16xf32>
        %mul3A_620 = arith.mulf %mul3A_333, %mul3A_336 : vector<16xf32>
        %add3A_621 = arith.addf %add3A_619, %mul3A_620 : vector<16xf32>
        %broadcast_in_dim3A_622 = arith.constant 47 : i32
        %broadcast_in_dim3A_623 = vector.broadcast %broadcast_in_dim3A_622 : i32 to vector<16xi32>
        tpu.vector_store_idx %arg16[%add3A_340, %broadcast_in_dim3A_623], %add3A_621 masked %lt3A_215 : memref<625x64xf32, #tpu.memory_space<vmem>>[vector<16xi32>, vector<16xi32>], vector<16xf32>, vector<16xi1>
        %broadcast_in_dim3A_624 = arith.constant 61 : i32
        %broadcast_in_dim3A_625 = vector.broadcast %broadcast_in_dim3A_624 : i32 to vector<16xi32>
        tpu.vector_store_idx %arg16[%add3A_340, %broadcast_in_dim3A_625], %add3A_621 masked %lt3A_215 : memref<625x64xf32, #tpu.memory_space<vmem>>[vector<16xi32>, vector<16xi32>], vector<16xf32>, vector<16xi1>
        %mul3A_626 = arith.mulf %mul3A_332, %mul3A_332 : vector<16xf32>
        %mul3A_627 = arith.mulf %mul3A_334, %mul3A_334 : vector<16xf32>
        %add3A_628 = arith.addf %mul3A_626, %mul3A_627 : vector<16xf32>
        %mul3A_629 = arith.mulf %mul3A_335, %mul3A_335 : vector<16xf32>
        %add3A_630 = arith.addf %add3A_628, %mul3A_629 : vector<16xf32>
        %broadcast_in_dim3A_631 = arith.constant 54 : i32
        %broadcast_in_dim3A_632 = vector.broadcast %broadcast_in_dim3A_631 : i32 to vector<16xi32>
        tpu.vector_store_idx %arg16[%add3A_340, %broadcast_in_dim3A_632], %add3A_630 masked %lt3A_215 : memref<625x64xf32, #tpu.memory_space<vmem>>[vector<16xi32>, vector<16xi32>], vector<16xf32>, vector<16xi1>
        %mul3A_633 = arith.mulf %mul3A_332, %mul3A_333 : vector<16xf32>
        %mul3A_634 = arith.mulf %mul3A_334, %mul3A_335 : vector<16xf32>
        %add3A_635 = arith.addf %mul3A_633, %mul3A_634 : vector<16xf32>
        %mul3A_636 = arith.mulf %mul3A_335, %mul3A_336 : vector<16xf32>
        %add3A_637 = arith.addf %add3A_635, %mul3A_636 : vector<16xf32>
        %broadcast_in_dim3A_638 = arith.constant 55 : i32
        %broadcast_in_dim3A_639 = vector.broadcast %broadcast_in_dim3A_638 : i32 to vector<16xi32>
        tpu.vector_store_idx %arg16[%add3A_340, %broadcast_in_dim3A_639], %add3A_637 masked %lt3A_215 : memref<625x64xf32, #tpu.memory_space<vmem>>[vector<16xi32>, vector<16xi32>], vector<16xf32>, vector<16xi1>
        %broadcast_in_dim3A_640 = arith.constant 62 : i32
        %broadcast_in_dim3A_641 = vector.broadcast %broadcast_in_dim3A_640 : i32 to vector<16xi32>
        tpu.vector_store_idx %arg16[%add3A_340, %broadcast_in_dim3A_641], %add3A_637 masked %lt3A_215 : memref<625x64xf32, #tpu.memory_space<vmem>>[vector<16xi32>, vector<16xi32>], vector<16xf32>, vector<16xi1>
        %mul3A_642 = arith.mulf %mul3A_333, %mul3A_333 : vector<16xf32>
        %mul3A_643 = arith.mulf %mul3A_335, %mul3A_335 : vector<16xf32>
        %add3A_644 = arith.addf %mul3A_642, %mul3A_643 : vector<16xf32>
        %mul3A_645 = arith.mulf %mul3A_336, %mul3A_336 : vector<16xf32>
        %add3A_646 = arith.addf %add3A_644, %mul3A_645 : vector<16xf32>
        %broadcast_in_dim3A_647 = arith.constant 63 : i32
        %broadcast_in_dim3A_648 = vector.broadcast %broadcast_in_dim3A_647 : i32 to vector<16xi32>
        tpu.vector_store_idx %arg16[%add3A_340, %broadcast_in_dim3A_648], %add3A_646 masked %lt3A_215 : memref<625x64xf32, #tpu.memory_space<vmem>>[vector<16xi32>, vector<16xi32>], vector<16xf32>, vector<16xi1>
      }
      %scan3A_197 = arith.constant 40 : i32
      %mul3A_198 = arith.constant 625 : i32
      %mul3A_199 = arith.muli %scan3A_192, %mul3A_198 : i32
      %add3A_200 = arith.addi %mul3A_2, %mul3A_199 : i32
      "tpu.region"() ({
        %run_scoped3A = tpu.sem_alloc : memref<!tpu.dma_semaphore, #tpu.memory_space<semaphore_mem>>
        %dma_start3A = arith.constant 0 : i32
        %dma_start3A_201 = tpu.memref_slice %arg8[%add3A_200, %dma_start3A] : memref<100000x64xf32, #tpu.memory_space<hbm>> -> memref<625x64xf32, #tpu.memory_space<hbm>>
        %dma_start3A_202 = arith.constant 0 : i32
        %dma_start3A_203 = tpu.memref_slice %arg8[%add3A_200, %dma_start3A_202] : memref<100000x64xf32, #tpu.memory_space<hbm>> -> memref<625x64xf32, #tpu.memory_space<hbm>>
        tpu.enqueue_dma source(%arg16 : memref<625x64xf32, #tpu.memory_space<vmem>>) target(%dma_start3A_203 : memref<625x64xf32, #tpu.memory_space<hbm>>) target_semaphore(%run_scoped3A : memref<!tpu.dma_semaphore, #tpu.memory_space<semaphore_mem>>)
        %dma_wait3A = arith.constant 0 : i32
        %dma_wait3A_204 = tpu.memref_slice %arg8[%add3A_200, %dma_wait3A] : memref<100000x64xf32, #tpu.memory_space<hbm>> -> memref<625x64xf32, #tpu.memory_space<hbm>>
        %dma_wait3A_205 = arith.constant 0 : i32
        %dma_wait3A_206 = tpu.memref_slice %arg8[%add3A_200, %dma_wait3A_205] : memref<100000x64xf32, #tpu.memory_space<hbm>> -> memref<625x64xf32, #tpu.memory_space<hbm>>
        tpu.wait_dma2 semaphore(%run_scoped3A : memref<!tpu.dma_semaphore, #tpu.memory_space<semaphore_mem>>) src(%arg16 : memref<625x64xf32, #tpu.memory_space<vmem>>) dst(%dma_wait3A_206 : memref<625x64xf32, #tpu.memory_space<hbm>>)
        tpu.yield
      }) : () -> ()
    }
    %scan3A_191 = arith.constant 5 : i32
    return
  }
}

</mosaic_0001>

<sc_bundles>
// kernel: kernel.4.cloned.1.call-start
scs
__scs_entry_jumppad:
0x0: {  	(pc) =	sbr.rel $0x88, $3  }
0x1: {  	(tag) =	ssettag $0x0;
	lr =	simm.s32 $0x1  }
0x2: {  	[smem:$0x3F9C] =	sst lr;
	_ =	strace $0xD0000000  }
0x3: {  	_ = 	snop  }
0x4: {  	_ = 	snop  }
0x5: {  	_ = 	snop  }
0x6: {  	_ = 	snop  }
0x7: {  	_ = 	snop  }
__scs_overlays_trampoline_lowered:
0x8: {  	[smem:$0x3FAB] =	sst s0  }
0x9: {  	[smem:$0x3FAC] =	sst s1  }
0xa: {  	[smem:$0x3FAD] =	sst s2  }
0xb: {  	[smem:$0x3FAE] =	sst s3  }
0xc: {  	[smem:$0x3FAF] =	sst s4  }
0xd: {  	[smem:$0x3FB0] =	sst s5  }
0xe: {  	[smem:$0x3FB1] =	sst s6  }
0xf: {  	[smem:$0x3FB2] =	sst s7  }
0x10: {  	[smem:$0x3FB3] =	sst s8  }
0x11: {  	[smem:$0x3FB4] =	sst s9;
	s0 =	simm.s32 @!p0 $0x0  }
0x12: {  	s1 =	sld [smem:$0x3F9A];
	s0 =	simm.s32 @p0 $0x1  }
0x13: {  	[smem:$0x3FB5] =	sst s0;
	s0 =	simm.s32 @!p1 $0x0  }
0x14: {  	s2 =	sld [smem:$0x3F99];
	s0 =	simm.s32 @p1 $0x1  }
0x15: {  	[smem:$0x3FB6] =	sst s0;
	s0 =	simm.s32 @!p2 $0x0  }
0x16: {  	s3 =	sld [smem:$0x3FDB];
	s0 =	simm.s32 @p2 $0x1  }
0x17: {  	s4 =	simm.s32 $0x1BF5;
	[smem:$0x3FB8] =	sst s0  }
0x18: {  	s0 =	sld [smem:$0x3F9B];
	_ =	swait.ge [sflag:s4], $0x0  }
0x19: {  	s7 =	sld [smem:$0x3F9C]  }
0x1a: {  	s8 =	sadd.s32 $0xFFFFE003, lr  }
0x1b: {  	s9 =	sadd.s32 $0xFFFFFEF7, lr;
	s5 =	simm.s32 $0xFFFFFFFF;
	p2 =	slt.u32 s8, $0xFFFFF086  }
0x1c: {  	p1 =	slt.u32 s9, $0xF7A;
	s5 =	simm.s32 @!p2 $0x0  }
0x1d: {  	s5 =	simm.s32 @p1 $0x1;
	p0 =	seq.s32 s7, s2  }
0x1e: {  	s7 =	smul.u32 @!p0 $0xF7A, s2;
	p2 =	seq.s32 @!p0 s5, $0x0  }
0x1f: {  	s9 =	smul.u32 $0xF7A, s1;
	s8 =	simm.s32 @!p0 $0x1BF5;
	p2 =	por !p2, p0  }
0x20: {  	[sflag:s8] =	ssyncset.s32 @!p0 $0xFFFFF086;
	s6 =	sadd.s32 @!p0 s3, s7;
	s7 =	simm.s32 @!p0 $0x108  }
0x21: {  	s3 =	sadd.s32 s3, s9;
	s6 =	sadd.s32 @!p0 $0x88, s6;
	s7 =	simm.s32 @p2 $0x1082  }
0x22: {  	[simem:s7], [sflag:s8] =	dma.local @!p0 [hbm:s6], $0xF7A  }
0x23: {  	s9 =	sor.u32 $0xD0000000, s2;
	s6 =	simm.s32 $0x108;
	_ =	swait.ge @!p0 [sflag:s8], $0x0  }
0x24: {  	s3 =	sadd.s32 $0x88, s3;
	s6 =	simm.s32 @!p1 $0x1082;
	[sflag:s4] =	ssyncset.s32 $0xFFFFF086  }
0x25: {  	[simem:s6], [sflag:s4] =	dma.local [hbm:s3], $0xF7A  }
0x26: {  	[smem:$0x3F9C] =	sst s1;
	(tag) =	ssettag s2;
	_ =	strace s9  }
0x27: {  	s1 =	sld [smem:$0x3FAC]  }
0x28: {  	s2 =	sld [smem:$0x3FAD]  }
0x29: {  	s4 =	sld [smem:$0x3FAF]  }
0x2a: {  	p0 =	seq.s32 s5, $0x0;
	s5 =	sld [smem:$0x3FB0]  }
0x2b: {  	s6 =	sld [smem:$0x3FB1]  }
0x2c: {  	s7 =	sld [smem:$0x3FB2]  }
0x2d: {  	s3 =	simm.s32 $0x108;
	s8 =	sld [smem:$0x3FB3]  }
0x2e: {  	s3 =	simm.s32 @!p0 $0x1082;
	s9 =	sld [smem:$0x3FB4]  }
0x2f: {  	lr =	sadd.s32 s0, s3;
	s0 =	sld [smem:$0x3FAB]  }
0x30: {  	s3 =	sld [smem:$0x3FAE]  }
0x31: {  	[smem:$0x3FB7] =	sst s10  }
0x32: {  	s10 =	sld [smem:$0x3FB5];
	_ =	sdelay $0x3  }
0x33: {  	p0 =	seq.s32 s10, $0x1;
	s10 =	sld [smem:$0x3FB7];
	_ =	sdelay $0x3  }
0x34: {  	[smem:$0x3FB7] =	sst s10  }
0x35: {  	s10 =	sld [smem:$0x3FB6];
	_ =	sdelay $0x3  }
0x36: {  	p1 =	seq.s32 s10, $0x1;
	s10 =	sld [smem:$0x3FB7];
	_ =	sdelay $0x3  }
0x37: {  	[smem:$0x3FB7] =	sst s10  }
0x38: {  	s10 =	sld [smem:$0x3FB8]  }
0x39: {  	_ = 	snop;
	(pc) =	sbr.ind lr, $3  }
0x3a: {  	_ = 	snop  }
0x3b: {  	_ = 	snop  }
0x3c: {  	p2 =	seq.s32 s10, $0x1;
	s10 =	sld [smem:$0x3FB7]  }
0x3d: {  	_ =	shalt  }
0x3e: {  	_ =	shalt  }
0x3f: {  	_ =	shalt  }
0x40: {  	_ =	shalt  }
0x41: {  	_ =	shalt  }
0x42: {  	_ =	shalt  }
0x43: {  	_ =	shalt  }
0x44: {  	_ =	shalt  }
0x45: {  	_ =	shalt  }
0x46: {  	_ =	shalt  }
0x47: {  	_ =	shalt  }
0x48: {  	_ =	shalt  }
0x49: {  	_ =	shalt  }
0x4a: {  	_ =	shalt  }
0x4b: {  	_ =	shalt  }
0x4c: {  	_ =	shalt  }
0x4d: {  	_ =	shalt  }
0x4e: {  	_ =	shalt  }
0x4f: {  	_ =	shalt  }
0x50: {  	_ =	shalt  }
0x51: {  	_ =	shalt  }
0x52: {  	_ =	shalt  }
0x53: {  	_ =	shalt  }
0x54: {  	_ =	shalt  }
0x55: {  	_ =	shalt  }
0x56: {  	_ =	shalt  }
0x57: {  	_ =	shalt  }
0x58: {  	_ =	shalt  }
0x59: {  	_ =	shalt  }
0x5a: {  	_ =	shalt  }
0x5b: {  	_ =	shalt  }
0x5c: {  	_ =	shalt  }
0x5d: {  	_ =	shalt  }
0x5e: {  	_ =	shalt  }
0x5f: {  	_ =	shalt  }
0x60: {  	_ =	shalt  }
0x61: {  	_ =	shalt  }
0x62: {  	_ =	shalt  }
0x63: {  	_ =	shalt  }
0x64: {  	_ =	shalt  }
0x65: {  	_ =	shalt  }
0x66: {  	_ =	shalt  }
0x67: {  	_ =	shalt  }
0x68: {  	_ =	shalt  }
0x69: {  	_ =	shalt  }
0x6a: {  	_ =	shalt  }
0x6b: {  	_ =	shalt  }
0x6c: {  	_ =	shalt  }
0x6d: {  	_ =	shalt  }
0x6e: {  	_ =	shalt  }
0x6f: {  	_ =	shalt  }
0x70: {  	_ =	shalt  }
0x71: {  	_ =	shalt  }
0x72: {  	_ =	shalt  }
0x73: {  	_ =	shalt  }
0x74: {  	_ =	shalt  }
0x75: {  	_ =	shalt  }
0x76: {  	_ =	shalt  }
0x77: {  	_ =	shalt  }
0x78: {  	_ =	shalt  }
0x79: {  	_ =	shalt  }
0x7a: {  	_ =	shalt  }
0x7b: {  	_ =	shalt  }
0x7c: {  	_ =	shalt  }
0x7d: {  	_ =	shalt  }
0x7e: {  	_ =	shalt  }
0x7f: {  	_ =	shalt  }
0x80: {  	_ =	shalt  }
0x81: {  	_ =	shalt  }
0x82: {  	_ =	shalt  }
0x83: {  	_ =	shalt  }
0x84: {  	_ =	shalt  }
0x85: {  	_ =	shalt  }
0x86: {  	_ =	shalt  }
0x87: {  	_ =	shalt  }
.Lfunc_end0:
.L_simem_size_0:
called_computation_lowered:
.L_overlay_start_0:
0x88: {  	s2 =	sld [smem:$0x3FD9]  }
0x89: {  	s3 =	sld [smem:$0x3FFE];
	_ =	sdelay $0x1  }
0x8a: {  	s1 =	srdreg.scid  }
0x8b: {  	s0 =	sand.u32 $0x1, s1  }
0x8c: {  	s14 =	sshll.u32 s0, $0xA;
	s2 =	sadd.s32 s3, s2  }
0x8d: {  	s2 =	sadd.s32 s2, s14  }
0x8e: {  	[smem:$0x3FC3] =	sst s2  }
0x8f: {  	_ = 	snop  }
0x90: {  	s2 =	sld [smem:$0x3FD0];
	_ =	sdelay $0x2  }
0x91: {  	s15 =	simm.s32 $0xA;
	s4 =	simm.s32 $0x10  }
0x92: {  	[smem:s4], [sflag:s15] =	dma.local [hbm:s2], $0x1  }
0x93: {  	_ =	swait.eq [sflag:s15], $0x1  }
0x94: {  	[sflag:s15] =	ssyncset.done $0x0  }
0x95: {  	s16 =	sld [smem:$0x10];
	[sflag:s15] =	ssyncadd.s32 $0xFFFFFFFF  }
0x96: {  	s17 =	sld [smem:$0x11];
	(tm) =	ssettm $0x1  }
0x97: {  	s18 =	sld [smem:$0x3FFB];
	_ =	sdelay $0x3  }
0x98: {  	_ =	strace s18  }
0x99: {  	s4 =	sld [smem:$0x3FFC];
	_ =	sdelay $0x3  }
0x9a: {  	_ =	strace s4  }
0x9b: {  	s4 =	sld [smem:$0x3FFD];
	_ =	sdelay $0x3  }
0x9c: {  	_ =	strace s4  }
0x9d: {  	_ =	strace $0x8FFFFFFF  }
0x9e: {  	s19 =	sld [smem:$0x3FDB];
	_ =	sdelay $0x1  }
0x9f: {  	s5 =	simm.s32 $_scs_section_size  }
0xa0: {  	s6 =	simm.s32 $_size__tile_overlayer_lowered;
	s7 =	simm.s32 $_tile_overlayer_lowered  }
0xa1: {  	s22 =	simm.s32 $0x1BFF;
	s21 =	sshll.u32 s7, $0x1;
	s4 =	sadd.s32 s5, s19  }
0xa2: {  	s8 =	simm.s32 $0x0;
	s20 =	sshll.u32 s6, $0x1;
	s6 =	sadd.s32 s21, s4  }
0xa3: {  	[timem:s8], [sflag:s22] =	dma.local [hbm:s6], s20  }
0xa4: {  	_ =	swait.ge [sflag:s22], s20  }
0xa5: {  	s5 =	ssub.s32 $0x0, s20;
	[sflag:s22] =	ssyncset.done $0x0  }
0xa6: {  	[sflag:s22] =	ssyncadd.s32 s5;
	_ =	sdelay $0x1  }
0xa7: {  	s23 =	simm.s32 $0x1B8B  }
0xa8: {  	_ =	swait.ge [sflag:s23], $0x1  }
0xa9: {  	[sflag:s23] =	ssyncset.done $0x0  }
0xaa: {  	s25 =	simm.s32 $0x1B8E;
	s24 =	sld [smem:$0x3FFE];
	[sflag:s23] =	ssyncadd.s32 $0xFFFFFFFF  }
0xab: {  	s26 =	simm.s32 $execute0_lowered;
	[smem:$0x3FD2] =	sst s25  }
0xac: {  	s6 =	sshll.u32 s26, $0x1;
	_ =	strace $0x80000046;
	[dreg:$0x1] =	wrdreg $0xFFFFFFFF  }
0xad: {  	s28 =	simm.s32 $_size_execute0_lowered;
	s4 =	sadd.s32 s4, s6;
	[dreg:$0x0] =	wrdreg $0x0  }
0xae: {  	s6 =	sshll.u32 s28, $0x1;
	[dreg:$0x2] =	wrdreg s4  }
0xaf: {  	[dreg:$0x3] =	wrdreg s6  }
0xb0: {  	[dreg:$0x4] =	wrdreg $0xC0  }
0xb1: {  	_ =	task [dreg:s8], $0x5FFFF  }
0xb2: {  	[dreg:$0x1] =	wrdreg $0xFFFFFFFF  }
0xb3: {  	[dreg:$0x0] =	wrdreg $0x60  }
0xb4: {  	[dreg:$0x2] =	wrdreg s17  }
0xb5: {  	[dreg:$0x3] =	wrdreg s24  }
0xb6: {  	[dreg:$0x4] =	wrdreg s16  }
0xb7: {  	[dreg:$0x5] =	wrdreg $0x9  }
0xb8: {  	_ =	task.clear_ibuf [dreg:s8], $0x6FFFF;
	_ =	strace $0x90000046  }
0xb9: {  	s29 =	simm.s32 $0x9;
	_ =	strace $0x80000048  }
0xba: {  	_ =	swait.ge [sflag:s29], $0x1  }
0xbb: {  	[sflag:s29] =	ssyncadd.s32 $0xFFFFFFFF  }
0xbc: {  	_ =	strace $0x90000048  }
0xbd: {  	_ =	sfence  }
0xbe: {  	s30 =	sld [smem:$0x0];
	_ =	sdelay $0x2  }
0xbf: {  	s31 =	sshll.u32 s1, $0xD;
	s1 =	sshrl.u32 s1, $0x2  }
0xc0: {  	s3 =	sand.u32 $0x4000, s31;
	s1 =	sadd.s32 s1, s30  }
0xc1: {  	s0 =	sor.u32 s3, s0;
	s1 =	sshll.u32 s1, $0x11  }
0xc2: {  	s0 =	sor.u32 s1, s0  }
0xc3: {  	s0 =	sadd.s32 $0x8F2B, s0  }
0xc4: {  	[sflag:s0] =	ssyncadd.remote.s32 $0x1  }
0xc5: {  	_ =	sfence.sel $0xFFFF  }
0xc6: {  	[dreg:$0x0] =	wrdreg $0xFFFFFFFF;
	(pc) =	sbr.abs _section_cstart, $3  }
0xc7: {  	[dreg:$0x1] =	wrdreg $0xFFFFFFFF  }
0xc8: {  	_ =	task.clear_ibuf [dreg:s8], $0x2FFFF;
	_ =	strace $0x9FFFFFFF  }
0xc9: {  	(tm) =	ssettm $0x7FFFFFFF  }
tec
execute0_lowered:
.L_overlay_start_1:
0x0: {  	(tag) =	ssettag $0x1  }
0x1: {  	s1 =	rddreg [dreg:$0x0]  }
0x2: {  	s9 =	rddreg [dreg:$0x1]  }
0x3: {  	s2 =	rddreg [dreg:$0x2]  }
0x4: {  	s3 =	simm.s32 $0x0;
	s8 =	srdreg.scid;
	s4 =	stileid.u32  }
0x5: {  	s14 =	simm.s32 $0x4100;
	s18 =	simm.s32 $0x4130;
	s19 =	simm.s32 $0x14DC0  }
0x6: {  	s20 =	simm.s32 $0x0;
	[smem:$0x7FF] =	sst s3;
	s5 =	sadd.s32 $0x62600, s9  }
0x7: {  	s6 =	sadd.s32 $0x31600, s9;
	s7 =	sadd.s32 $0x600, s9;
	s10 =	sand.u32 $0x1, s8  }
0x8: {  	s8 =	sadd.s32 $0x400, s9;
	s12 =	sshll.u32 s4, $0x1;
	s9 =	sadd.s32 $0x93600, s9  }
0x9: {  	p2 =	slt.u32 s4, $0x8;
	s11 =	ssub.s32 $0x2, s10;
	s15 =	sor.u32 s10, s12  }
0xa: {  	_ =	strace $0x80000047;
	s13 =	sshrl.u32 s11, $0x1;
	s10 =	smul.u32 $0xC35, s15  }
0xb: {  	s12 =	sadd.s32 $0x1, s15;
	s16 =	sand.u32 $0xF, s15;
	p0 =	seq.s32 s15, $0x1F  }
0xc: {  	v1 =	vimm.f32 $0.0e+00;
	v2 =	vlaneseq.u32;
	p1 =	slt.u32 s15, $0xF;
	s15 =	simm.s32 $0x1000;
	s17 =	sand.u32 $0xF, s12  }
0xd: {  	s11 =	ssub.s32 s11, s13;
	s12 =	simm.s32 $0x4000;
	s13 =	simm.s32 $0x3;
	v3 =	vmov s16;
	v4 =	vmov s17;
	v0 =	vmov s10  }
0xe: {  	s16 =	simm.s32 $0x2000;
	s11 =	smax.u32 s11, $0x1;
	s17 =	simm.s32 $0x3000;
	vm1 =	veq.s32 v3, v2;
	v3 =	vmul.u32 $0x80, v2;
	vm0 =	veq.s32 v4, v2  }
.LBB2_1:
0xf: {  	[tilespmem:s12], [sflag:$0x3] =	stream.linear.gather [hbm4b:s8+s3], $0x100, $0x38;
	[tilespmem:$0x1EA00] =	vst v63  }
0x10: {  	_ =	swait.ge [sflag:s13], $0x100  }
0x11: {  	[sflag:s13] =	ssyncset.done $0x0  }
0x12: {  	[sflag:s13] =	ssyncadd.s32 $0xFFFFFF00  }
0x13: {  	[tilespmem:s14], [sflag:$0x3] =	stream.linear.gather [hbm4b:s9+s3], $0x30, $0x38;
	[tilespmem:$0x1EA00] =	vst v63  }
0x14: {  	_ =	swait.ge [sflag:s13], $0x30  }
0x15: {  	[sflag:s13] =	ssyncset.done $0x0  }
0x16: {  	[sflag:s13] =	ssyncadd.s32 $0xFFFFFFD0  }
0x17: {  	v4 =	vld [tilespmem:$0x4100]  }
0x18: {  	s23 =	simm.s32 $0x4150;
	v5 =	vld [tilespmem:$0x4110]  }
0x19: {  	v6 =	vld [tilespmem:$0x4120];
	[tilespmem:s23+$0xFFFFFFE0] =	vst v1  }
0x1a: {  	[tilespmem:s23+$0x10] =	vst v1  }
0x1b: {  	s21 =	simm.s32 $0x0;
	[tilespmem:s23+$0x0] =	vst v1  }
.LBB2_2:
0x1c: {  	s21 =	sadd.s32 $0x4, s21  }
0x1d: {  	[tilespmem:s23+$0xFFFFFFF0] =	vst v1;
	s23 =	sadd.s32 $0x40, s23;
	p3 =	slt.u32 s21, $0x10C4  }
.Ltmp0:
0x1e: {  	[tilespmem:s23+$0xFFFFFFE0] =	vst v1;
	(pc) =	sbr.rel @p3 .LBB2_2-.Ltmp0, $3  }
0x1f: {  	_ =	sdelay $0x1  }
0x20: {  	[tilespmem:s23+$0x10] =	vst v1  }
0x21: {  	[tilespmem:s23+$0x0] =	vst v1  }
0x22: {  	v7 =	vpsel p2, v4, v5  }
0x23: {  	v7 =	vxor.u32 $0x80000000, v7  }
0x24: {  	v7 =	vnsel vm1, $0x80000000, v7  }
0x25: {  	(xrf0) =	vmax.scan.msk.u32 $0xffff, v7;
	_ =	sdelay $0x2  }
0x26: {  	v5 =	vpsel p0, v6, v5  }
0x27: {  	v4 =	vpsel p1, v4, v5  }
0x28: {  	v4 =	vxor.u32 $0x80000000, v4  }
0x29: {  	v4 =	vnsel vm0, $0x80000000, v4;
	v5, _, _ =	vpop (xrf0)  }
0x2a: {  	(xrf0) =	vmax.scan.msk.u32 $0xffff, v4;
	(v2sf) =	vpush v5, $0xF;
	_ =	sdelay $0x5  }
0x2b: {  	v4, _, _ =	vpop (xrf0)  }
0x2c: {  	(v2sf) =	vpush v4, $0xF;
	_ =	sdelay $0x7  }
0x2d: {  	s21 =	spop (v2sf)  }
0x2e: {  	s24 =	sxor.u32 $0x80000000, s21  }
0x2f: {  	p4 =	sgt.s32 s21, $0xFFFFFFFF;
	s21 =	sand.u32 $0x7, s21;
	p3 =	slt.s32 s24, $0x1  }
0x30: {  	s22 =	sshra.s32 s24, $0x1F;
	p6 =	sne.s32 s21, $0x0;
	p3 =	por p4, p3  }
0x31: {  	s29 =	sshrl.u32 s22, $0x1D;
	p3 =	por !p6, !p3  }
0x32: {  	s22 =	simm.s32 $0x1;
	s21 =	sadd.s32 s29, s24;
	p3 =	por !p3, !p3  }
0x33: {  	s21 =	sshra.s32 s21, $0x3;
	s22 =	simm.s32 @!p3 $0x0  }
0x34: {  	s25 =	spop (v2sf);
	s26 =	ssub.s32 s21, s22  }
0x35: {  	s25 =	sxor.u32 $0x80000000, s25;
	s21 =	sshll.u32 s26, $0x3  }
0x36: {  	s30 =	ssub.s32 s25, s21  }
0x37: {  	s22 =	sadd.s32 $0x7FF, s30  }
0x38: {  	s28 =	sand.u32 $0x7FF, s22  }
0x39: {  	s31 =	sshra.s32 s22, $0x1F;
	p6 =	slt.s32 s22, $0x1;
	p5 =	sne.s32 s28, $0x0  }
0x3a: {  	s28 =	sshrl.u32 s31, $0x15;
	p3 =	por !p6, !p5  }
0x3b: {  	s22 =	sadd.s32 s28, s22;
	s28 =	simm.s32 $0x1;
	p3 =	por !p3, !p3  }
0x3c: {  	s22 =	sshra.s32 s22, $0xB;
	s28 =	simm.s32 @!p3 $0x0  }
0x3d: {  	s22 =	ssub.s32 s22, s28  }
0x3e: {  	p3 =	sgt.s32 s22, $0x0  }
.Ltmp1:
0x3f: {  	_ = 	snop;
	(pc) =	sbr.rel @!p3 .LBB2_4-.Ltmp1, $3  }
0x40: {  	_ =	sdelay $0x1  }
0x41: {  	[tilespmem:s23+$0xFFFFFFF0] =	vst v1  }
0x42: {  	[tilespmem:$0x14DB0] =	vst v1  }
0x43: {  	v4 =	vld [tilespmem:$0x4000]  }
0x44: {  	v5 =	vld [tilespmem:$0x4010]  }
0x45: {  	v6 =	vld [tilespmem:$0x4020]  }
0x46: {  	v7 =	vld [tilespmem:$0x4030]  }
0x47: {  	v8 =	vld [tilespmem:$0x4040]  }
0x48: {  	v9 =	vld [tilespmem:$0x4050]  }
0x49: {  	v10 =	vld [tilespmem:$0x4060]  }
0x4a: {  	v11 =	vld [tilespmem:$0x4070];
	s26 =	sand.u32 $0x1FFFFFFF, s26  }
0x4b: {  	v12 =	vld [tilespmem:$0x4080];
	s23 =	simm.s32 $0x0;
	s28 =	sadd.s32 s1, s26  }
0x4c: {  	v13 =	vld [tilespmem:$0x4090];
	[tilespmem:s23], [sflag:$0x1] =	stream.linear.gather [hbm4b:s28+s23], $0x800, $0x38  }
0x4d: {  	s30 =	sadd.s32 s5, s26  }
0x4e: {  	[tilespmem:s15], [sflag:$0x1] =	stream.linear.gather [hbm4b:s30+s23], $0x800, $0x38;
	[tilespmem:$0x1EA00] =	vst v63  }
0x4f: {  	s31 =	sadd.s32 s6, s26  }
0x50: {  	[tilespmem:s16], [sflag:$0x1] =	stream.linear.gather [hbm4b:s31+s23], $0x800, $0x38;
	[tilespmem:$0x1EA00] =	vst v63  }
0x51: {  	v14 =	vmov s24;
	s24 =	simm.s32 $0x0;
	s26 =	sadd.s32 s7, s26  }
0x52: {  	v15 =	vmov s25;
	[tilespmem:s17], [sflag:$0x1] =	stream.linear.gather [hbm4b:s26+s23], $0x800, $0x38;
	[tilespmem:$0x1EA00] =	vst v63  }
.LBB2_12:
0x53: {  	s25 =	smov.u32 s24;
	s24 =	sadd.s32 $0x1, s24  }
0x54: {  	p3 =	sge.s32 s24, s22  }
0x55: {  	s26 =	sshll.u32 @!p3 s24, $0xB  }
0x56: {  	s26 =	sadd.s32 @!p3 s21, s26  }
0x57: {  	s28 =	sand.u32 @!p3 $0x1, s24;
	s31 =	simm.s32 @!p3 $0x0;
	s26 =	sshrl.u32 @!p3 s26, $0x3  }
0x58: {  	s29 =	sadd.s32 @!p3 $0x1, s28;
	s28 =	sshll.u32 @!p3 s28, $0xB;
	s30 =	sadd.s32 @!p3 s1, s26  }
0x59: {  	[tilespmem:s28], [sflag:s29] =	stream.linear.gather @!p3 [hbm4b:s30+s31], $0x800, $0x38;
	[tilespmem:$0x1EA00] =	vst v63  }
0x5a: {  	s0 =	sadd.s32 @!p3 s5, s26;
	s30 =	sor.u32 @!p3 $0x1000, s28  }
0x5b: {  	[tilespmem:s30], [sflag:s29] =	stream.linear.gather @!p3 [hbm4b:s0+s31], $0x800, $0x38;
	[tilespmem:$0x1EA00] =	vst v63  }
0x5c: {  	s0 =	sor.u32 @!p3 $0x2000, s28;
	s30 =	sadd.s32 @!p3 s6, s26  }
0x5d: {  	[tilespmem:s0], [sflag:s29] =	stream.linear.gather @!p3 [hbm4b:s30+s31], $0x800, $0x38;
	[tilespmem:$0x1EA00] =	vst v63  }
0x5e: {  	s28 =	sor.u32 @!p3 $0x3000, s28;
	s26 =	sadd.s32 @!p3 s7, s26;
	s30 =	sand.u32 $0x1, s25  }
0x5f: {  	[tilespmem:s28], [sflag:s29] =	stream.linear.gather @!p3 [hbm4b:s26+s31], $0x800, $0x38;
	[tilespmem:$0x1EA00] =	vst v63  }
0x60: {  	s29 =	sadd.s32 $0x1, s30  }
0x61: {  	_ =	swait.ge [sflag:s29], $0x800  }
0x62: {  	[sflag:s29] =	ssyncset.done $0x0  }
0x63: {  	[sflag:s29] =	ssyncadd.s32 $0xFFFFF800  }
0x64: {  	_ =	swait.ge [sflag:s29], $0x800  }
0x65: {  	v17 =	vmov s23;
	s0 =	sshll.u32 s30, $0xB;
	[sflag:s29] =	ssyncset.done $0x0  }
0x66: {  	v18 =	vor.u32 s23, v3;
	v17 =	vand.u32 $0x7, v17;
	v16 =	vmov s0;
	[sflag:s29] =	ssyncadd.s32 $0xFFFFF800  }
0x67: {  	v19 =	vand.u32 $0x7F8, v18;
	v17 =	vor.u32 v16, v17;
	_ =	swait.ge [sflag:s29], $0x800  }
0x68: {  	v17 =	vor.u32 v19, v17;
	[sflag:s29] =	ssyncset.done $0x0  }
0x69: {  	[sflag:s29] =	ssyncadd.s32 $0xFFFFF800  }
0x6a: {  	_ =	swait.ge [sflag:s29], $0x800  }
0x6b: {  	[sflag:s29] =	ssyncset.done $0x0  }
0x6c: {  	[sflag:s29] =	ssyncadd.s32 $0xFFFFF800  }
0x6d: {  	v20 =	vld.idx.msk [tilespmem:v17+s3+$0x0], $0xffff  }
0x6e: {  	v21 =	vld.idx.msk [tilespmem:v17+s15+$0x0], $0xffff;
	_ =	sdelay $0x1  }
0x6f: {  	v19 =	vld.idx.msk [tilespmem:v17+s16+$0x0], $0xffff;
	_ =	sdelay $0x2  }
0x70: {  	v22 =	vmul.f32 v20, v20;
	v23 =	vmul.f32 v21, v21;
	_ =	sdelay $0x1  }
0x71: {  	v24 =	vmul.f32 v19, v19;
	v22 =	vadd.f32 v23, v22;
	_ =	sdelay $0x1  }
0x72: {  	v22 =	vadd.f32 v24, v22;
	_ =	sdelay $0x1  }
0x73: {  	v23 =	vshra.s32 v22, $0x1;
	v24 =	vmul.f32 $5.000000000e-01, v22  }
0x74: {  	v23 =	vsub.s32 $0x5F3759DF, v23  }
0x75: {  	v25 =	vmul.f32 v23, v24;
	_ =	sdelay $0x1  }
0x76: {  	v25 =	vmul.f32 v23, v25;
	_ =	sdelay $0x1  }
0x77: {  	v25 =	vsub.f32 $1.500000000e+00, v25;
	_ =	sdelay $0x1  }
0x78: {  	v23 =	vmul.f32 v23, v25;
	_ =	sdelay $0x1  }
0x79: {  	v25 =	vmul.f32 v23, v24;
	_ =	sdelay $0x1  }
0x7a: {  	v25 =	vmul.f32 v25, v23;
	_ =	sdelay $0x1  }
0x7b: {  	v25 =	vsub.f32 $1.500000000e+00, v25;
	_ =	sdelay $0x1  }
0x7c: {  	v23 =	vmul.f32 v25, v23;
	_ =	sdelay $0x1  }
0x7d: {  	v25 =	vmul.f32 v23, v24;
	_ =	sdelay $0x1  }
0x7e: {  	v25 =	vmul.f32 v25, v23;
	_ =	sdelay $0x1  }
0x7f: {  	v25 =	vsub.f32 $1.500000000e+00, v25;
	_ =	sdelay $0x1  }
0x80: {  	v23 =	vmul.f32 v25, v23;
	_ =	sdelay $0x1  }
0x81: {  	v24 =	vmul.f32 v23, v24;
	_ =	sdelay $0x1  }
0x82: {  	v24 =	vmul.f32 v24, v23;
	_ =	sdelay $0x1  }
0x83: {  	v24 =	vsub.f32 $1.500000000e+00, v24;
	_ =	sdelay $0x1  }
0x84: {  	v23 =	vmul.f32 v24, v23;
	_ =	sdelay $0x1  }
0x85: {  	v22 =	vmul.f32 v23, v22;
	_ =	sdelay $0x1  }
0x86: {  	v55 =	vadd.f32 $-6.000000000e+00, v22;
	_ =	sdelay $0x1  }
0x87: {  	v24 =	vmul.f32 $-3.333333430e-01, v55;
	_ =	sdelay $0x1  }
0x88: {  	v56 =	vmul.f32 $6.000000000e+00, v24;
	_ =	sdelay $0x1  }
0x89: {  	v25 =	vadd.f32 $-1.500000000e+01, v56;
	_ =	sdelay $0x1  }
0x8a: {  	v26 =	vmul.f32 v24, v24;
	v25 =	vmul.f32 v25, v24;
	_ =	sdelay $0x1  }
0x8b: {  	v57 =	vld.idx.msk [tilespmem:v17+s17+$0x0], $0xffff;
	v24 =	vmul.f32 v26, v24;
	v25 =	vadd.f32 $1.000000000e+01, v25  }
0x8c: {  	s30 =	sshll.u32 s25, $0xB  }
0x8d: {  	s0 =	sadd.s32 s21, s30;
	v24 =	vmul.f32 v25, v24  }
0x8e: {  	v17 =	vmov s0  }
0x8f: {  	v18 =	vadd.s32 v17, v18;
	v24 =	vadd.f32 $1.000000000e+00, v24  }
0x90: {  	vm2 =	vge.s32 v18, v14;
	vm3 =	vlt.s32 v18, v15;
	v18 =	vsub.s32 v57, v0  }
0x91: {  	vm2 =	vmand vm2, vm3;
	vm3 =	vgt.s32 v18, $0x0;
	v24 =	vmul.f32 v24, v23  }
0x92: {  	v58 =	vnsel vm3, $0x0, v18;
	vm4 =	vlt.f32 v22, $6.000000000e+00  }
0x93: {  	vm3 =	vlt.f32 v22, $3.000000000e+00;
	v22 =	vmin.u32 v58, $0xC34;
	v24 =	vnsel vm4, $0x0, v24  }
0x94: {  	v22 =	vmul.u32 $0x16, v22;
	v23 =	vsel vm3, v23, v24  }
0x95: {  	v18 =	vsel vm2, $0x3F800000, v1;
	v59 =	vmul.f32 v23, v4  }
0x96: {  	v27 =	vmul.f32 v20, v18;
	v29 =	vor.u32 $0x1, v22;
	v32 =	vadd.s32 $0x2, v22  }
0x97: {  	v33 =	vadd.s32 $0x3, v22;
	v36 =	vadd.s32 $0x4, v22;
	v25 =	vadd.f32 v59, v9  }
0x98: {  	v37 =	vadd.s32 $0x8, v22;
	v26 =	vmul.f32 v21, v18;
	v31 =	vmul.f32 v23, v5  }
0x99: {  	v60 =	vadd.s32 $0x5, v22;
	v24 =	vmul.f32 v19, v18;
	v34 =	vmul.f32 v25, v27  }
0x9a: {  	v40 =	vand.u32 $0x6, v22;
	v31 =	vadd.f32 v31, v10;
	v35 =	vmul.f32 v25, v26  }
0x9b: {  	v37 =	vand.u32 $0x3FFF8, v37;
	v28 =	vmul.f32 v23, v6;
	v25 =	vmul.f32 v25, v24;
	[tilespmem:v22+s18+$0x0] =	vst.idx.add.f32.msk $0xffff, v34  }
0x9c: {  	v61 =	vadd.s32 $0x6, v22;
	v41 =	vor.u32 v40, v37;
	v38 =	vmul.f32 v31, v27;
	[tilespmem:v29+s18+$0x0] =	vst.idx.add.f32.msk $0xffff, v35  }
0x9d: {  	v63 =	vadd.s32 $0x7, v22;
	v28 =	vadd.f32 v28, v11;
	v62 =	vmul.f32 v31, v26;
	[tilespmem:v32+s18+$0x0] =	vst.idx.add.f32.msk $0xffff, v25  }
0x9e: {  	v30 =	vmul.f32 v23, v7;
	v31 =	vmul.f32 v31, v24;
	[tilespmem:v33+s18+$0x0] =	vst.idx.add.f32.msk $0xffff, v38  }
0x9f: {  	v43 =	vadd.s32 $0x9, v22;
	v42 =	vmul.f32 v28, v27;
	[tilespmem:v36+s18+$0x0] =	vst.idx.add.f32.msk $0xffff, v62  }
0xa0: {  	v45 =	vadd.s32 $0xA, v22;
	v30 =	vadd.f32 v30, v12;
	v44 =	vmul.f32 v28, v26;
	[tilespmem:v60+s18+$0x0] =	vst.idx.add.f32.msk $0xffff, v31  }
0xa1: {  	v46 =	vadd.s32 $0xB, v22;
	v23 =	vmul.f32 v23, v8;
	v28 =	vmul.f32 v28, v24;
	[tilespmem:v61+s18+$0x0] =	vst.idx.add.f32.msk $0xffff, v42  }
0xa2: {  	v48 =	vadd.s32 $0xC, v22;
	v47 =	vmul.f32 v30, v27;
	[tilespmem:v63+s18+$0x0] =	vst.idx.add.f32.msk $0xffff, v44  }
0xa3: {  	v50 =	vadd.s32 $0xD, v22;
	v23 =	vadd.f32 v23, v13;
	v49 =	vmul.f32 v30, v26;
	[tilespmem:v41+s18+$0x0] =	vst.idx.add.f32.msk $0xffff, v28  }
0xa4: {  	v51 =	vadd.s32 $0x10, v22;
	v52 =	vadd.s32 $0xE, v22;
	v30 =	vmul.f32 v30, v24;
	[tilespmem:v43+s18+$0x0] =	vst.idx.add.f32.msk $0xffff, v47  }
0xa5: {  	v54 =	vadd.s32 $0xF, v22;
	v53 =	vmul.f32 v23, v27;
	v33 =	vand.u32 $0x3FFF8, v51;
	[tilespmem:v45+s18+$0x0] =	vst.idx.add.f32.msk $0xffff, v49  }
0xa6: {  	v55 =	vmul.f32 v23, v26;
	v56 =	vor.u32 v40, v33;
	[tilespmem:v46+s18+$0x0] =	vst.idx.add.f32.msk $0xffff, v30  }
0xa7: {  	v57 =	vadd.s32 $0x11, v22;
	v23 =	vmul.f32 v23, v24;
	[tilespmem:v48+s18+$0x0] =	vst.idx.add.f32.msk $0xffff, v53  }
0xa8: {  	v20 =	vmul.f32 v27, v20;
	v58 =	vadd.s32 $0x12, v22;
	[tilespmem:v50+s18+$0x0] =	vst.idx.add.f32.msk $0xffff, v55  }
0xa9: {  	s31 =	simm.s32 $0x1;
	v59 =	vmul.f32 v21, v27;
	[tilespmem:v52+s18+$0x0] =	vst.idx.add.f32.msk $0xffff, v23  }
0xaa: {  	v21 =	vmul.f32 v26, v21;
	v27 =	vmul.f32 v19, v27;
	v62 =	vor.u32 s31, v3;
	[tilespmem:v54+s18+$0x0] =	vst.idx.add.f32.msk $0xffff, v20  }
0xab: {  	v60 =	vmul.f32 v19, v26;
	v61 =	vmov s31;
	v23 =	vadd.s32 $0x13, v22;
	[tilespmem:v56+s18+$0x0] =	vst.idx.add.f32.msk $0xffff, v59  }
0xac: {  	v19 =	vmul.f32 v24, v19;
	v26 =	vand.u32 $0x7, v61;
	v20 =	vadd.s32 $0x14, v22;
	[tilespmem:v57+s18+$0x0] =	vst.idx.add.f32.msk $0xffff, v27  }
0xad: {  	v24 =	vand.u32 $0x7F8, v62;
	v26 =	vor.u32 v16, v26;
	[tilespmem:v58+s18+$0x0] =	vst.idx.add.f32.msk $0xffff, v21;
	v21 =	vadd.s32 $0x15, v22  }
0xae: {  	v63 =	vadd.s32 v17, v62;
	v22 =	vor.u32 v24, v26  }
0xaf: {  	vm2 =	vge.s32 v63, v14;
	vm3 =	vlt.s32 v63, v15  }
0xb0: {  	s25 =	simm.s32 $0x2;
	vm2 =	vmand vm2, vm3;
	[tilespmem:v23+s18+$0x0] =	vst.idx.add.f32.msk $0xffff, v60  }
.LBB2_13:
0xb1: {  	p3 =	seq.s32 s25, $0x7F;
	[tilespmem:v20+s18+$0x0] =	vst.idx.add.f32.msk $0xffff, v19;
	s26 =	smov.u32 s25;
	s25 =	sadd.s32 $0x1, s25  }
0xb2: {  	[tilespmem:v21+s18+$0x0] =	vst.idx.add.f32.msk $0xffff, v18  }
0xb3: {  	v21 =	vld.idx.msk [tilespmem:v22+s3+$0x0], $0xffff  }
0xb4: {  	v20 =	vld.idx.msk [tilespmem:v22+s15+$0x0], $0xffff  }
0xb5: {  	v19 =	vld.idx.msk [tilespmem:v22+s16+$0x0], $0xffff;
	_ =	sdelay $0x3  }
0xb6: {  	v18 =	vmul.f32 v21, v21  }
0xb7: {  	v23 =	vmul.f32 v20, v20  }
0xb8: {  	v24 =	vmul.f32 v19, v19  }
0xb9: {  	v18 =	vadd.f32 v23, v18;
	_ =	sdelay $0x1  }
0xba: {  	v18 =	vadd.f32 v24, v18;
	_ =	sdelay $0x1  }
0xbb: {  	v23 =	vshra.s32 v18, $0x1;
	v24 =	vmul.f32 $5.000000000e-01, v18  }
0xbc: {  	v23 =	vsub.s32 $0x5F3759DF, v23  }
0xbd: {  	v25 =	vmul.f32 v23, v24;
	_ =	sdelay $0x1  }
0xbe: {  	v25 =	vmul.f32 v23, v25;
	_ =	sdelay $0x1  }
0xbf: {  	v25 =	vsub.f32 $1.500000000e+00, v25;
	_ =	sdelay $0x1  }
0xc0: {  	v23 =	vmul.f32 v23, v25;
	_ =	sdelay $0x1  }
0xc1: {  	v25 =	vmul.f32 v23, v24;
	_ =	sdelay $0x1  }
0xc2: {  	v25 =	vmul.f32 v25, v23;
	_ =	sdelay $0x1  }
0xc3: {  	v25 =	vsub.f32 $1.500000000e+00, v25;
	_ =	sdelay $0x1  }
0xc4: {  	v23 =	vmul.f32 v25, v23;
	_ =	sdelay $0x1  }
0xc5: {  	v25 =	vmul.f32 v23, v24;
	_ =	sdelay $0x1  }
0xc6: {  	v25 =	vmul.f32 v25, v23;
	_ =	sdelay $0x1  }
0xc7: {  	v25 =	vsub.f32 $1.500000000e+00, v25;
	_ =	sdelay $0x1  }
0xc8: {  	v23 =	vmul.f32 v25, v23;
	_ =	sdelay $0x1  }
0xc9: {  	v24 =	vmul.f32 v23, v24;
	_ =	sdelay $0x1  }
0xca: {  	v24 =	vmul.f32 v24, v23;
	_ =	sdelay $0x1  }
0xcb: {  	v24 =	vsub.f32 $1.500000000e+00, v24;
	_ =	sdelay $0x1  }
0xcc: {  	v23 =	vmul.f32 v24, v23;
	_ =	sdelay $0x1  }
0xcd: {  	v24 =	vmul.f32 v23, v18;
	_ =	sdelay $0x1  }
0xce: {  	v18 =	vadd.f32 $-6.000000000e+00, v24;
	_ =	sdelay $0x1  }
0xcf: {  	v18 =	vmul.f32 $-3.333333430e-01, v18;
	_ =	sdelay $0x1  }
0xd0: {  	v25 =	vmul.f32 v18, v18;
	v26 =	vmul.f32 $6.000000000e+00, v18;
	_ =	sdelay $0x1  }
0xd1: {  	v25 =	vmul.f32 v25, v18;
	v26 =	vadd.f32 $-1.500000000e+01, v26;
	_ =	sdelay $0x1  }
0xd2: {  	v18 =	vmul.f32 v26, v18  }
0xd3: {  	v22 =	vld.idx.msk [tilespmem:v22+s17+$0x0], $0xffff  }
0xd4: {  	v18 =	vadd.f32 $1.000000000e+01, v18;
	_ =	sdelay $0x1  }
0xd5: {  	v18 =	vmul.f32 v18, v25;
	_ =	sdelay $0x1  }
0xd6: {  	v25 =	vadd.f32 $1.000000000e+00, v18  }
0xd7: {  	v18 =	vsel vm2, $0x3F800000, v1;
	v22 =	vsub.s32 v22, v0  }
0xd8: {  	vm3 =	vlt.f32 v24, $6.000000000e+00;
	vm2 =	vgt.s32 v22, $0x0;
	v25 =	vmul.f32 v25, v23  }
0xd9: {  	v22 =	vnsel vm2, $0x0, v22;
	vm2 =	vlt.f32 v24, $3.000000000e+00;
	v24 =	vmul.f32 v19, v18  }
0xda: {  	v26 =	vmul.f32 v20, v18;
	v22 =	vmin.u32 v22, $0xC34;
	v25 =	vnsel vm3, $0x0, v25  }
0xdb: {  	v23 =	vsel vm2, v23, v25;
	v25 =	vmul.f32 v21, v18;
	v22 =	vmul.u32 $0x16, v22  }
0xdc: {  	v27 =	vmul.f32 v23, v4;
	v28 =	vmul.f32 v23, v7  }
0xdd: {  	v29 =	vmul.f32 v23, v5;
	v30 =	vmul.f32 v23, v6;
	v31 =	vadd.s32 $0x3, v22  }
0xde: {  	v23 =	vmul.f32 v23, v8;
	v32 =	vor.u32 $0x1, v22;
	v27 =	vadd.f32 v27, v9  }
0xdf: {  	v33 =	vadd.s32 $0x2, v22;
	v30 =	vadd.f32 v30, v11;
	v28 =	vadd.f32 v28, v12  }
0xe0: {  	v29 =	vadd.f32 v29, v10;
	v23 =	vadd.f32 v23, v13;
	v34 =	vmul.f32 v27, v25  }
0xe1: {  	v36 =	vadd.s32 $0x4, v22;
	v37 =	vadd.s32 $0x8, v22;
	v35 =	vmul.f32 v27, v26  }
0xe2: {  	v37 =	vand.u32 $0x3FFF8, v37;
	v27 =	vmul.f32 v27, v24;
	[tilespmem:v22+s18+$0x0] =	vst.idx.add.f32.msk $0xffff, v34;
	v34 =	vadd.s32 $0x5, v22  }
0xe3: {  	v38 =	vmul.f32 v29, v25;
	[tilespmem:v32+s18+$0x0] =	vst.idx.add.f32.msk $0xffff, v35;
	v32 =	vadd.s32 $0x6, v22;
	v35 =	vadd.s32 $0x10, v22  }
0xe4: {  	v39 =	vmul.f32 v29, v26;
	[tilespmem:v33+s18+$0x0] =	vst.idx.add.f32.msk $0xffff, v27;
	v27 =	vadd.s32 $0x7, v22;
	v33 =	vand.u32 $0x6, v22  }
0xe5: {  	v29 =	vmul.f32 v29, v24;
	[tilespmem:v31+s18+$0x0] =	vst.idx.add.f32.msk $0xffff, v38;
	v31 =	vor.u32 v33, v37  }
0xe6: {  	v21 =	vmul.f32 v25, v21;
	v37 =	vmul.f32 v30, v25;
	[tilespmem:v36+s18+$0x0] =	vst.idx.add.f32.msk $0xffff, v39;
	v36 =	vadd.s32 $0x9, v22  }
0xe7: {  	v38 =	vmul.f32 v30, v26;
	v39 =	vmul.f32 v20, v25;
	[tilespmem:v34+s18+$0x0] =	vst.idx.add.f32.msk $0xffff, v29;
	v29 =	vadd.s32 $0xA, v22  }
0xe8: {  	v30 =	vmul.f32 v30, v24;
	v34 =	vmul.f32 v19, v25;
	[tilespmem:v32+s18+$0x0] =	vst.idx.add.f32.msk $0xffff, v37;
	v32 =	vadd.s32 $0xB, v22  }
0xe9: {  	v40 =	vmul.f32 v19, v26;
	v37 =	vmul.f32 v28, v25;
	[tilespmem:v27+s18+$0x0] =	vst.idx.add.f32.msk $0xffff, v38;
	v27 =	vadd.s32 $0xC, v22  }
0xea: {  	v41 =	vmul.f32 v26, v20;
	v20 =	vadd.s32 $0xD, v22;
	v38 =	vmul.f32 v28, v26;
	[tilespmem:v31+s18+$0x0] =	vst.idx.add.f32.msk $0xffff, v30  }
0xeb: {  	v19 =	vmul.f32 v24, v19;
	v28 =	vmul.f32 v28, v24;
	v30 =	vadd.s32 $0xE, v22;
	[tilespmem:v36+s18+$0x0] =	vst.idx.add.f32.msk $0xffff, v37  }
0xec: {  	v25 =	vmul.f32 v23, v25;
	v31 =	vand.u32 $0x3FFF8, v35;
	[tilespmem:v29+s18+$0x0] =	vst.idx.add.f32.msk $0xffff, v38;
	v29 =	vadd.s32 $0xF, v22  }
0xed: {  	v26 =	vmul.f32 v23, v26;
	[tilespmem:v32+s18+$0x0] =	vst.idx.add.f32.msk $0xffff, v28;
	v28 =	vor.u32 v33, v31  }
0xee: {  	v23 =	vmul.f32 v23, v24;
	v24 =	vadd.s32 $0x11, v22;
	[tilespmem:v27+s18+$0x0] =	vst.idx.add.f32.msk $0xffff, v25  }
0xef: {  	v25 =	vadd.s32 $0x12, v22;
	[tilespmem:v20+s18+$0x0] =	vst.idx.add.f32.msk $0xffff, v26  }
0xf0: {  	v20 =	vmov s26;
	[tilespmem:v30+s18+$0x0] =	vst.idx.add.f32.msk $0xffff, v23;
	v23 =	vadd.s32 $0x13, v22  }
.Ltmp2:
0xf1: {  	v26 =	vor.u32 s26, v3;
	v27 =	vand.u32 $0x7, v20;
	v20 =	vadd.s32 $0x14, v22;
	[tilespmem:v29+s18+$0x0] =	vst.idx.add.f32.msk $0xffff, v21;
	(pc) =	sbr.rel @!p3 .LBB2_13-.Ltmp2, $4  }
0xf2: {  	v29 =	vand.u32 $0x7F8, v26;
	v27 =	vor.u32 v16, v27;
	v21 =	vadd.s32 $0x15, v22;
	[tilespmem:v28+s18+$0x0] =	vst.idx.add.f32.msk $0xffff, v39  }
0xf3: {  	v26 =	vadd.s32 v17, v26;
	v22 =	vor.u32 v29, v27;
	[tilespmem:v24+s18+$0x0] =	vst.idx.add.f32.msk $0xffff, v34  }
0xf4: {  	vm2 =	vge.s32 v26, v14;
	vm3 =	vlt.s32 v26, v15;
	[tilespmem:v25+s18+$0x0] =	vst.idx.add.f32.msk $0xffff, v41  }
0xf5: {  	vm2 =	vmand vm2, vm3;
	[tilespmem:v23+s18+$0x0] =	vst.idx.add.f32.msk $0xffff, v40  }
0xf6: {  	_ =	sdelay $0x3  }
0xf7: {  	[tilespmem:v20+s18+$0x0] =	vst.idx.add.f32.msk $0xffff, v19  }
0xf8: {  	[tilespmem:v21+s18+$0x0] =	vst.idx.add.f32.msk $0xffff, v18  }
0xf9: {  	v16 =	vld.idx.msk [tilespmem:v22+s3+$0x0], $0xffff  }
0xfa: {  	v17 =	vld.idx.msk [tilespmem:v22+s15+$0x0], $0xffff;
	_ =	sdelay $0x1  }
0xfb: {  	v18 =	vld.idx.msk [tilespmem:v22+s16+$0x0], $0xffff;
	_ =	sdelay $0x2  }
0xfc: {  	v55 =	vmul.f32 v16, v16;
	v56 =	vmul.f32 v17, v17;
	_ =	sdelay $0x1  }
0xfd: {  	v57 =	vmul.f32 v18, v18;
	v19 =	vadd.f32 v56, v55;
	_ =	sdelay $0x1  }
0xfe: {  	v19 =	vadd.f32 v57, v19;
	_ =	sdelay $0x1  }
0xff: {  	v58 =	vshra.s32 v19, $0x1;
	v21 =	vmul.f32 $5.000000000e-01, v19  }
0x100: {  	v20 =	vsub.s32 $0x5F3759DF, v58  }
0x101: {  	v23 =	vmul.f32 v20, v21;
	_ =	sdelay $0x1  }
0x102: {  	v23 =	vmul.f32 v20, v23;
	_ =	sdelay $0x1  }
0x103: {  	v23 =	vsub.f32 $1.500000000e+00, v23;
	_ =	sdelay $0x1  }
0x104: {  	v20 =	vmul.f32 v20, v23;
	_ =	sdelay $0x1  }
0x105: {  	v23 =	vmul.f32 v20, v21;
	_ =	sdelay $0x1  }
0x106: {  	v23 =	vmul.f32 v23, v20;
	_ =	sdelay $0x1  }
0x107: {  	v23 =	vsub.f32 $1.500000000e+00, v23;
	_ =	sdelay $0x1  }
0x108: {  	v20 =	vmul.f32 v23, v20;
	_ =	sdelay $0x1  }
0x109: {  	v23 =	vmul.f32 v20, v21;
	_ =	sdelay $0x1  }
0x10a: {  	v23 =	vmul.f32 v23, v20;
	_ =	sdelay $0x1  }
0x10b: {  	v23 =	vsub.f32 $1.500000000e+00, v23;
	_ =	sdelay $0x1  }
0x10c: {  	v20 =	vmul.f32 v23, v20;
	_ =	sdelay $0x1  }
0x10d: {  	v21 =	vmul.f32 v20, v21;
	_ =	sdelay $0x1  }
0x10e: {  	v21 =	vmul.f32 v21, v20;
	_ =	sdelay $0x1  }
0x10f: {  	v21 =	vsub.f32 $1.500000000e+00, v21;
	_ =	sdelay $0x1  }
0x110: {  	v20 =	vmul.f32 v21, v20;
	_ =	sdelay $0x1  }
0x111: {  	v19 =	vmul.f32 v20, v19;
	_ =	sdelay $0x1  }
0x112: {  	v59 =	vadd.f32 $-6.000000000e+00, v19;
	_ =	sdelay $0x1  }
0x113: {  	v21 =	vmul.f32 $-3.333333430e-01, v59;
	_ =	sdelay $0x1  }
0x114: {  	v60 =	vmul.f32 $6.000000000e+00, v21;
	_ =	sdelay $0x1  }
0x115: {  	v23 =	vadd.f32 $-1.500000000e+01, v60;
	_ =	sdelay $0x1  }
0x116: {  	v24 =	vmul.f32 v21, v21;
	v23 =	vmul.f32 v23, v21  }
0x117: {  	v61 =	vld.idx.msk [tilespmem:v22+s17+$0x0], $0xffff  }
0x118: {  	v21 =	vmul.f32 v24, v21;
	v23 =	vadd.f32 $1.000000000e+01, v23;
	_ =	sdelay $0x1  }
0x119: {  	v21 =	vmul.f32 v23, v21;
	_ =	sdelay $0x1  }
0x11a: {  	v22 =	vsub.s32 v61, v0;
	v21 =	vadd.f32 $1.000000000e+00, v21  }
0x11b: {  	vm3 =	vgt.s32 v22, $0x0  }
0x11c: {  	v22 =	vnsel vm3, $0x0, v22;
	v21 =	vmul.f32 v21, v20  }
0x11d: {  	v22 =	vmin.u32 v22, $0xC34;
	vm4 =	vlt.f32 v19, $6.000000000e+00  }
0x11e: {  	v22 =	vmul.u32 $0x16, v22;
	vm3 =	vlt.f32 v19, $3.000000000e+00;
	v21 =	vnsel vm4, $0x0, v21  }
0x11f: {  	v20 =	vsel vm3, v20, v21  }
0x120: {  	v27 =	vor.u32 $0x1, v22;
	v62 =	vmul.f32 v20, v4  }
0x121: {  	v30 =	vadd.s32 $0x2, v22;
	v31 =	vadd.s32 $0x3, v22;
	v19 =	vsel vm2, $0x3F800000, v1  }
0x122: {  	v34 =	vadd.s32 $0x4, v22;
	v25 =	vmul.f32 v16, v19;
	v23 =	vadd.f32 v62, v9  }
0x123: {  	v35 =	vadd.s32 $0x8, v22;
	v24 =	vmul.f32 v17, v19;
	v29 =	vmul.f32 v20, v5  }
0x124: {  	v63 =	vadd.s32 $0x5, v22;
	v21 =	vmul.f32 v18, v19;
	v32 =	vmul.f32 v23, v25  }
0x125: {  	v43 =	vand.u32 $0x6, v22;
	v29 =	vadd.f32 v29, v10;
	v33 =	vmul.f32 v23, v24  }
0x126: {  	v35 =	vand.u32 $0x3FFF8, v35;
	v26 =	vmul.f32 v20, v6;
	v23 =	vmul.f32 v23, v21;
	[tilespmem:v22+s18+$0x0] =	vst.idx.add.f32.msk $0xffff, v32  }
0x127: {  	v40 =	vadd.s32 $0x6, v22;
	v44 =	vor.u32 v43, v35;
	v36 =	vmul.f32 v29, v25;
	[tilespmem:v27+s18+$0x0] =	vst.idx.add.f32.msk $0xffff, v33  }
0x128: {  	v42 =	vadd.s32 $0x7, v22;
	v26 =	vadd.f32 v26, v11;
	v41 =	vmul.f32 v29, v24;
	[tilespmem:v30+s18+$0x0] =	vst.idx.add.f32.msk $0xffff, v23  }
0x129: {  	v28 =	vmul.f32 v20, v7;
	v29 =	vmul.f32 v29, v21;
	[tilespmem:v31+s18+$0x0] =	vst.idx.add.f32.msk $0xffff, v36  }
0x12a: {  	v46 =	vadd.s32 $0x9, v22;
	v45 =	vmul.f32 v26, v25;
	[tilespmem:v34+s18+$0x0] =	vst.idx.add.f32.msk $0xffff, v41  }
0x12b: {  	v48 =	vadd.s32 $0xA, v22;
	v28 =	vadd.f32 v28, v12;
	v47 =	vmul.f32 v26, v24;
	[tilespmem:v63+s18+$0x0] =	vst.idx.add.f32.msk $0xffff, v29  }
0x12c: {  	v49 =	vadd.s32 $0xB, v22;
	v20 =	vmul.f32 v20, v8;
	v26 =	vmul.f32 v26, v21;
	[tilespmem:v40+s18+$0x0] =	vst.idx.add.f32.msk $0xffff, v45  }
0x12d: {  	v51 =	vadd.s32 $0xC, v22;
	v50 =	vmul.f32 v28, v25;
	[tilespmem:v42+s18+$0x0] =	vst.idx.add.f32.msk $0xffff, v47  }
0x12e: {  	v53 =	vadd.s32 $0xD, v22;
	v20 =	vadd.f32 v20, v13;
	v52 =	vmul.f32 v28, v24;
	[tilespmem:v44+s18+$0x0] =	vst.idx.add.f32.msk $0xffff, v26  }
0x12f: {  	v54 =	vadd.s32 $0x10, v22;
	v55 =	vadd.s32 $0xE, v22;
	v28 =	vmul.f32 v28, v21;
	[tilespmem:v46+s18+$0x0] =	vst.idx.add.f32.msk $0xffff, v50  }
0x130: {  	v57 =	vadd.s32 $0xF, v22;
	v56 =	vmul.f32 v20, v25;
	v31 =	vand.u32 $0x3FFF8, v54;
	[tilespmem:v48+s18+$0x0] =	vst.idx.add.f32.msk $0xffff, v52  }
0x131: {  	v58 =	vmul.f32 v20, v24;
	v59 =	vor.u32 v43, v31;
	[tilespmem:v49+s18+$0x0] =	vst.idx.add.f32.msk $0xffff, v28  }
0x132: {  	v60 =	vadd.s32 $0x11, v22;
	v20 =	vmul.f32 v20, v21;
	[tilespmem:v51+s18+$0x0] =	vst.idx.add.f32.msk $0xffff, v56  }
0x133: {  	v61 =	vadd.s32 $0x12, v22;
	v16 =	vmul.f32 v25, v16;
	[tilespmem:v53+s18+$0x0] =	vst.idx.add.f32.msk $0xffff, v58  }
0x134: {  	v62 =	vmul.f32 v17, v25;
	v63 =	vadd.s32 $0x13, v22;
	[tilespmem:v55+s18+$0x0] =	vst.idx.add.f32.msk $0xffff, v20  }
0x135: {  	v25 =	vmul.f32 v18, v25;
	[tilespmem:v57+s18+$0x0] =	vst.idx.add.f32.msk $0xffff, v16;
	v16 =	vadd.s32 $0x14, v22  }
0x136: {  	v17 =	vmul.f32 v24, v17;
	v22 =	vadd.s32 $0x15, v22;
	[tilespmem:v59+s18+$0x0] =	vst.idx.add.f32.msk $0xffff, v62  }
0x137: {  	v24 =	vmul.f32 v18, v24;
	[tilespmem:v60+s18+$0x0] =	vst.idx.add.f32.msk $0xffff, v25  }
0x138: {  	v18 =	vmul.f32 v21, v18;
	[tilespmem:v61+s18+$0x0] =	vst.idx.add.f32.msk $0xffff, v17  }
0x139: {  	[tilespmem:v63+s18+$0x0] =	vst.idx.add.f32.msk $0xffff, v24  }
0x13a: {  	[tilespmem:v16+s18+$0x0] =	vst.idx.add.f32.msk $0xffff, v18  }
0x13b: {  	[tilespmem:v22+s18+$0x0] =	vst.idx.add.f32.msk $0xffff, v19  }
0x13c: {  	p3 =	seq.s32 s24, s22  }
.Ltmp3:
0x13d: {  	_ = 	snop;
	(pc) =	sbr.rel @!p3 .LBB2_12-.Ltmp3, $1  }
0x13e: {  	_ =	sdelay $0x3  }
.LBB2_4:
0x13f: {  	s21 =	simm.s32 $0x0;
	s22 =	simm.s32 $0x0  }
.LBB2_5:
0x140: {  	s23 =	smul.u32 $0x271, s22;
	s24 =	simm.s32 $0x0  }
.LBB2_6:
0x141: {  	s0 =	sadd.s32 s24, s21  }
0x142: {  	v4 =	vadd.s32 s0, v2  }
0x143: {  	vm2 =	vlt.s32 v4, $0xC34  }
0x144: {  	v4 =	vnsel vm2, $0xC34, v4  }
0x145: {  	v4 =	vmul.u32 $0x16, v4;
	_ =	sdelay $0x1  }
0x146: {  	v5 =	vadd.s32 $0x15, v4;
	_ =	sdelay $0x1  }
0x147: {  	v6 =	vor.u32 $0x1, v4  }
0x148: {  	v7 =	vadd.s32 $0x2, v4  }
0x149: {  	v8 =	vadd.s32 $0x3, v4  }
0x14a: {  	v9 =	vadd.s32 $0x4, v4;
	v5 =	vld.idx.msk [tilespmem:v5+s18+$0x0], $0xffff  }
0x14b: {  	v12 =	vadd.s32 $0x6, v4;
	v10 =	vld.idx.msk [tilespmem:v4+s18+$0x0], $0xffff  }
0x14c: {  	v14 =	vadd.s32 $0x7, v4;
	v6 =	vld.idx.msk [tilespmem:v6+s18+$0x0], $0xffff  }
0x14d: {  	v16 =	vadd.s32 $0x9, v4;
	v7 =	vld.idx.msk [tilespmem:v7+s18+$0x0], $0xffff  }
0x14e: {  	v17 =	vadd.s32 $0xB, v4;
	v8 =	vld.idx.msk [tilespmem:v8+s18+$0x0], $0xffff  }
0x14f: {  	v18 =	vadd.s32 $0xC, v4;
	v9 =	vld.idx.msk [tilespmem:v9+s18+$0x0], $0xffff;
	v5 =	vmax.f32 v5, $1.000000000e+00  }
0x150: {  	v19 =	vadd.s32 $0xD, v4;
	v12 =	vld.idx.msk [tilespmem:v12+s18+$0x0], $0xffff;
	(erf) = vrcp.f32 v5  }
0x151: {  	v20 =	vadd.s32 $0xE, v4;
	v14 =	vld.idx.msk [tilespmem:v14+s18+$0x0], $0xffff  }
0x152: {  	v11 =	vadd.s32 $0x5, v4;
	v13 =	vadd.s32 $0x8, v4;
	v16 =	vld.idx.msk [tilespmem:v16+s18+$0x0], $0xffff  }
0x153: {  	v15 =	vand.u32 $0x6, v4;
	v22 =	vadd.s32 $0xF, v4;
	v13 =	vand.u32 $0x3FFF8, v13;
	v23 =	vld.idx.msk [tilespmem:v17+s18+$0x0], $0xffff  }
0x154: {  	v13 =	vor.u32 v15, v13;
	v24 =	vld.idx.msk [tilespmem:v18+s18+$0x0], $0xffff  }
0x155: {  	v36 =	vadd.s32 $0xA, v4;
	v25 =	vld.idx.msk [tilespmem:v19+s18+$0x0], $0xffff  }
0x156: {  	v21 =	vadd.s32 $0x10, v4;
	v37 =	vadd.s32 $0x11, v4;
	v27 =	vld.idx.msk [tilespmem:v20+s18+$0x0], $0xffff  }
0x157: {  	v28 =	vadd.s32 $0x12, v4;
	v21 =	vand.u32 $0x3FFF8, v21;
	v5 =	vld.idx.msk [tilespmem:v11+s18+$0x0], $0xffff  }
0x158: {  	v15 =	vor.u32 v15, v21;
	v38 =	vld.idx.msk [tilespmem:v22+s18+$0x0], $0xffff  }
0x159: {  	v39 =	vadd.s32 $0x13, v4;
	v13 =	vld.idx.msk [tilespmem:v13+s18+$0x0], $0xffff;
	v26 =	vpop (erf)  }
0x15a: {  	v4 =	vadd.s32 $0x14, v4;
	v11 =	vld.idx.msk [tilespmem:v36+s18+$0x0], $0xffff;
	v29 =	vmul.f32 v26, v10;
	v30 =	vmul.f32 v26, v6  }
0x15b: {  	v41 =	vld.idx.msk [tilespmem:v37+s18+$0x0], $0xffff;
	v31 =	vmul.f32 v26, v7;
	v21 =	vmul.f32 v26, v8  }
0x15c: {  	v42 =	vld.idx.msk [tilespmem:v28+s18+$0x0], $0xffff;
	v22 =	vmul.f32 v26, v9;
	v20 =	vmul.f32 v26, v5  }
0x15d: {  	v40 =	vld.idx.msk [tilespmem:v15+s18+$0x0], $0xffff;
	v18 =	vmul.f32 v26, v12;
	v19 =	vmul.f32 v26, v14  }
0x15e: {  	v43 =	vld.idx.msk [tilespmem:v39+s18+$0x0], $0xffff;
	v17 =	vmul.f32 v26, v13;
	v16 =	vmul.f32 v26, v16  }
0x15f: {  	v4 =	vld.idx.msk [tilespmem:v4+s18+$0x0], $0xffff;
	v14 =	vmul.f32 v26, v11;
	v15 =	vmul.f32 v26, v23  }
0x160: {  	v12 =	vmul.f32 v26, v24;
	v13 =	vmul.f32 v26, v25  }
0x161: {  	v11 =	vmul.f32 v26, v27;
	v10 =	vmul.f32 v26, v38  }
0x162: {  	v5 =	vmul.f32 v26, v40;
	v6 =	vmul.f32 v26, v41  }
0x163: {  	v9 =	vmul.f32 v26, v42;
	v8 =	vmul.f32 v26, v43  }
0x164: {  	v4 =	vmul.f32 v26, v4;
	v45 =	vmul.f32 v29, v29  }
0x165: {  	v46 =	vmul.f32 v30, v30;
	v47 =	vmul.f32 v31, v31  }
0x166: {  	v44 =	vor.u32 s24, v2;
	v48 =	vmul.f32 v21, v29;
	v49 =	vmul.f32 v22, v30  }
0x167: {  	vm2 =	vlt.u32 v44, $0x271;
	v52 =	vmul.f32 v20, v31;
	v54 =	vmul.f32 v18, v29  }
0x168: {  	v7 =	vshll.u32 v44, $0x6;
	v55 =	vmul.f32 v19, v30;
	v32 =	vmul.f32 v17, v31  }
0x169: {  	v53 =	vor.u32 $0x1, v7;
	v57 =	vmul.f32 v16, v29;
	v33 =	vmul.f32 v14, v30  }
0x16a: {  	v56 =	vor.u32 $0x8, v7;
	v34 =	vmul.f32 v12, v29;
	v35 =	vmul.f32 v13, v30  }
0x16b: {  	v58 =	vor.u32 $0x2, v7;
	v59 =	vmul.f32 v15, v31;
	v62 =	vmul.f32 v11, v31  }
0x16c: {  	v60 =	vor.u32 $0x10, v7;
	v43 =	vmul.f32 v10, v29;
	v44 =	vmul.f32 v5, v30  }
0x16d: {  	v36 =	vmul.f32 v6, v31;
	v37 =	vmul.f32 v9, v30;
	v24 =	vadd.f32 v46, v45  }
0x16e: {  	v38 =	vmul.f32 v19, v22;
	v51 =	vadd.f32 v49, v48;
	v27 =	vadd.f32 v55, v54  }
0x16f: {  	v39 =	vmul.f32 v16, v21;
	v28 =	vadd.f32 v33, v57;
	v61 =	vadd.f32 v35, v34  }
0x170: {  	v33 =	vadd.f32 v44, v43;
	v49 =	vmul.f32 v6, v29;
	v50 =	vadd.f32 v24, v47  }
0x171: {  	v55 =	vmul.f32 v4, v31;
	v24 =	vadd.f32 v51, v52;
	v27 =	vadd.f32 v27, v32  }
0x172: {  	v63 =	vadd.f32 v28, v59;
	v42 =	vadd.f32 v61, v62;
	v47 =	vmul.f32 v5, v29  }
0x173: {  	v40 =	vor.u32 $0x3, v7;
	v62 =	vmul.f32 v22, v22;
	v32 =	vmul.f32 v14, v14;
	[tilespmem:v7+s19+$0x0] =	vst.idx.msk vm2, v50  }
0x174: {  	v50 =	vmul.f32 v8, v30;
	v52 =	vadd.f32 v37, v47;
	v37 =	vmul.f32 v18, v21  }
0x175: {  	v41 =	vor.u32 $0x18, v7;
	v47 =	vmul.f32 v13, v22;
	[tilespmem:v53+s19+$0x0] =	vst.idx.msk vm2, v24;
	v53 =	vmul.f32 v8, v31  }
0x176: {  	v45 =	vor.u32 $0x4, v7;
	v31 =	vmul.f32 v16, v16;
	[tilespmem:v56+s19+$0x0] =	vst.idx.msk vm2, v24;
	v54 =	vadd.f32 v50, v49  }
0x177: {  	v56 =	vadd.f32 v33, v36;
	v25 =	vadd.f32 v38, v37;
	v37 =	vmul.f32 v18, v18  }
0x178: {  	v46 =	vor.u32 $0x20, v7;
	v38 =	vmul.f32 v19, v19;
	[tilespmem:v58+s19+$0x0] =	vst.idx.msk vm2, v27;
	v57 =	vadd.f32 v52, v53  }
0x179: {  	v48 =	vor.u32 $0x5, v7;
	v53 =	vmul.f32 v10, v21;
	[tilespmem:v60+s19+$0x0] =	vst.idx.msk vm2, v27;
	v24 =	vadd.f32 v54, v55  }
0x17a: {  	v43 =	vor.u32 $0xA, v7;
	v60 =	vmul.f32 v21, v21;
	v54 =	vmul.f32 v5, v22;
	[tilespmem:v40+s19+$0x0] =	vst.idx.msk vm2, v63  }
0x17b: {  	v51 =	vor.u32 $0x28, v7;
	v40 =	vmul.f32 v14, v22;
	[tilespmem:v41+s19+$0x0] =	vst.idx.msk vm2, v63;
	v63 =	vmul.f32 v20, v20  }
0x17c: {  	v27 =	vadd.f32 v62, v60;
	v29 =	vadd.f32 v54, v53;
	v53 =	vmul.f32 v11, v17  }
0x17d: {  	v59 =	vor.u32 $0x30, v7;
	[tilespmem:v45+s19+$0x0] =	vst.idx.msk vm2, v42;
	v44 =	vadd.f32 v40, v39;
	v45 =	vmul.f32 v15, v20  }
0x17e: {  	v58 =	vor.u32 $0x6, v7;
	v40 =	vmul.f32 v16, v18;
	[tilespmem:v46+s19+$0x0] =	vst.idx.msk vm2, v42;
	v42 =	vmul.f32 v17, v20  }
0x17f: {  	v27 =	vadd.f32 v27, v63;
	v46 =	vmul.f32 v12, v21;
	v63 =	vmul.f32 v8, v20  }
0x180: {  	v61 =	vor.u32 $0x7, v7;
	[tilespmem:v48+s19+$0x0] =	vst.idx.msk vm2, v56;
	v30 =	vadd.f32 v44, v45;
	v44 =	vmul.f32 v15, v17  }
0x181: {  	v36 =	vor.u32 $0x38, v7;
	[tilespmem:v51+s19+$0x0] =	vst.idx.msk vm2, v56;
	v25 =	vadd.f32 v25, v42;
	v51 =	vmul.f32 v11, v20  }
0x182: {  	v50 =	vadd.f32 v47, v46;
	v56 =	vmul.f32 v6, v20;
	v20 =	vmul.f32 v4, v20  }
0x183: {  	v41 =	vor.u32 $0x9, v7;
	v42 =	vmul.f32 v17, v17;
	v47 =	vmul.f32 v12, v18;
	[tilespmem:v58+s19+$0x0] =	vst.idx.msk vm2, v57  }
0x184: {  	v49 =	vor.u32 $0xB, v7;
	v58 =	vmul.f32 v9, v22;
	v22 =	vmul.f32 v8, v22;
	[tilespmem:v59+s19+$0x0] =	vst.idx.msk vm2, v57  }
0x185: {  	v52 =	vor.u32 $0x19, v7;
	v57 =	vmul.f32 v5, v21;
	v21 =	vmul.f32 v6, v21;
	[tilespmem:v61+s19+$0x0] =	vst.idx.msk vm2, v24  }
0x186: {  	v48 =	vor.u32 $0x11, v7;
	v33 =	vadd.f32 v29, v56;
	[tilespmem:v36+s19+$0x0] =	vst.idx.msk vm2, v24;
	v24 =	vadd.f32 v50, v51  }
0x187: {  	v56 =	vmul.f32 v5, v19;
	v61 =	vadd.f32 v58, v57;
	v21 =	vadd.f32 v22, v21  }
0x188: {  	v55 =	vor.u32 $0xC, v7;
	v58 =	vmul.f32 v6, v17;
	[tilespmem:v41+s19+$0x0] =	vst.idx.msk vm2, v27;
	v41 =	vmul.f32 v14, v19  }
0x189: {  	v59 =	vor.u32 $0x21, v7;
	[tilespmem:v43+s19+$0x0] =	vst.idx.msk vm2, v25;
	v22 =	vadd.f32 v61, v63;
	v61 =	vmul.f32 v9, v19  }
0x18a: {  	v20 =	vadd.f32 v21, v20;
	v63 =	vmul.f32 v8, v17;
	v17 =	vmul.f32 v4, v17  }
0x18b: {  	v60 =	vor.u32 $0xD, v7;
	[tilespmem:v48+s19+$0x0] =	vst.idx.msk vm2, v25;
	v28 =	vadd.f32 v41, v40;
	v48 =	vmul.f32 v13, v19  }
0x18c: {  	v62 =	vor.u32 $0x29, v7;
	v19 =	vmul.f32 v8, v19;
	v40 =	vmul.f32 v5, v14;
	[tilespmem:v49+s19+$0x0] =	vst.idx.msk vm2, v30  }
0x18d: {  	v34 =	vor.u32 $0xE, v7;
	[tilespmem:v52+s19+$0x0] =	vst.idx.msk vm2, v30;
	v50 =	vadd.f32 v28, v44;
	v52 =	vadd.f32 v48, v47  }
0x18e: {  	v35 =	vor.u32 $0x31, v7;
	v47 =	vmul.f32 v9, v14;
	[tilespmem:v55+s19+$0x0] =	vst.idx.msk vm2, v24;
	v55 =	vmul.f32 v10, v18  }
0x18f: {  	v36 =	vor.u32 $0xF, v7;
	[tilespmem:v59+s19+$0x0] =	vst.idx.msk vm2, v24;
	v24 =	vadd.f32 v38, v37;
	v37 =	vmul.f32 v12, v16  }
0x190: {  	v39 =	vor.u32 $0x39, v7;
	v38 =	vmul.f32 v13, v14;
	v14 =	vmul.f32 v8, v14;
	[tilespmem:v60+s19+$0x0] =	vst.idx.msk vm2, v33  }
0x191: {  	v43 =	vor.u32 $0x12, v7;
	v21 =	vadd.f32 v56, v55;
	v60 =	vmul.f32 v5, v18;
	[tilespmem:v62+s19+$0x0] =	vst.idx.msk vm2, v33  }
0x192: {  	v45 =	vor.u32 $0x13, v7;
	v18 =	vmul.f32 v6, v18;
	v55 =	vmul.f32 v12, v12;
	[tilespmem:v34+s19+$0x0] =	vst.idx.msk vm2, v22  }
0x193: {  	v46 =	vor.u32 $0x1A, v7;
	v56 =	vmul.f32 v13, v13;
	v49 =	vadd.f32 v24, v42;
	[tilespmem:v35+s19+$0x0] =	vst.idx.msk vm2, v22  }
0x194: {  	v51 =	vor.u32 $0x14, v7;
	v41 =	vadd.f32 v38, v37;
	v42 =	vmul.f32 v11, v15;
	[tilespmem:v36+s19+$0x0] =	vst.idx.msk vm2, v20  }
0x195: {  	v54 =	vor.u32 $0x22, v7;
	v62 =	vadd.f32 v21, v58;
	v25 =	vadd.f32 v61, v60;
	[tilespmem:v39+s19+$0x0] =	vst.idx.msk vm2, v20  }
0x196: {  	v57 =	vor.u32 $0x15, v7;
	v18 =	vadd.f32 v19, v18;
	v34 =	vadd.f32 v32, v31;
	[tilespmem:v43+s19+$0x0] =	vst.idx.msk vm2, v49  }
0x197: {  	v59 =	vor.u32 $0x2A, v7;
	v58 =	vmul.f32 v5, v13;
	v20 =	vadd.f32 v52, v53;
	[tilespmem:v45+s19+$0x0] =	vst.idx.msk vm2, v50  }
0x198: {  	v28 =	vor.u32 $0x16, v7;
	v60 =	vmul.f32 v11, v11;
	v61 =	vmul.f32 v6, v11;
	[tilespmem:v46+s19+$0x0] =	vst.idx.msk vm2, v50  }
0x199: {  	v29 =	vor.u32 $0x32, v7;
	v31 =	vmul.f32 v9, v13;
	v32 =	vmul.f32 v8, v11;
	[tilespmem:v51+s19+$0x0] =	vst.idx.msk vm2, v20  }
0x19a: {  	v30 =	vor.u32 $0x17, v7;
	v13 =	vmul.f32 v8, v13;
	v11 =	vmul.f32 v4, v11;
	[tilespmem:v54+s19+$0x0] =	vst.idx.msk vm2, v20  }
0x19b: {  	v33 =	vor.u32 $0x3A, v7;
	v35 =	vmul.f32 v15, v15;
	v21 =	vadd.f32 v25, v63;
	[tilespmem:v57+s19+$0x0] =	vst.idx.msk vm2, v62  }
0x19c: {  	v19 =	vadd.f32 v41, v42;
	v17 =	vadd.f32 v18, v17;
	v36 =	vor.u32 $0x1B, v7;
	[tilespmem:v59+s19+$0x0] =	vst.idx.msk vm2, v62  }
0x19d: {  	v18 =	vadd.f32 v34, v35;
	v39 =	vmul.f32 v10, v16;
	v43 =	vor.u32 $0x1C, v7;
	[tilespmem:v28+s19+$0x0] =	vst.idx.msk vm2, v21  }
0x19e: {  	v44 =	vor.u32 $0x23, v7;
	v52 =	vmul.f32 v8, v15;
	v34 =	vmul.f32 v10, v10;
	[tilespmem:v29+s19+$0x0] =	vst.idx.msk vm2, v21  }
0x19f: {  	v35 =	vmul.f32 v5, v5;
	v49 =	vor.u32 $0x1D, v7;
	v45 =	vmul.f32 v6, v15;
	[tilespmem:v30+s19+$0x0] =	vst.idx.msk vm2, v17  }
0x1a0: {  	v46 =	vmul.f32 v5, v16;
	v50 =	vor.u32 $0x2B, v7;
	v20 =	vadd.f32 v40, v39;
	[tilespmem:v33+s19+$0x0] =	vst.idx.msk vm2, v17  }
0x1a1: {  	v53 =	vor.u32 $0x1E, v7;
	v15 =	vmul.f32 v4, v15;
	v16 =	vmul.f32 v6, v16;
	[tilespmem:v36+s19+$0x0] =	vst.idx.msk vm2, v18  }
0x1a2: {  	v51 =	vadd.f32 v47, v46;
	v54 =	vor.u32 $0x33, v7;
	v48 =	vadd.f32 v20, v45;
	[tilespmem:v43+s19+$0x0] =	vst.idx.msk vm2, v19  }
0x1a3: {  	v38 =	vadd.f32 v35, v34;
	v14 =	vadd.f32 v14, v16;
	v59 =	vor.u32 $0x1F, v7;
	[tilespmem:v44+s19+$0x0] =	vst.idx.msk vm2, v19  }
0x1a4: {  	v39 =	vmul.f32 v6, v6;
	v22 =	vadd.f32 v51, v52;
	v62 =	vor.u32 $0x3B, v7;
	[tilespmem:v49+s19+$0x0] =	vst.idx.msk vm2, v48  }
0x1a5: {  	v47 =	vmul.f32 v8, v5;
	v57 =	vmul.f32 v10, v12;
	v28 =	vor.u32 $0x24, v7;
	[tilespmem:v50+s19+$0x0] =	vst.idx.msk vm2, v48  }
0x1a6: {  	v14 =	vadd.f32 v14, v15;
	v30 =	vor.u32 $0x25, v7;
	v19 =	vadd.f32 v56, v55;
	[tilespmem:v53+s19+$0x0] =	vst.idx.msk vm2, v22  }
0x1a7: {  	v16 =	vadd.f32 v58, v57;
	v29 =	vmul.f32 v5, v12;
	v33 =	vor.u32 $0x2C, v7;
	[tilespmem:v54+s19+$0x0] =	vst.idx.msk vm2, v22  }
0x1a8: {  	v12 =	vmul.f32 v6, v12;
	v36 =	vor.u32 $0x26, v7;
	v63 =	vadd.f32 v19, v60;
	[tilespmem:v59+s19+$0x0] =	vst.idx.msk vm2, v14  }
0x1a9: {  	v37 =	vor.u32 $0x34, v7;
	v16 =	vadd.f32 v16, v61;
	v21 =	vadd.f32 v31, v29;
	[tilespmem:v62+s19+$0x0] =	vst.idx.msk vm2, v14  }
0x1aa: {  	v41 =	vor.u32 $0x27, v7;
	v45 =	vmul.f32 v9, v5;
	v51 =	vmul.f32 v4, v6;
	[tilespmem:v28+s19+$0x0] =	vst.idx.msk vm2, v63  }
0x1ab: {  	v42 =	vor.u32 $0x3C, v7;
	v12 =	vadd.f32 v13, v12;
	v40 =	vadd.f32 v21, v32;
	[tilespmem:v30+s19+$0x0] =	vst.idx.msk vm2, v16  }
0x1ac: {  	v57 =	vmul.f32 v8, v9;
	v43 =	vor.u32 $0x2D, v7;
	v44 =	vmul.f32 v5, v10;
	[tilespmem:v33+s19+$0x0] =	vst.idx.msk vm2, v16  }
0x1ad: {  	v46 =	vor.u32 $0x2E, v7;
	v11 =	vadd.f32 v12, v11;
	v10 =	vmul.f32 v6, v10;
	[tilespmem:v36+s19+$0x0] =	vst.idx.msk vm2, v40  }
0x1ae: {  	v49 =	vmul.f32 v8, v6;
	v48 =	vadd.f32 v45, v44;
	v50 =	vor.u32 $0x35, v7;
	[tilespmem:v37+s19+$0x0] =	vst.idx.msk vm2, v40  }
0x1af: {  	v52 =	vor.u32 $0x2F, v7;
	v13 =	vadd.f32 v38, v39;
	v55 =	vmul.f32 v9, v9;
	[tilespmem:v41+s19+$0x0] =	vst.idx.msk vm2, v11  }
0x1b0: {  	v10 =	vadd.f32 v47, v10;
	v53 =	vadd.f32 v48, v49;
	v54 =	vor.u32 $0x3D, v7;
	[tilespmem:v42+s19+$0x0] =	vst.idx.msk vm2, v11  }
0x1b1: {  	v56 =	vor.u32 $0x36, v7;
	v5 =	vmul.f32 v6, v5;
	v58 =	vadd.f32 v55, v35;
	[tilespmem:v43+s19+$0x0] =	vst.idx.msk vm2, v13  }
0x1b2: {  	v60 =	vor.u32 $0x37, v7;
	v10 =	vadd.f32 v10, v51;
	v59 =	vmul.f32 v8, v8;
	[tilespmem:v46+s19+$0x0] =	vst.idx.msk vm2, v53  }
0x1b3: {  	v61 =	vmul.f32 v4, v8;
	v5 =	vadd.f32 v57, v5;
	v62 =	vor.u32 $0x3E, v7;
	[tilespmem:v50+s19+$0x0] =	vst.idx.msk vm2, v53  }
0x1b4: {  	p3 =	sne.s32 s24, $0x270;
	v4 =	vmul.f32 v4, v4;
	v7 =	vor.u32 $0x3F, v7;
	v9 =	vadd.f32 v58, v59;
	[tilespmem:v52+s19+$0x0] =	vst.idx.msk vm2, v10  }
.Ltmp4:
0x1b5: {  	v5 =	vadd.f32 v5, v61;
	v63 =	vadd.f32 v59, v39;
	[tilespmem:v54+s19+$0x0] =	vst.idx.msk vm2, v10;
	(pc) =	sbr.rel @p3 .LBB2_6-.Ltmp4, $4  }
0x1b6: {  	[tilespmem:v56+s19+$0x0] =	vst.idx.msk vm2, v9  }
0x1b7: {  	v4 =	vadd.f32 v63, v4;
	[tilespmem:v60+s19+$0x0] =	vst.idx.msk vm2, v5  }
0x1b8: {  	[tilespmem:v62+s19+$0x0] =	vst.idx.msk vm2, v5  }
0x1b9: {  	s24 =	sadd.s32 $0x10, s24;
	[tilespmem:v7+s19+$0x0] =	vst.idx.msk vm2, v4  }
0x1ba: {  	s0 =	sadd.s32 s10, s23;
	s22 =	sadd.s32 $0x1, s22  }
0x1bb: {  	s0 =	sshll.u32 s0, $0x3;
	p3 =	sne.s32 s22, $0x5  }
.Ltmp5:
0x1bc: {  	s0 =	sadd.s32 s2, s0;
	(pc) =	sbr.rel @p3 .LBB2_5-.Ltmp5, $4  }
0x1bd: {  	[hbm4b:s0+s3] =	stream.linear.scatter [tilespmem:s19], [sflag:$0x3], $0x9C40, $0x38;
	[tilespmem:$0x1EA00] =	vst v63  }
0x1be: {  	_ =	swait.ge [sflag:s13], $0x9C40  }
0x1bf: {  	[sflag:s13] =	ssyncset.done $0x0  }
0x1c0: {  	s21 =	sadd.s32 $0x271, s21;
	[sflag:s13] =	ssyncadd.s32 $0xFFFF63C0  }
0x1c1: {  	s20 =	sadd.s32 $0x1, s20  }
0x1c2: {  	p3 =	sne.s32 s20, s11  }
.Ltmp6:
0x1c3: {  	_ = 	snop;
	(pc) =	sbr.rel @p3 .LBB2_1-.Ltmp6, $1  }
0x1c4: {  	_ =	sdelay $0x3  }
0x1c5: {  	_ =	sfence.sel $0x180000  }
0x1c6: {  	[bflag:$0x0] =	sbarrier.arrive $0xFFFF  }
0x1c7: {  	_ =	strace $0x90000047  }
0x1c8: {  	[bflag:$0x2] =	sbarrier.arrive $0xFFFF  }
0x1c9: {  	p0 =	sne.s32 s4, $0x0;
	s0 =	rddreg [dreg:$0x3]  }
0x1ca: {  	s0 =	sadd.s32 @!p0 $0x100000, s0  }
0x1cb: {  	[sflag:s0] =	ssyncadd.tile.s32 @!p0 $0x1;
	_ =	shalt  }
.Lfunc_end2:
_tile_overlayer_lowered:
.L_overlay_start_2:
0x1cc: {  	(tag) =	ssettag $0x2  }
0x1cd: {  	s0 =	rddreg [dreg:$0x0];
	s2 =	stileid.u32  }
0x1ce: {  	s1 =	rddreg [dreg:$0x1];
	p0 =	sne.s32 s2, $0x0  }
0x1cf: {  	s3 =	rddreg [dreg:$0x2];
	[bflag:$0x3] =	sbarrier.arrive $0xFFFF;
	s2 =	simm.s32 @!p0 $0x1C03  }
0x1d0: {  	[timem:s3], [sflag:s2] =	dma.local @!p0 [hbm:s0], s1  }
0x1d1: {  	s0 =	simm.s32 @!p0 $0x3  }
0x1d2: {  	_ =	swait.ge @!p0 [sflag:s0], s1  }
0x1d3: {  	s1 =	ssub.s32 @!p0 $0x0, s1;
	[sflag:s0] =	ssyncset.done @!p0 $0x0  }
0x1d4: {  	[sflag:s0] =	ssyncadd.s32 @!p0 s1  }
0x1d5: {  	[bflag:$0x3] =	sbarrier.arrive $0xFFFF  }
0x1d6: {  	_ =	shalt  }

// kernel: kernel.7.cloned.1.call-start
scs
__scs_entry_jumppad:
0x0: {  	(pc) =	sbr.rel $0x88, $3  }
0x1: {  	(tag) =	ssettag $0x0;
	lr =	simm.s32 $0x1  }
0x2: {  	[smem:$0x3F9C] =	sst lr;
	_ =	strace $0xD0000000  }
0x3: {  	_ = 	snop  }
0x4: {  	_ = 	snop  }
0x5: {  	_ = 	snop  }
0x6: {  	_ = 	snop  }
0x7: {  	_ = 	snop  }
__scs_overlays_trampoline_lowered:
0x8: {  	[smem:$0x3FAB] =	sst s0  }
0x9: {  	[smem:$0x3FAC] =	sst s1  }
0xa: {  	[smem:$0x3FAD] =	sst s2  }
0xb: {  	[smem:$0x3FAE] =	sst s3  }
0xc: {  	[smem:$0x3FAF] =	sst s4  }
0xd: {  	[smem:$0x3FB0] =	sst s5  }
0xe: {  	[smem:$0x3FB1] =	sst s6  }
0xf: {  	[smem:$0x3FB2] =	sst s7  }
0x10: {  	[smem:$0x3FB3] =	sst s8  }
0x11: {  	[smem:$0x3FB4] =	sst s9;
	s0 =	simm.s32 @!p0 $0x0  }
0x12: {  	s1 =	sld [smem:$0x3F9A];
	s0 =	simm.s32 @p0 $0x1  }
0x13: {  	[smem:$0x3FB5] =	sst s0;
	s0 =	simm.s32 @!p1 $0x0  }
0x14: {  	s2 =	sld [smem:$0x3F99];
	s0 =	simm.s32 @p1 $0x1  }
0x15: {  	[smem:$0x3FB6] =	sst s0;
	s0 =	simm.s32 @!p2 $0x0  }
0x16: {  	s3 =	sld [smem:$0x3FDB];
	s0 =	simm.s32 @p2 $0x1  }
0x17: {  	s4 =	simm.s32 $0x1BF5;
	[smem:$0x3FB8] =	sst s0  }
0x18: {  	s0 =	sld [smem:$0x3F9B];
	_ =	swait.ge [sflag:s4], $0x0  }
0x19: {  	s7 =	sld [smem:$0x3F9C]  }
0x1a: {  	s8 =	sadd.s32 $0xFFFFE003, lr  }
0x1b: {  	s9 =	sadd.s32 $0xFFFFFEF7, lr;
	s5 =	simm.s32 $0xFFFFFFFF;
	p2 =	slt.u32 s8, $0xFFFFF086  }
0x1c: {  	p1 =	slt.u32 s9, $0xF7A;
	s5 =	simm.s32 @!p2 $0x0  }
0x1d: {  	s5 =	simm.s32 @p1 $0x1;
	p0 =	seq.s32 s7, s2  }
0x1e: {  	s7 =	smul.u32 @!p0 $0xF7A, s2;
	p2 =	seq.s32 @!p0 s5, $0x0  }
0x1f: {  	s9 =	smul.u32 $0xF7A, s1;
	s8 =	simm.s32 @!p0 $0x1BF5;
	p2 =	por !p2, p0  }
0x20: {  	[sflag:s8] =	ssyncset.s32 @!p0 $0xFFFFF086;
	s6 =	sadd.s32 @!p0 s3, s7;
	s7 =	simm.s32 @!p0 $0x108  }
0x21: {  	s3 =	sadd.s32 s3, s9;
	s6 =	sadd.s32 @!p0 $0x88, s6;
	s7 =	simm.s32 @p2 $0x1082  }
0x22: {  	[simem:s7], [sflag:s8] =	dma.local @!p0 [hbm:s6], $0xF7A  }
0x23: {  	s9 =	sor.u32 $0xD0000000, s2;
	s6 =	simm.s32 $0x108;
	_ =	swait.ge @!p0 [sflag:s8], $0x0  }
0x24: {  	s3 =	sadd.s32 $0x88, s3;
	s6 =	simm.s32 @!p1 $0x1082;
	[sflag:s4] =	ssyncset.s32 $0xFFFFF086  }
0x25: {  	[simem:s6], [sflag:s4] =	dma.local [hbm:s3], $0xF7A  }
0x26: {  	[smem:$0x3F9C] =	sst s1;
	(tag) =	ssettag s2;
	_ =	strace s9  }
0x27: {  	s1 =	sld [smem:$0x3FAC]  }
0x28: {  	s2 =	sld [smem:$0x3FAD]  }
0x29: {  	s4 =	sld [smem:$0x3FAF]  }
0x2a: {  	p0 =	seq.s32 s5, $0x0;
	s5 =	sld [smem:$0x3FB0]  }
0x2b: {  	s6 =	sld [smem:$0x3FB1]  }
0x2c: {  	s7 =	sld [smem:$0x3FB2]  }
0x2d: {  	s3 =	simm.s32 $0x108;
	s8 =	sld [smem:$0x3FB3]  }
0x2e: {  	s3 =	simm.s32 @!p0 $0x1082;
	s9 =	sld [smem:$0x3FB4]  }
0x2f: {  	lr =	sadd.s32 s0, s3;
	s0 =	sld [smem:$0x3FAB]  }
0x30: {  	s3 =	sld [smem:$0x3FAE]  }
0x31: {  	[smem:$0x3FB7] =	sst s10  }
0x32: {  	s10 =	sld [smem:$0x3FB5];
	_ =	sdelay $0x3  }
0x33: {  	p0 =	seq.s32 s10, $0x1;
	s10 =	sld [smem:$0x3FB7];
	_ =	sdelay $0x3  }
0x34: {  	[smem:$0x3FB7] =	sst s10  }
0x35: {  	s10 =	sld [smem:$0x3FB6];
	_ =	sdelay $0x3  }
0x36: {  	p1 =	seq.s32 s10, $0x1;
	s10 =	sld [smem:$0x3FB7];
	_ =	sdelay $0x3  }
0x37: {  	[smem:$0x3FB7] =	sst s10  }
0x38: {  	s10 =	sld [smem:$0x3FB8]  }
0x39: {  	_ = 	snop;
	(pc) =	sbr.ind lr, $3  }
0x3a: {  	_ = 	snop  }
0x3b: {  	_ = 	snop  }
0x3c: {  	p2 =	seq.s32 s10, $0x1;
	s10 =	sld [smem:$0x3FB7]  }
0x3d: {  	_ =	shalt  }
0x3e: {  	_ =	shalt  }
0x3f: {  	_ =	shalt  }
0x40: {  	_ =	shalt  }
0x41: {  	_ =	shalt  }
0x42: {  	_ =	shalt  }
0x43: {  	_ =	shalt  }
0x44: {  	_ =	shalt  }
0x45: {  	_ =	shalt  }
0x46: {  	_ =	shalt  }
0x47: {  	_ =	shalt  }
0x48: {  	_ =	shalt  }
0x49: {  	_ =	shalt  }
0x4a: {  	_ =	shalt  }
0x4b: {  	_ =	shalt  }
0x4c: {  	_ =	shalt  }
0x4d: {  	_ =	shalt  }
0x4e: {  	_ =	shalt  }
0x4f: {  	_ =	shalt  }
0x50: {  	_ =	shalt  }
0x51: {  	_ =	shalt  }
0x52: {  	_ =	shalt  }
0x53: {  	_ =	shalt  }
0x54: {  	_ =	shalt  }
0x55: {  	_ =	shalt  }
0x56: {  	_ =	shalt  }
0x57: {  	_ =	shalt  }
0x58: {  	_ =	shalt  }
0x59: {  	_ =	shalt  }
0x5a: {  	_ =	shalt  }
0x5b: {  	_ =	shalt  }
0x5c: {  	_ =	shalt  }
0x5d: {  	_ =	shalt  }
0x5e: {  	_ =	shalt  }
0x5f: {  	_ =	shalt  }
0x60: {  	_ =	shalt  }
0x61: {  	_ =	shalt  }
0x62: {  	_ =	shalt  }
0x63: {  	_ =	shalt  }
0x64: {  	_ =	shalt  }
0x65: {  	_ =	shalt  }
0x66: {  	_ =	shalt  }
0x67: {  	_ =	shalt  }
0x68: {  	_ =	shalt  }
0x69: {  	_ =	shalt  }
0x6a: {  	_ =	shalt  }
0x6b: {  	_ =	shalt  }
0x6c: {  	_ =	shalt  }
0x6d: {  	_ =	shalt  }
0x6e: {  	_ =	shalt  }
0x6f: {  	_ =	shalt  }
0x70: {  	_ =	shalt  }
0x71: {  	_ =	shalt  }
0x72: {  	_ =	shalt  }
0x73: {  	_ =	shalt  }
0x74: {  	_ =	shalt  }
0x75: {  	_ =	shalt  }
0x76: {  	_ =	shalt  }
0x77: {  	_ =	shalt  }
0x78: {  	_ =	shalt  }
0x79: {  	_ =	shalt  }
0x7a: {  	_ =	shalt  }
0x7b: {  	_ =	shalt  }
0x7c: {  	_ =	shalt  }
0x7d: {  	_ =	shalt  }
0x7e: {  	_ =	shalt  }
0x7f: {  	_ =	shalt  }
0x80: {  	_ =	shalt  }
0x81: {  	_ =	shalt  }
0x82: {  	_ =	shalt  }
0x83: {  	_ =	shalt  }
0x84: {  	_ =	shalt  }
0x85: {  	_ =	shalt  }
0x86: {  	_ =	shalt  }
0x87: {  	_ =	shalt  }
.Lfunc_end0:
.L_simem_size_0:
called_computation.1_lowered:
.L_overlay_start_0:
0x88: {  	s2 =	sld [smem:$0x3FD9]  }
0x89: {  	s3 =	sld [smem:$0x3FFE];
	_ =	sdelay $0x1  }
0x8a: {  	s1 =	srdreg.scid  }
0x8b: {  	s0 =	sand.u32 $0x1, s1  }
0x8c: {  	s16 =	sshll.u32 s0, $0xA;
	s2 =	sadd.s32 s3, s2  }
0x8d: {  	s2 =	sadd.s32 s2, s16  }
0x8e: {  	[smem:$0x3FC3] =	sst s2  }
0x8f: {  	_ = 	snop  }
0x90: {  	(tm) =	ssettm $0x1  }
0x91: {  	s17 =	sld [smem:$0x3FFB];
	_ =	sdelay $0x3  }
0x92: {  	_ =	strace s17  }
0x93: {  	s2 =	sld [smem:$0x3FFC];
	_ =	sdelay $0x3  }
0x94: {  	_ =	strace s2  }
0x95: {  	s2 =	sld [smem:$0x3FFD];
	_ =	sdelay $0x3  }
0x96: {  	_ =	strace s2  }
0x97: {  	_ =	strace $0x8FFFFFFF  }
0x98: {  	s18 =	sld [smem:$0x3FDB];
	_ =	sdelay $0x1  }
0x99: {  	s19 =	simm.s32 $_scs_section_size  }
0x9a: {  	s4 =	simm.s32 $_size__tile_overlayer_lowered;
	s5 =	simm.s32 $_tile_overlayer_lowered  }
0x9b: {  	s22 =	simm.s32 $0x1BFF;
	s21 =	sshll.u32 s5, $0x1;
	s2 =	sadd.s32 s19, s18  }
0x9c: {  	s6 =	simm.s32 $0x0;
	s20 =	sshll.u32 s4, $0x1;
	s4 =	sadd.s32 s21, s2  }
0x9d: {  	[timem:s6], [sflag:s22] =	dma.local [hbm:s4], s20  }
0x9e: {  	_ =	swait.ge [sflag:s22], s20  }
0x9f: {  	s3 =	ssub.s32 $0x0, s20;
	[sflag:s22] =	ssyncset.done $0x0  }
0xa0: {  	[sflag:s22] =	ssyncadd.s32 s3;
	_ =	sdelay $0x1  }
0xa1: {  	s23 =	simm.s32 $0x1B8B  }
0xa2: {  	_ =	swait.ge [sflag:s23], $0x1  }
0xa3: {  	[sflag:s23] =	ssyncset.done $0x0  }
0xa4: {  	s25 =	simm.s32 $0x1B8E;
	s24 =	sld [smem:$0x3FFE];
	[sflag:s23] =	ssyncadd.s32 $0xFFFFFFFF  }
0xa5: {  	s26 =	simm.s32 $execute0_lowered;
	[smem:$0x3FD2] =	sst s25  }
0xa6: {  	s4 =	sshll.u32 s26, $0x1;
	_ =	strace $0x80000049;
	[dreg:$0x1] =	wrdreg $0xFFFFFFFF  }
0xa7: {  	s28 =	simm.s32 $_size_execute0_lowered;
	s2 =	sadd.s32 s2, s4;
	[dreg:$0x0] =	wrdreg $0x0  }
0xa8: {  	s4 =	sshll.u32 s28, $0x1;
	[dreg:$0x2] =	wrdreg s2  }
0xa9: {  	[dreg:$0x3] =	wrdreg s4  }
0xaa: {  	[dreg:$0x4] =	wrdreg $0xC0  }
0xab: {  	_ =	task [dreg:s6], $0x5FFFF  }
0xac: {  	[dreg:$0x1] =	wrdreg $0xFFFFFFFF  }
0xad: {  	[dreg:$0x0] =	wrdreg $0x60  }
0xae: {  	[dreg:$0x2] =	wrdreg s24  }
0xaf: {  	[dreg:$0x3] =	wrdreg $0x9  }
0xb0: {  	_ =	task.clear_ibuf [dreg:s6], $0x4FFFF;
	_ =	strace $0x90000049  }
0xb1: {  	s29 =	simm.s32 $0x9;
	_ =	strace $0x8000004B  }
0xb2: {  	_ =	swait.ge [sflag:s29], $0x1  }
0xb3: {  	[sflag:s29] =	ssyncadd.s32 $0xFFFFFFFF  }
0xb4: {  	_ =	strace $0x9000004B  }
0xb5: {  	_ =	sfence  }
0xb6: {  	s30 =	sld [smem:$0x0];
	_ =	sdelay $0x2  }
0xb7: {  	s31 =	sshll.u32 s1, $0xD;
	s1 =	sshrl.u32 s1, $0x2  }
0xb8: {  	s3 =	sand.u32 $0x4000, s31;
	s1 =	sadd.s32 s1, s30  }
0xb9: {  	s0 =	sor.u32 s3, s0;
	s1 =	sshll.u32 s1, $0x11  }
0xba: {  	s0 =	sor.u32 s1, s0  }
0xbb: {  	s0 =	sadd.s32 $0x8F2B, s0  }
0xbc: {  	[sflag:s0] =	ssyncadd.remote.s32 $0x1  }
0xbd: {  	_ =	sfence.sel $0xFFFF  }
0xbe: {  	[dreg:$0x0] =	wrdreg $0xFFFFFFFF;
	(pc) =	sbr.abs _section_cstart, $3  }
0xbf: {  	[dreg:$0x1] =	wrdreg $0xFFFFFFFF  }
0xc0: {  	_ =	task.clear_ibuf [dreg:s6], $0x2FFFF;
	_ =	strace $0x9FFFFFFF  }
0xc1: {  	(tm) =	ssettm $0x7FFFFFFF  }
tec
execute0_lowered:
.L_overlay_start_1:
0x0: {  	(tag) =	ssettag $0x1  }
0x1: {  	s0 =	rddreg [dreg:$0x0]  }
0x2: {  	s2 =	simm.s32 $0x0;
	s3 =	srdreg.scid;
	s1 =	stileid.u32  }
0x3: {  	s8 =	simm.s32 $0x17B;
	s15 =	simm.s32 $0x100;
	s16 =	simm.s32 $0x1  }
0x4: {  	s17 =	simm.s32 $0x80;
	s18 =	simm.s32 $0x200;
	s19 =	simm.s32 $0x8200  }
0x5: {  	s20 =	simm.s32 $0x180;
	s21 =	simm.s32 $0x6;
	s22 =	simm.s32 $0x5  }
0x6: {  	s23 =	simm.s32 $0x0;
	[smem:$0x7FF] =	sst s2;
	s5 =	sand.u32 $0x1, s3  }
0x7: {  	s4 =	sshll.u32 s1, $0x1;
	s3 =	sadd.s32 $0xF5400, s0;
	s6 =	sadd.s32 $0x93800, s0  }
0x8: {  	s7 =	sadd.s32 $0x27BE00, s0;
	_ =	strace $0x8000004A;
	s13 =	sor.u32 s5, s4  }
0x9: {  	s4 =	sadd.s32 $0xC4600, s0;
	s9 =	ssub.s32 $0x2, s5;
	s5 =	smul.u32 $0xC380, s13  }
0xa: {  	s31 =	sshrl.u32 s9, $0x1;
	p0 =	seq.s32 s13, $0x1F;
	s13 =	smul.u32 $0x61C000, s13  }
0xb: {  	s0 =	ssub.s32 s9, s31;
	s8 =	simm.s32 @!p0 $0x187;
	s10 =	sshrl.u32 s5, $0x3  }
0xc: {  	s14 =	smax.u32 s0, $0x1;
	s12 =	sadd.s32 $0x10, s10;
	s9 =	sadd.s32 s4, s10  }
0xd: {  	s10 =	sadd.s32 s6, s10;
	s11 =	sadd.s32 s4, s12;
	s12 =	sadd.s32 s6, s12  }
.LBB2_1:
0xe: {  	[tilespmem:s2], [sflag:$0x1] =	stream.linear.gather [hbm4b:s9+s2], $0x80, $0x38;
	[tilespmem:$0x18200] =	vst v63  }
0xf: {  	_ = 	snop  }
0x10: {  	[tilespmem:s15], [sflag:$0x1] =	stream.linear.gather [hbm4b:s10+s2], $0x80, $0x38;
	[tilespmem:$0x18200] =	vst v63  }
0x11: {  	_ =	swait.ge [sflag:s16], $0x80  }
0x12: {  	[sflag:s16] =	ssyncset.done $0x0  }
0x13: {  	[sflag:s16] =	ssyncadd.s32 $0xFFFFFF80  }
0x14: {  	_ =	swait.ge [sflag:s16], $0x80  }
0x15: {  	[sflag:s16] =	ssyncset.done $0x0  }
0x16: {  	[sflag:s16] =	ssyncadd.s32 $0xFFFFFF80  }
0x17: {  	[tilespmem:s18], [sflag:$0x3] =	stream.indirect.gather [hbm4b:s3+s17], $0x80, s2, s17, $0xb8;
	[tilespmem:$0x18200] =	vst v63  }
0x18: {  	_ = 	snop  }
0x19: {  	[tilespmem:s19], [sflag:$0x3] =	stream.indirect.gather [hbm4b:s3+s17], $0x80, s15, s17, $0xb8;
	[tilespmem:$0x18200] =	vst v63  }
0x1a: {  	_ = 	snop  }
0x1b: {  	[tilespmem:s17], [sflag:$0x2] =	stream.linear.gather [hbm4b:s11+s2], $0x80, $0x38;
	[tilespmem:$0x18200] =	vst v63  }
0x1c: {  	p0 =	por $0x0, $0x0;
	s25 =	simm.s32 $0x0  }
0x1d: {  	[tilespmem:s20], [sflag:$0x2] =	stream.linear.gather [hbm4b:s12+s2], $0x80, $0x38;
	[tilespmem:$0x18200] =	vst v63  }
.LBB2_2:
0x1e: {  	s24 =	sand.u32 $0x1, s25  }
0x1f: {  	s0 =	sadd.s32 $0x3, s24  }
0x20: {  	s26 =	sadd.s32 $0x2, s25;
	_ =	swait.ge [sflag:s0], $0x4000  }
0x21: {  	p1 =	sge.u32 s26, s8;
	[sflag:s0] =	ssyncset.done $0x0  }
0x22: {  	s26 =	sshll.u32 @!p1 s26, $0x7;
	[sflag:s0] =	ssyncadd.s32 $0xFFFFC000  }
0x23: {  	s29 =	sshll.u32 @!p1 s24, $0x7;
	s26 =	sadd.s32 @!p1 s5, s26;
	_ =	swait.ge [sflag:s0], $0x4000  }
0x24: {  	s30 =	simm.s32 @!p1 $0x0;
	s28 =	sshrl.u32 @!p1 s26, $0x3;
	[sflag:s0] =	ssyncset.done $0x0  }
0x25: {  	s26 =	sadd.s32 @!p1 s4, s28;
	[sflag:s0] =	ssyncadd.s32 $0xFFFFC000;
	s0 =	sadd.s32 @!p1 $0x1, s24  }
0x26: {  	[tilespmem:s29], [sflag:s0] =	stream.linear.gather @!p1 [hbm4b:s26+s30], $0x80, $0x38;
	[tilespmem:$0x18200] =	vst v63  }
0x27: {  	s28 =	sadd.s32 @!p1 s6, s28;
	s26 =	sadd.s32 $0x1, s25;
	s29 =	sor.u32 @!p1 $0x100, s29  }
0x28: {  	[tilespmem:s29], [sflag:s0] =	stream.linear.gather @!p1 [hbm4b:s28+s30], $0x80, $0x38;
	[tilespmem:$0x18200] =	vst v63  }
0x29: {  	s0 =	sand.u32 $0x1, s26;
	p1 =	sge.u32 s26, s8  }
0x2a: {  	s28 =	sadd.s32 @!p1 $0x1, s0  }
0x2b: {  	_ =	swait.ge @!p1 [sflag:s28], $0x80  }
0x2c: {  	[sflag:s28] =	ssyncset.done @!p1 $0x0  }
0x2d: {  	[sflag:s28] =	ssyncadd.s32 @!p1 $0xFFFFFF80  }
0x2e: {  	_ =	swait.ge @!p1 [sflag:s28], $0x80  }
0x2f: {  	[sflag:s28] =	ssyncset.done @!p1 $0x0  }
0x30: {  	s29 =	sshll.u32 @!p1 s0, $0x7;
	[sflag:s28] =	ssyncadd.s32 @!p1 $0xFFFFFF80;
	s28 =	sshll.u32 @!p1 s0, $0xE  }
0x31: {  	s31 =	simm.s32 @!p1 $0x80;
	s0 =	sadd.s32 @!p1 $0x3, s0;
	s30 =	sor.u32 @!p1 $0x200, s28  }
0x32: {  	[tilespmem:s30], [sflag:s0] =	stream.indirect.gather @!p1 [hbm4b:s3+s31], $0x80, s29, s31, $0xb8;
	[tilespmem:$0x18200] =	vst v63  }
0x33: {  	s28 =	sor.u32 @!p1 $0x8200, s28;
	s29 =	sor.u32 @!p1 $0x100, s29  }
0x34: {  	[tilespmem:s28], [sflag:s0] =	stream.indirect.gather @!p1 [hbm4b:s3+s31], $0x80, s29, s31, $0xb8;
	[tilespmem:$0x18200] =	vst v63  }
0x35: {  	p1 =	slt.u32 s25, $0x2  }
0x36: {  	s0 =	simm.s32 $0x1;
	s28 =	sadd.s32 @!p1 $0x5, s24  }
0x37: {  	s0 =	simm.s32 @!p0 $0x0;
	_ =	swait.ge @!p1 [sflag:s28], $0x4000  }
0x38: {  	s0 =	sshll.u32 s0, $0xE;
	[sflag:s28] =	ssyncset.done @!p1 $0x0  }
0x39: {  	s29 =	sor.u32 $0x280, s0;
	[sflag:s28] =	ssyncadd.s32 @!p1 $0xFFFFC000  }
0x3a: {  	s30 =	sor.u32 $0x8280, s0;
	v0 =	vld [tilespmem:s29+$0xFFFFFF80]  }
0x3b: {  	v1 =	vld [tilespmem:s30+$0xFFFFFF80];
	_ =	sdelay $0x4  }
0x3c: {  	v0 =	vadd.f32 v1, v0  }
0x3d: {  	s28 =	sor.u32 $0x10280, s0  }
0x3e: {  	[tilespmem:s28+$0xFFFFFF80] =	vst v0  }
0x3f: {  	v0 =	vld [tilespmem:s30+$0xFFFFFF90]  }
0x40: {  	v1 =	vld [tilespmem:s29+$0xFFFFFF90];
	_ =	sdelay $0x4  }
0x41: {  	v0 =	vadd.f32 v0, v1;
	_ =	sdelay $0x1  }
0x42: {  	[tilespmem:s28+$0xFFFFFF90] =	vst v0  }
0x43: {  	v0 =	vld [tilespmem:s29+$0xFFFFFFA0]  }
0x44: {  	v1 =	vld [tilespmem:s30+$0xFFFFFFA0];
	_ =	sdelay $0x4  }
0x45: {  	v0 =	vadd.f32 v1, v0;
	_ =	sdelay $0x1  }
0x46: {  	[tilespmem:s28+$0xFFFFFFA0] =	vst v0  }
0x47: {  	v0 =	vld [tilespmem:s29+$0xFFFFFFB0]  }
0x48: {  	v1 =	vld [tilespmem:s30+$0xFFFFFFB0];
	_ =	sdelay $0x4  }
0x49: {  	v0 =	vadd.f32 v1, v0;
	_ =	sdelay $0x1  }
0x4a: {  	[tilespmem:s28+$0xFFFFFFB0] =	vst v0  }
0x4b: {  	v0 =	vld [tilespmem:s29+$0x0]  }
0x4c: {  	v1 =	vld [tilespmem:s30+$0x0];
	_ =	sdelay $0x4  }
0x4d: {  	v0 =	vadd.f32 v1, v0;
	_ =	sdelay $0x1  }
0x4e: {  	[tilespmem:s28+$0x0] =	vst v0  }
0x4f: {  	v0 =	vld [tilespmem:s29+$0x10]  }
0x50: {  	v1 =	vld [tilespmem:s30+$0x10];
	_ =	sdelay $0x4  }
0x51: {  	v0 =	vadd.f32 v1, v0;
	_ =	sdelay $0x1  }
0x52: {  	[tilespmem:s28+$0x10] =	vst v0  }
0x53: {  	v0 =	vld [tilespmem:s29+$0x20]  }
0x54: {  	v1 =	vld [tilespmem:s30+$0x20];
	_ =	sdelay $0x4  }
0x55: {  	v0 =	vadd.f32 v1, v0;
	_ =	sdelay $0x1  }
0x56: {  	[tilespmem:s28+$0x20] =	vst v0  }
0x57: {  	s31 =	simm.s32 $0x0;
	s0 =	sadd.s32 $0x100, s28;
	v0 =	vld [tilespmem:s29+$0x30]  }
.LBB2_3:
0x58: {  	s31 =	sadd.s32 $0x2, s31;
	v1 =	vld [tilespmem:s30+$0x30];
	s29 =	sadd.s32 $0x100, s29;
	s30 =	sadd.s32 $0x100, s30  }
0x59: {  	p1 =	slt.u32 s31, $0x7E;
	_ =	sdelay $0x3  }
0x5a: {  	v0 =	vadd.f32 v1, v0;
	_ =	sdelay $0x1  }
0x5b: {  	[tilespmem:s28+$0x30] =	vst v0;
	s28 =	smov.u32 s0  }
0x5c: {  	v0 =	vld [tilespmem:s29+$0xFFFFFF80]  }
0x5d: {  	v1 =	vld [tilespmem:s30+$0xFFFFFF80];
	_ =	sdelay $0x4  }
0x5e: {  	v0 =	vadd.f32 v1, v0;
	_ =	sdelay $0x1  }
0x5f: {  	[tilespmem:s0+$0xFFFFFF80] =	vst v0  }
0x60: {  	v0 =	vld [tilespmem:s30+$0xFFFFFF90]  }
0x61: {  	v1 =	vld [tilespmem:s29+$0xFFFFFF90];
	_ =	sdelay $0x4  }
0x62: {  	v0 =	vadd.f32 v0, v1;
	_ =	sdelay $0x1  }
0x63: {  	[tilespmem:s0+$0xFFFFFF90] =	vst v0  }
0x64: {  	v0 =	vld [tilespmem:s29+$0xFFFFFFA0]  }
0x65: {  	v1 =	vld [tilespmem:s30+$0xFFFFFFA0];
	_ =	sdelay $0x4  }
0x66: {  	v0 =	vadd.f32 v1, v0;
	_ =	sdelay $0x1  }
0x67: {  	[tilespmem:s0+$0xFFFFFFA0] =	vst v0  }
0x68: {  	v0 =	vld [tilespmem:s29+$0xFFFFFFB0]  }
0x69: {  	v1 =	vld [tilespmem:s30+$0xFFFFFFB0];
	_ =	sdelay $0x4  }
0x6a: {  	v0 =	vadd.f32 v1, v0;
	_ =	sdelay $0x1  }
0x6b: {  	[tilespmem:s0+$0xFFFFFFB0] =	vst v0  }
0x6c: {  	v0 =	vld [tilespmem:s29+$0x0]  }
0x6d: {  	v1 =	vld [tilespmem:s30+$0x0];
	_ =	sdelay $0x4  }
0x6e: {  	v0 =	vadd.f32 v1, v0;
	_ =	sdelay $0x1  }
0x6f: {  	[tilespmem:s0+$0x0] =	vst v0  }
0x70: {  	v0 =	vld [tilespmem:s29+$0x10]  }
0x71: {  	v1 =	vld [tilespmem:s30+$0x10];
	_ =	sdelay $0x4  }
0x72: {  	v0 =	vadd.f32 v1, v0;
	_ =	sdelay $0x1  }
0x73: {  	[tilespmem:s0+$0x10] =	vst v0  }
0x74: {  	v0 =	vld [tilespmem:s29+$0x20]  }
0x75: {  	v1 =	vld [tilespmem:s30+$0x20];
	_ =	sdelay $0x3  }
.Ltmp0:
0x76: {  	(pc) =	sbr.rel @p1 .LBB2_3-.Ltmp0, $3  }
0x77: {  	v0 =	vadd.f32 v1, v0;
	_ =	sdelay $0x1  }
0x78: {  	[tilespmem:s0+$0x20] =	vst v0  }
0x79: {  	s0 =	sadd.s32 $0x100, s0;
	v0 =	vld [tilespmem:s29+$0x30]  }
0x7a: {  	v1 =	vld [tilespmem:s30+$0x30];
	_ =	sdelay $0x3  }
0x7b: {  	s0 =	sshll.u32 s25, $0xE;
	p1 =	sne.s32 s26, s8  }
.Ltmp1:
0x7c: {  	s0 =	sadd.s32 s13, s0;
	v0 =	vadd.f32 v1, v0;
	(pc) =	sbr.rel @p1 .LBB2_2-.Ltmp1, $4  }
0x7d: {  	s30 =	sshll.u32 s24, $0xE;
	s0 =	sshrl.u32 s0, $0x3  }
0x7e: {  	s31 =	sadd.s32 $0x5, s24;
	s25 =	sor.u32 $0x10200, s30;
	s0 =	sadd.s32 s7, s0;
	[tilespmem:s28+$0x30] =	vst v0  }
0x7f: {  	[hbm4b:s0+s2] =	stream.linear.scatter [tilespmem:s25], [sflag:s31], $0x4000, $0x38;
	[tilespmem:$0x18200] =	vst v63  }
0x80: {  	p0 =	por !p0, !p0;
	s25 =	smov.u32 s26  }
0x81: {  	s23 =	sadd.s32 $0x1, s23  }
0x82: {  	_ =	swait.ge [sflag:s21], $0x4000;
	p0 =	sne.s32 s23, s14  }
.Ltmp2:
0x83: {  	[sflag:s21] =	ssyncset.done $0x0;
	(pc) =	sbr.rel @p0 .LBB2_1-.Ltmp2, $4  }
0x84: {  	[sflag:s21] =	ssyncadd.s32 $0xFFFFC000  }
0x85: {  	_ =	swait.ge [sflag:s22], $0x4000  }
0x86: {  	[sflag:s22] =	ssyncset.done $0x0  }
0x87: {  	[sflag:s22] =	ssyncadd.s32 $0xFFFFC000  }
0x88: {  	_ =	sfence.sel $0x180000  }
0x89: {  	[bflag:$0x0] =	sbarrier.arrive $0xFFFF  }
0x8a: {  	_ =	strace $0x9000004A  }
0x8b: {  	[bflag:$0x2] =	sbarrier.arrive $0xFFFF  }
0x8c: {  	p0 =	sne.s32 s1, $0x0;
	s0 =	rddreg [dreg:$0x1]  }
0x8d: {  	s0 =	sadd.s32 @!p0 $0x100000, s0  }
0x8e: {  	[sflag:s0] =	ssyncadd.tile.s32 @!p0 $0x1;
	_ =	shalt  }
.Lfunc_end2:
_tile_overlayer_lowered:
.L_overlay_start_2:
0x8f: {  	(tag) =	ssettag $0x2  }
0x90: {  	s0 =	rddreg [dreg:$0x0];
	s2 =	stileid.u32  }
0x91: {  	s1 =	rddreg [dreg:$0x1];
	p0 =	sne.s32 s2, $0x0  }
0x92: {  	s3 =	rddreg [dreg:$0x2];
	[bflag:$0x3] =	sbarrier.arrive $0xFFFF;
	s2 =	simm.s32 @!p0 $0x1C07  }
0x93: {  	[timem:s3], [sflag:s2] =	dma.local @!p0 [hbm:s0], s1  }
0x94: {  	s0 =	simm.s32 @!p0 $0x7  }
0x95: {  	_ =	swait.ge @!p0 [sflag:s0], s1  }
0x96: {  	s1 =	ssub.s32 @!p0 $0x0, s1;
	[sflag:s0] =	ssyncset.done @!p0 $0x0  }
0x97: {  	[sflag:s0] =	ssyncadd.s32 @!p0 s1  }
0x98: {  	[bflag:$0x3] =	sbarrier.arrive $0xFFFF  }
0x99: {  	_ =	shalt  }

</sc_bundles>
